<compile_context>
chip_gen: v7x
topology: tpu7x:2x2x1
jax: 0.10.2.dev20260603
libtpu: 0.0.44.dev20260713+nightly
codegen_flags: <defaults>
</compile_context>

<pallas_src>
import functools

import jax
import jax.numpy as jnp
from jax import lax
from jax.experimental import pallas as pl
from jax.experimental.pallas import tpu as pltpu
from jax.experimental.pallas import tpu_sc as plsc

D = 32
NC = 2
NS = 16
NW = NC * NS
CHUNK = 128


def _sc_gathern(B, plan_ids):
    b_per_w = B // NW
    n_chunks = b_per_w // CHUNK
    n_out = len(plan_ids)
    mesh = plsc.VectorSubcoreMesh(core_axis_name="c", subcore_axis_name="s")
    out_type = [jax.ShapeDtypeStruct((B, D), jnp.float32)] * n_out
    scratch_types = [
        pltpu.VMEM((n_chunks, CHUNK), jnp.int32),
        pltpu.VMEM((n_chunks, CHUNK), jnp.int32),
        pltpu.VMEM((n_chunks, CHUNK), jnp.int32),
        pltpu.VMEM((b_per_w, D), jnp.float32),
        pltpu.VMEM((b_per_w, D), jnp.float32),
        pltpu.SemaphoreType.DMA,
        pltpu.SemaphoreType.DMA,
    ]

    @functools.partial(pl.kernel, mesh=mesh, out_type=out_type,
                       scratch_types=scratch_types,
                       compiler_params=pltpu.CompilerParams(
                           use_tc_tiling_on_sc=False))
    def k(*refs):
        tbls = refs[0:3]
        ih = refs[3:6]
        outs = refs[6:6 + n_out]
        iv = refs[6 + n_out:9 + n_out]
        buf0, buf1, sem0, sem1 = refs[9 + n_out:13 + n_out]
        wid = lax.axis_index("s") * NC + lax.axis_index("c")
        base = wid * b_per_w
        for h, v in zip(ih, iv):
            pltpu.sync_copy(h.at[wid], v)

        plan = [(tbls[ti], iv[ii]) for ti, ii in plan_ids]
        bufs = (buf0, buf1)
        sems = (sem0, sem1)

        def fire(g):
            tbl, idx = plan[g]
            buf, sem = bufs[g % 2], sems[g % 2]
            return [pltpu.async_copy(tbl.at[idx.at[c]],
                                     buf.at[pl.ds(c * CHUNK, CHUNK)], sem)
                    for c in range(n_chunks)]

        pending = fire(0)
        for g in range(n_out):
            for h in pending:
                h.wait()
            if g < n_out - 1:
                nxt = fire(g + 1)
            pltpu.sync_copy(bufs[g % 2], outs[g].at[pl.ds(base, b_per_w)])
            if g < n_out - 1:
                pending = nxt

    return k


def _tc_combine(nb):

    def body(au, tu, ai, ti, waau, watu, wbau, wbtu, ar, tr,
             w1a, b1a, w2a, b2a, w1t, b1t, w2t, b2t,
             w1i, b1i, w2i, b2i, w1j, b1j, w2j, b2j, la, lt):
        x_au = waau[...] * au[...] + (1.0 - watu[...]) * tu[...]
        x_tu = wbau[...] * au[...] + (1.0 - wbtu[...]) * tu[...]

        def mlp(x, w1, b1, w2, b2):
            h = jnp.maximum(
                jnp.dot(x, w1[...], preferred_element_type=jnp.float32)
                + b1[...], 0.0)
            return jnp.maximum(
                jnp.dot(h, w2[...], preferred_element_type=jnp.float32)
                + b2[...], 0.0)

        f_au = mlp(x_au, w1a, b1a, w2a, b2a)
        f_tu = mlp(x_tu, w1t, b1t, w2t, b2t)
        f_ai = mlp(ai[...], w1i, b1i, w2i, b2i)
        f_ti = mlp(ti[...], w1j, b1j, w2j, b2j)

        a_dot = jnp.sum(f_au * f_ai, axis=1, keepdims=True)
        t_dot = jnp.sum(f_tu * f_ti, axis=1, keepdims=True)
        a_s = jnp.maximum(a_dot, jnp.float32(1e-06))
        t_s = jnp.maximum(t_dot, jnp.float32(1e-06))
        pa = jnp.sum((a_s - ar[...]) ** 2)
        pt = jnp.sum((t_s - tr[...]) ** 2)

        i = pl.program_id(0)

        @pl.when(i == 0)
        def _():
            la[0, 0] = jnp.float32(0.0)
            lt[0, 0] = jnp.float32(0.0)

        la[0, 0] += pa
        lt[0, 0] += pt

    return body


def kernel(ausers, aitems, aratings, tusers, titems, tratings, params):
    B = ausers.shape[0]
    assert B % (NW * CHUNK) == 0
    n_chunks = (B // NW) // CHUNK

    au3, tu3, ai3, ti3 = (a.astype(jnp.int32).reshape(NW, n_chunks, CHUNK)
                          for a in (ausers, tusers, aitems, titems))

    a_u, wa_au, wa_tu, wb_au, wb_tu = _sc_gathern(
        B, ((0, 0), (1, 0), (1, 1), (2, 0), (2, 1)))(
        params["a_emb_user"], params["W_a"], params["W_b"],
        au3, tu3, tu3)
    t_u, a_i, t_i = _sc_gathern(
        B, ((0, 0), (1, 1), (2, 2)))(
        params["t_emb_user"], params["a_emb_item"], params["t_emb_item"],
        tu3, ai3, ti3)

    NB = 8
    R = B // NB
    row = pl.BlockSpec((R, D), lambda i: (i, 0))
    col = pl.BlockSpec((R, 1), lambda i: (i, 0))

    def full(shape):
        return pl.BlockSpec(shape, lambda i: tuple(0 for _ in shape))

    mlps = (params["mlp_a_users"], params["mlp_t_users"],
            params["mlp_a_items"], params["mlp_t_items"])
    wargs, wspecs = [], []
    for p in mlps:
        for nm, arr in (("W1", p["W1"]), ("b1", p["b1"].reshape(1, -1)),
                        ("W2", p["W2"]), ("b2", p["b2"].reshape(1, -1))):
            wargs.append(arr)
            wspecs.append(full(arr.shape))

    ar2 = aratings.astype(jnp.float32).reshape(B, 1)
    tr2 = tratings.astype(jnp.float32).reshape(B, 1)

    la, lt = pl.pallas_call(
        _tc_combine(NB),
        grid=(NB,),
        in_specs=[row] * 8 + [col, col] + wspecs,
        out_specs=(pl.BlockSpec((1, 1), lambda i: (0, 0),
                                memory_space=pltpu.SMEM),) * 2,
        out_shape=(jax.ShapeDtypeStruct((1, 1), jnp.float32),) * 2,
    )(a_u, t_u, a_i, t_i, wa_au, wa_tu, wb_au, wb_tu, ar2, tr2, *wargs)

    inv_b = jnp.float32(1.0 / B)
    return (la[0, 0] * inv_b, lt[0, 0] * inv_b)

# --- scband reference (transcript-rebuilt; emitter-appended) ---
"""Pipeline reference for scband-ga-dtcdr-11261404250221 (READ-ONLY COPY).

The authoritative reference and input builder live on the scoring server;
editing this copy changes nothing except your own understanding.
"""

import jax, jax.numpy as jnp
import numpy as np

N_USERS = 100000
N_AITEMS = 100000
N_TITEMS = 100000
D = 32
B = 16384


def _mlp_params(key, d):
    k1, k2 = jax.random.split(key)
    # torch kaiming_normal_ on Linear weights; store as [in, out] for x @ W
    return {
        "W1": jax.random.normal(k1, (d, 2 * d), dtype=jnp.float32) * np.sqrt(2.0 / d),
        "b1": jnp.zeros((2 * d,), dtype=jnp.float32),
        "W2": jax.random.normal(k2, (2 * d, d), dtype=jnp.float32) * np.sqrt(2.0 / (2 * d)),
        "b2": jnp.zeros((d,), dtype=jnp.float32),
    }


def _mlp(x, p):
    x = jax.nn.relu(x @ p["W1"] + p["b1"])
    x = jax.nn.relu(x @ p["W2"] + p["b2"])
    return x


def setup_inputs(seed: int = 0):
    key = jax.random.key(seed)
    ks = jax.random.split(key, 16)
    ausers = jax.random.randint(ks[0], (B,), 0, N_USERS)
    aitems = jax.random.randint(ks[1], (B,), 0, N_AITEMS)
    aratings = jax.random.randint(ks[2], (B,), 0, 5)
    tusers = jax.random.randint(ks[3], (B,), 0, N_USERS)
    titems = jax.random.randint(ks[4], (B,), 0, N_TITEMS)
    tratings = jax.random.randint(ks[5], (B,), 0, 5)
    params = {
        "a_emb_user": jax.random.normal(ks[6], (N_USERS, D), dtype=jnp.float32) * 0.01,
        "t_emb_user": jax.random.normal(ks[7], (N_USERS, D), dtype=jnp.float32) * 0.01,
        "a_emb_item": jax.random.normal(ks[8], (N_AITEMS, D), dtype=jnp.float32) * 0.01,
        "t_emb_item": jax.random.normal(ks[9], (N_TITEMS, D), dtype=jnp.float32) * 0.01,
        "W_a": jax.random.normal(ks[10], (N_USERS, D), dtype=jnp.float32) * 0.01,
        "W_b": jax.random.normal(ks[11], (N_USERS, D), dtype=jnp.float32) * 0.01,
        "mlp_a_users": _mlp_params(ks[12], D),
        "mlp_t_users": _mlp_params(ks[13], D),
        "mlp_a_items": _mlp_params(ks[14], D),
        "mlp_t_items": _mlp_params(ks[15], D),
    }
    return {
        "ausers": ausers,
        "aitems": aitems,
        "aratings": aratings,
        "tusers": tusers,
        "titems": titems,
        "tratings": tratings,
        "params": params,
    }


def reference(ausers, aitems, aratings, tusers, titems, tratings, params):
    a_user_embed = jnp.take(params["a_emb_user"], ausers, axis=0)
    t_user_embed = jnp.take(params["t_emb_user"], tusers, axis=0)
    a_item_embed = jnp.take(params["a_emb_item"], aitems, axis=0)
    t_item_embed = jnp.take(params["t_emb_item"], titems, axis=0)
    Wa_au = jnp.take(params["W_a"], ausers, axis=0)
    Wa_tu = jnp.take(params["W_a"], tusers, axis=0)
    Wb_au = jnp.take(params["W_b"], ausers, axis=0)
    Wb_tu = jnp.take(params["W_b"], tusers, axis=0)
    final_au_embed = Wa_au * a_user_embed + (1.0 - Wa_tu) * t_user_embed
    final_tu_embed = Wb_au * a_user_embed + (1.0 - Wb_tu) * t_user_embed
    final_au_embed = _mlp(final_au_embed, params["mlp_a_users"])
    final_tu_embed = _mlp(final_tu_embed, params["mlp_t_users"])
    final_ai_embed = _mlp(a_item_embed, params["mlp_a_items"])
    final_ti_embed = _mlp(t_item_embed, params["mlp_t_items"])
    a_scores = jnp.sum(final_au_embed * final_ai_embed, axis=1)
    t_scores = jnp.sum(final_tu_embed * final_ti_embed, axis=1)
    a_scores = jnp.maximum(jnp.float32(1e-06), a_scores)
    t_scores = jnp.maximum(jnp.float32(1e-06), t_scores)
    loss_a = jnp.mean((a_scores - aratings.astype(jnp.float32)) ** 2)
    loss_t = jnp.mean((t_scores - tratings.astype(jnp.float32)) ** 2)
    return (loss_a, loss_t)

if __name__ == "__main__":
    import jax
    _d = setup_inputs()
    print(jax.jit(kernel)(*tuple(_d.values())))

</pallas_src>

<mosaic_0001>
#map = affine_map<(d0, d1) -> (0, 0)>
#map1 = affine_map<(d0, d1) -> (0, 0, 0)>
module attributes {stable_mosaic.version = 14 : i64} {
  func.func @k(%arg0: i32, %arg1: i32, %arg2: memref<100000x32xf32, #tpu.memory_space<hbm>>, %arg3: memref<100000x32xf32, #tpu.memory_space<hbm>>, %arg4: memref<100000x32xf32, #tpu.memory_space<hbm>>, %arg5: memref<32x4x128xi32, #tpu.memory_space<hbm>>, %arg6: memref<32x4x128xi32, #tpu.memory_space<hbm>>, %arg7: memref<32x4x128xi32, #tpu.memory_space<hbm>>, %arg8: memref<16384x32xf32, #tpu.memory_space<hbm>>, %arg9: memref<16384x32xf32, #tpu.memory_space<hbm>>, %arg10: memref<16384x32xf32, #tpu.memory_space<hbm>>, %arg11: memref<4x128xi32, #tpu.memory_space<vmem>>, %arg12: memref<4x128xi32, #tpu.memory_space<vmem>>, %arg13: memref<4x128xi32, #tpu.memory_space<vmem>>, %arg14: memref<512x32xf32, #tpu.memory_space<vmem>>, %arg15: memref<512x32xf32, #tpu.memory_space<vmem>>, %arg16: memref<!tpu.dma_semaphore, #tpu.memory_space<semaphore_mem>>, %arg17: memref<!tpu.dma_semaphore, #tpu.memory_space<semaphore_mem>>) attributes {dimension_semantics = [#tpu.dimension_semantics<core_parallel>, #tpu.dimension_semantics<subcore_parallel>], iteration_bounds = array<i64: 2, 16>, scalar_prefetch = 0 : i64, scratch_operands = 7 : i64, tpu.core_type = #tpu.core_type<sc_vector_subcore>, window_params = [{transform_indices = #map}, {transform_indices = #map}, {transform_indices = #map}, {transform_indices = #map1}, {transform_indices = #map1}, {transform_indices = #map1}, {transform_indices = #map}, {transform_indices = #map}, {transform_indices = #map}]} {
    %mul3A = arith.constant 2 : i32
    %mul3A_0 = arith.muli %arg1, %mul3A : i32
    %add3A = arith.addi %mul3A_0, %arg0 : i32
    %mul3A_1 = arith.constant 512 : i32
    %mul3A_2 = arith.muli %add3A, %mul3A_1 : i32
    "tpu.region"() ({
      %run_scoped3A = tpu.sem_alloc : memref<!tpu.dma_semaphore, #tpu.memory_space<semaphore_mem>>
      %dma_start3A_241 = arith.constant 0 : i32
      %dma_start3A_242 = arith.constant 0 : i32
      %dma_start3A_243 = tpu.memref_slice %arg5[%add3A, %dma_start3A_241, %dma_start3A_242] : memref<32x4x128xi32, #tpu.memory_space<hbm>> -> memref<1x4x128xi32, #tpu.memory_space<hbm>>
      %dma_start3A_244 = tpu.memref_squeeze %dma_start3A_243 : memref<1x4x128xi32, #tpu.memory_space<hbm>> -> memref<4x128xi32, #tpu.memory_space<hbm>>
      %dma_start3A_245 = arith.constant 0 : i32
      %dma_start3A_246 = arith.constant 0 : i32
      %dma_start3A_247 = tpu.memref_slice %arg5[%add3A, %dma_start3A_245, %dma_start3A_246] : memref<32x4x128xi32, #tpu.memory_space<hbm>> -> memref<1x4x128xi32, #tpu.memory_space<hbm>>
      %dma_start3A_248 = tpu.memref_squeeze %dma_start3A_247 : memref<1x4x128xi32, #tpu.memory_space<hbm>> -> memref<4x128xi32, #tpu.memory_space<hbm>>
      tpu.enqueue_dma source(%dma_start3A_248 : memref<4x128xi32, #tpu.memory_space<hbm>>) target(%arg11 : memref<4x128xi32, #tpu.memory_space<vmem>>) target_semaphore(%run_scoped3A : memref<!tpu.dma_semaphore, #tpu.memory_space<semaphore_mem>>)
      %dma_wait3A_249 = arith.constant 0 : i32
      %dma_wait3A_250 = arith.constant 0 : i32
      %dma_wait3A_251 = tpu.memref_slice %arg5[%add3A, %dma_wait3A_249, %dma_wait3A_250] : memref<32x4x128xi32, #tpu.memory_space<hbm>> -> memref<1x4x128xi32, #tpu.memory_space<hbm>>
      %dma_wait3A_252 = tpu.memref_squeeze %dma_wait3A_251 : memref<1x4x128xi32, #tpu.memory_space<hbm>> -> memref<4x128xi32, #tpu.memory_space<hbm>>
      %dma_wait3A_253 = arith.constant 0 : i32
      %dma_wait3A_254 = arith.constant 0 : i32
      %dma_wait3A_255 = tpu.memref_slice %arg5[%add3A, %dma_wait3A_253, %dma_wait3A_254] : memref<32x4x128xi32, #tpu.memory_space<hbm>> -> memref<1x4x128xi32, #tpu.memory_space<hbm>>
      %dma_wait3A_256 = tpu.memref_squeeze %dma_wait3A_255 : memref<1x4x128xi32, #tpu.memory_space<hbm>> -> memref<4x128xi32, #tpu.memory_space<hbm>>
      tpu.wait_dma2 semaphore(%run_scoped3A : memref<!tpu.dma_semaphore, #tpu.memory_space<semaphore_mem>>) src(%dma_wait3A_256 : memref<4x128xi32, #tpu.memory_space<hbm>>) dst(%arg11 : memref<4x128xi32, #tpu.memory_space<vmem>>)
      tpu.yield
    }) : () -> ()
    "tpu.region"() ({
      %run_scoped3A = tpu.sem_alloc : memref<!tpu.dma_semaphore, #tpu.memory_space<semaphore_mem>>
      %dma_start3A_241 = arith.constant 0 : i32
      %dma_start3A_242 = arith.constant 0 : i32
      %dma_start3A_243 = tpu.memref_slice %arg6[%add3A, %dma_start3A_241, %dma_start3A_242] : memref<32x4x128xi32, #tpu.memory_space<hbm>> -> memref<1x4x128xi32, #tpu.memory_space<hbm>>
      %dma_start3A_244 = tpu.memref_squeeze %dma_start3A_243 : memref<1x4x128xi32, #tpu.memory_space<hbm>> -> memref<4x128xi32, #tpu.memory_space<hbm>>
      %dma_start3A_245 = arith.constant 0 : i32
      %dma_start3A_246 = arith.constant 0 : i32
      %dma_start3A_247 = tpu.memref_slice %arg6[%add3A, %dma_start3A_245, %dma_start3A_246] : memref<32x4x128xi32, #tpu.memory_space<hbm>> -> memref<1x4x128xi32, #tpu.memory_space<hbm>>
      %dma_start3A_248 = tpu.memref_squeeze %dma_start3A_247 : memref<1x4x128xi32, #tpu.memory_space<hbm>> -> memref<4x128xi32, #tpu.memory_space<hbm>>
      tpu.enqueue_dma source(%dma_start3A_248 : memref<4x128xi32, #tpu.memory_space<hbm>>) target(%arg12 : memref<4x128xi32, #tpu.memory_space<vmem>>) target_semaphore(%run_scoped3A : memref<!tpu.dma_semaphore, #tpu.memory_space<semaphore_mem>>)
      %dma_wait3A_249 = arith.constant 0 : i32
      %dma_wait3A_250 = arith.constant 0 : i32
      %dma_wait3A_251 = tpu.memref_slice %arg6[%add3A, %dma_wait3A_249, %dma_wait3A_250] : memref<32x4x128xi32, #tpu.memory_space<hbm>> -> memref<1x4x128xi32, #tpu.memory_space<hbm>>
      %dma_wait3A_252 = tpu.memref_squeeze %dma_wait3A_251 : memref<1x4x128xi32, #tpu.memory_space<hbm>> -> memref<4x128xi32, #tpu.memory_space<hbm>>
      %dma_wait3A_253 = arith.constant 0 : i32
      %dma_wait3A_254 = arith.constant 0 : i32
      %dma_wait3A_255 = tpu.memref_slice %arg6[%add3A, %dma_wait3A_253, %dma_wait3A_254] : memref<32x4x128xi32, #tpu.memory_space<hbm>> -> memref<1x4x128xi32, #tpu.memory_space<hbm>>
      %dma_wait3A_256 = tpu.memref_squeeze %dma_wait3A_255 : memref<1x4x128xi32, #tpu.memory_space<hbm>> -> memref<4x128xi32, #tpu.memory_space<hbm>>
      tpu.wait_dma2 semaphore(%run_scoped3A : memref<!tpu.dma_semaphore, #tpu.memory_space<semaphore_mem>>) src(%dma_wait3A_256 : memref<4x128xi32, #tpu.memory_space<hbm>>) dst(%arg12 : memref<4x128xi32, #tpu.memory_space<vmem>>)
      tpu.yield
    }) : () -> ()
    "tpu.region"() ({
      %run_scoped3A = tpu.sem_alloc : memref<!tpu.dma_semaphore, #tpu.memory_space<semaphore_mem>>
      %dma_start3A_241 = arith.constant 0 : i32
      %dma_start3A_242 = arith.constant 0 : i32
      %dma_start3A_243 = tpu.memref_slice %arg7[%add3A, %dma_start3A_241, %dma_start3A_242] : memref<32x4x128xi32, #tpu.memory_space<hbm>> -> memref<1x4x128xi32, #tpu.memory_space<hbm>>
      %dma_start3A_244 = tpu.memref_squeeze %dma_start3A_243 : memref<1x4x128xi32, #tpu.memory_space<hbm>> -> memref<4x128xi32, #tpu.memory_space<hbm>>
      %dma_start3A_245 = arith.constant 0 : i32
      %dma_start3A_246 = arith.constant 0 : i32
      %dma_start3A_247 = tpu.memref_slice %arg7[%add3A, %dma_start3A_245, %dma_start3A_246] : memref<32x4x128xi32, #tpu.memory_space<hbm>> -> memref<1x4x128xi32, #tpu.memory_space<hbm>>
      %dma_start3A_248 = tpu.memref_squeeze %dma_start3A_247 : memref<1x4x128xi32, #tpu.memory_space<hbm>> -> memref<4x128xi32, #tpu.memory_space<hbm>>
      tpu.enqueue_dma source(%dma_start3A_248 : memref<4x128xi32, #tpu.memory_space<hbm>>) target(%arg13 : memref<4x128xi32, #tpu.memory_space<vmem>>) target_semaphore(%run_scoped3A : memref<!tpu.dma_semaphore, #tpu.memory_space<semaphore_mem>>)
      %dma_wait3A_249 = arith.constant 0 : i32
      %dma_wait3A_250 = arith.constant 0 : i32
      %dma_wait3A_251 = tpu.memref_slice %arg7[%add3A, %dma_wait3A_249, %dma_wait3A_250] : memref<32x4x128xi32, #tpu.memory_space<hbm>> -> memref<1x4x128xi32, #tpu.memory_space<hbm>>
      %dma_wait3A_252 = tpu.memref_squeeze %dma_wait3A_251 : memref<1x4x128xi32, #tpu.memory_space<hbm>> -> memref<4x128xi32, #tpu.memory_space<hbm>>
      %dma_wait3A_253 = arith.constant 0 : i32
      %dma_wait3A_254 = arith.constant 0 : i32
      %dma_wait3A_255 = tpu.memref_slice %arg7[%add3A, %dma_wait3A_253, %dma_wait3A_254] : memref<32x4x128xi32, #tpu.memory_space<hbm>> -> memref<1x4x128xi32, #tpu.memory_space<hbm>>
      %dma_wait3A_256 = tpu.memref_squeeze %dma_wait3A_255 : memref<1x4x128xi32, #tpu.memory_space<hbm>> -> memref<4x128xi32, #tpu.memory_space<hbm>>
      tpu.wait_dma2 semaphore(%run_scoped3A : memref<!tpu.dma_semaphore, #tpu.memory_space<semaphore_mem>>) src(%dma_wait3A_256 : memref<4x128xi32, #tpu.memory_space<hbm>>) dst(%arg13 : memref<4x128xi32, #tpu.memory_space<vmem>>)
      tpu.yield
    }) : () -> ()
    %dma_start3A = arith.constant 0 : i32
    %dma_start3A_3 = arith.constant 0 : i32
    %dma_start3A_4 = arith.constant 0 : i32
    %dma_start3A_5 = tpu.memref_slice %arg14[%dma_start3A_3, %dma_start3A_4] : memref<512x32xf32, #tpu.memory_space<vmem>> -> memref<128x32xf32, #tpu.memory_space<vmem>>
    %dma_start3A_6 = arith.constant 0 : i32
    %dma_start3A_7 = tpu.memref_slice %arg11[%dma_start3A, %dma_start3A_6] : memref<4x128xi32, #tpu.memory_space<vmem>> -> memref<1x128xi32, #tpu.memory_space<vmem>>
    %dma_start3A_8 = tpu.memref_squeeze %dma_start3A_7 : memref<1x128xi32, #tpu.memory_space<vmem>> -> memref<128xi32, #tpu.memory_space<vmem>>
    %dma_start3A_9 = arith.constant 0 : i32
    %dma_start3A_10 = arith.constant 0 : i32
    %dma_start3A_11 = tpu.memref_slice %arg2[%dma_start3A_9, %dma_start3A_10] : memref<100000x32xf32, #tpu.memory_space<hbm>> -> memref<100000x32xf32, #tpu.memory_space<hbm>>
    tpu.enqueue_indirect_dma source(%dma_start3A_11 : memref<100000x32xf32, #tpu.memory_space<hbm>>) target(%dma_start3A_5 : memref<128x32xf32, #tpu.memory_space<vmem>>) offsets(%dma_start3A_8 : memref<128xi32, #tpu.memory_space<vmem>>) semaphore(%arg16 : memref<!tpu.dma_semaphore, #tpu.memory_space<semaphore_mem>>)
    %dma_start3A_12 = arith.constant 1 : i32
    %dma_start3A_13 = arith.constant 128 : i32
    %dma_start3A_14 = arith.constant 0 : i32
    %dma_start3A_15 = tpu.memref_slice %arg14[%dma_start3A_13, %dma_start3A_14] : memref<512x32xf32, #tpu.memory_space<vmem>> -> memref<128x32xf32, #tpu.memory_space<vmem>>
    %dma_start3A_16 = arith.constant 0 : i32
    %dma_start3A_17 = tpu.memref_slice %arg11[%dma_start3A_12, %dma_start3A_16] : memref<4x128xi32, #tpu.memory_space<vmem>> -> memref<1x128xi32, #tpu.memory_space<vmem>>
    %dma_start3A_18 = tpu.memref_squeeze %dma_start3A_17 : memref<1x128xi32, #tpu.memory_space<vmem>> -> memref<128xi32, #tpu.memory_space<vmem>>
    %dma_start3A_19 = arith.constant 0 : i32
    %dma_start3A_20 = arith.constant 0 : i32
    %dma_start3A_21 = tpu.memref_slice %arg2[%dma_start3A_19, %dma_start3A_20] : memref<100000x32xf32, #tpu.memory_space<hbm>> -> memref<100000x32xf32, #tpu.memory_space<hbm>>
    tpu.enqueue_indirect_dma source(%dma_start3A_21 : memref<100000x32xf32, #tpu.memory_space<hbm>>) target(%dma_start3A_15 : memref<128x32xf32, #tpu.memory_space<vmem>>) offsets(%dma_start3A_18 : memref<128xi32, #tpu.memory_space<vmem>>) semaphore(%arg16 : memref<!tpu.dma_semaphore, #tpu.memory_space<semaphore_mem>>)
    %dma_start3A_22 = arith.constant 2 : i32
    %dma_start3A_23 = arith.constant 256 : i32
    %dma_start3A_24 = arith.constant 0 : i32
    %dma_start3A_25 = tpu.memref_slice %arg14[%dma_start3A_23, %dma_start3A_24] : memref<512x32xf32, #tpu.memory_space<vmem>> -> memref<128x32xf32, #tpu.memory_space<vmem>>
    %dma_start3A_26 = arith.constant 0 : i32
    %dma_start3A_27 = tpu.memref_slice %arg11[%dma_start3A_22, %dma_start3A_26] : memref<4x128xi32, #tpu.memory_space<vmem>> -> memref<1x128xi32, #tpu.memory_space<vmem>>
    %dma_start3A_28 = tpu.memref_squeeze %dma_start3A_27 : memref<1x128xi32, #tpu.memory_space<vmem>> -> memref<128xi32, #tpu.memory_space<vmem>>
    %dma_start3A_29 = arith.constant 0 : i32
    %dma_start3A_30 = arith.constant 0 : i32
    %dma_start3A_31 = tpu.memref_slice %arg2[%dma_start3A_29, %dma_start3A_30] : memref<100000x32xf32, #tpu.memory_space<hbm>> -> memref<100000x32xf32, #tpu.memory_space<hbm>>
    tpu.enqueue_indirect_dma source(%dma_start3A_31 : memref<100000x32xf32, #tpu.memory_space<hbm>>) target(%dma_start3A_25 : memref<128x32xf32, #tpu.memory_space<vmem>>) offsets(%dma_start3A_28 : memref<128xi32, #tpu.memory_space<vmem>>) semaphore(%arg16 : memref<!tpu.dma_semaphore, #tpu.memory_space<semaphore_mem>>)
    %dma_start3A_32 = arith.constant 3 : i32
    %dma_start3A_33 = arith.constant 384 : i32
    %dma_start3A_34 = arith.constant 0 : i32
    %dma_start3A_35 = tpu.memref_slice %arg14[%dma_start3A_33, %dma_start3A_34] : memref<512x32xf32, #tpu.memory_space<vmem>> -> memref<128x32xf32, #tpu.memory_space<vmem>>
    %dma_start3A_36 = arith.constant 0 : i32
    %dma_start3A_37 = tpu.memref_slice %arg11[%dma_start3A_32, %dma_start3A_36] : memref<4x128xi32, #tpu.memory_space<vmem>> -> memref<1x128xi32, #tpu.memory_space<vmem>>
    %dma_start3A_38 = tpu.memref_squeeze %dma_start3A_37 : memref<1x128xi32, #tpu.memory_space<vmem>> -> memref<128xi32, #tpu.memory_space<vmem>>
    %dma_start3A_39 = arith.constant 0 : i32
    %dma_start3A_40 = arith.constant 0 : i32
    %dma_start3A_41 = tpu.memref_slice %arg2[%dma_start3A_39, %dma_start3A_40] : memref<100000x32xf32, #tpu.memory_space<hbm>> -> memref<100000x32xf32, #tpu.memory_space<hbm>>
    tpu.enqueue_indirect_dma source(%dma_start3A_41 : memref<100000x32xf32, #tpu.memory_space<hbm>>) target(%dma_start3A_35 : memref<128x32xf32, #tpu.memory_space<vmem>>) offsets(%dma_start3A_38 : memref<128xi32, #tpu.memory_space<vmem>>) semaphore(%arg16 : memref<!tpu.dma_semaphore, #tpu.memory_space<semaphore_mem>>)
    %dma_wait3A = arith.constant 0 : i32
    %dma_wait3A_42 = arith.constant 0 : i32
    %dma_wait3A_43 = arith.constant 0 : i32
    %dma_wait3A_44 = tpu.memref_slice %arg14[%dma_wait3A_42, %dma_wait3A_43] : memref<512x32xf32, #tpu.memory_space<vmem>> -> memref<128x32xf32, #tpu.memory_space<vmem>>
    %dma_wait3A_45 = arith.constant 0 : i32
    %dma_wait3A_46 = tpu.memref_slice %arg11[%dma_wait3A, %dma_wait3A_45] : memref<4x128xi32, #tpu.memory_space<vmem>> -> memref<1x128xi32, #tpu.memory_space<vmem>>
    %dma_wait3A_47 = tpu.memref_squeeze %dma_wait3A_46 : memref<1x128xi32, #tpu.memory_space<vmem>> -> memref<128xi32, #tpu.memory_space<vmem>>
    %dma_wait3A_48 = arith.constant 0 : i32
    %dma_wait3A_49 = arith.constant 0 : i32
    %dma_wait3A_50 = tpu.memref_slice %arg2[%dma_wait3A_48, %dma_wait3A_49] : memref<100000x32xf32, #tpu.memory_space<hbm>> -> memref<100000x32xf32, #tpu.memory_space<hbm>>
    tpu.wait_indirect_dma semaphore(%arg16 : memref<!tpu.dma_semaphore, #tpu.memory_space<semaphore_mem>>) src(%dma_wait3A_50 : memref<100000x32xf32, #tpu.memory_space<hbm>>) dst(%dma_wait3A_44 : memref<128x32xf32, #tpu.memory_space<vmem>>)
    %dma_wait3A_51 = arith.constant 1 : i32
    %dma_wait3A_52 = arith.constant 128 : i32
    %dma_wait3A_53 = arith.constant 0 : i32
    %dma_wait3A_54 = tpu.memref_slice %arg14[%dma_wait3A_52, %dma_wait3A_53] : memref<512x32xf32, #tpu.memory_space<vmem>> -> memref<128x32xf32, #tpu.memory_space<vmem>>
    %dma_wait3A_55 = arith.constant 0 : i32
    %dma_wait3A_56 = tpu.memref_slice %arg11[%dma_wait3A_51, %dma_wait3A_55] : memref<4x128xi32, #tpu.memory_space<vmem>> -> memref<1x128xi32, #tpu.memory_space<vmem>>
    %dma_wait3A_57 = tpu.memref_squeeze %dma_wait3A_56 : memref<1x128xi32, #tpu.memory_space<vmem>> -> memref<128xi32, #tpu.memory_space<vmem>>
    %dma_wait3A_58 = arith.constant 0 : i32
    %dma_wait3A_59 = arith.constant 0 : i32
    %dma_wait3A_60 = tpu.memref_slice %arg2[%dma_wait3A_58, %dma_wait3A_59] : memref<100000x32xf32, #tpu.memory_space<hbm>> -> memref<100000x32xf32, #tpu.memory_space<hbm>>
    tpu.wait_indirect_dma semaphore(%arg16 : memref<!tpu.dma_semaphore, #tpu.memory_space<semaphore_mem>>) src(%dma_wait3A_60 : memref<100000x32xf32, #tpu.memory_space<hbm>>) dst(%dma_wait3A_54 : memref<128x32xf32, #tpu.memory_space<vmem>>)
    %dma_wait3A_61 = arith.constant 2 : i32
    %dma_wait3A_62 = arith.constant 256 : i32
    %dma_wait3A_63 = arith.constant 0 : i32
    %dma_wait3A_64 = tpu.memref_slice %arg14[%dma_wait3A_62, %dma_wait3A_63] : memref<512x32xf32, #tpu.memory_space<vmem>> -> memref<128x32xf32, #tpu.memory_space<vmem>>
    %dma_wait3A_65 = arith.constant 0 : i32
    %dma_wait3A_66 = tpu.memref_slice %arg11[%dma_wait3A_61, %dma_wait3A_65] : memref<4x128xi32, #tpu.memory_space<vmem>> -> memref<1x128xi32, #tpu.memory_space<vmem>>
    %dma_wait3A_67 = tpu.memref_squeeze %dma_wait3A_66 : memref<1x128xi32, #tpu.memory_space<vmem>> -> memref<128xi32, #tpu.memory_space<vmem>>
    %dma_wait3A_68 = arith.constant 0 : i32
    %dma_wait3A_69 = arith.constant 0 : i32
    %dma_wait3A_70 = tpu.memref_slice %arg2[%dma_wait3A_68, %dma_wait3A_69] : memref<100000x32xf32, #tpu.memory_space<hbm>> -> memref<100000x32xf32, #tpu.memory_space<hbm>>
    tpu.wait_indirect_dma semaphore(%arg16 : memref<!tpu.dma_semaphore, #tpu.memory_space<semaphore_mem>>) src(%dma_wait3A_70 : memref<100000x32xf32, #tpu.memory_space<hbm>>) dst(%dma_wait3A_64 : memref<128x32xf32, #tpu.memory_space<vmem>>)
    %dma_wait3A_71 = arith.constant 3 : i32
    %dma_wait3A_72 = arith.constant 384 : i32
    %dma_wait3A_73 = arith.constant 0 : i32
    %dma_wait3A_74 = tpu.memref_slice %arg14[%dma_wait3A_72, %dma_wait3A_73] : memref<512x32xf32, #tpu.memory_space<vmem>> -> memref<128x32xf32, #tpu.memory_space<vmem>>
    %dma_wait3A_75 = arith.constant 0 : i32
    %dma_wait3A_76 = tpu.memref_slice %arg11[%dma_wait3A_71, %dma_wait3A_75] : memref<4x128xi32, #tpu.memory_space<vmem>> -> memref<1x128xi32, #tpu.memory_space<vmem>>
    %dma_wait3A_77 = tpu.memref_squeeze %dma_wait3A_76 : memref<1x128xi32, #tpu.memory_space<vmem>> -> memref<128xi32, #tpu.memory_space<vmem>>
    %dma_wait3A_78 = arith.constant 0 : i32
    %dma_wait3A_79 = arith.constant 0 : i32
    %dma_wait3A_80 = tpu.memref_slice %arg2[%dma_wait3A_78, %dma_wait3A_79] : memref<100000x32xf32, #tpu.memory_space<hbm>> -> memref<100000x32xf32, #tpu.memory_space<hbm>>
    tpu.wait_indirect_dma semaphore(%arg16 : memref<!tpu.dma_semaphore, #tpu.memory_space<semaphore_mem>>) src(%dma_wait3A_80 : memref<100000x32xf32, #tpu.memory_space<hbm>>) dst(%dma_wait3A_74 : memref<128x32xf32, #tpu.memory_space<vmem>>)
    %dma_start3A_81 = arith.constant 0 : i32
    %dma_start3A_82 = arith.constant 0 : i32
    %dma_start3A_83 = arith.constant 0 : i32
    %dma_start3A_84 = tpu.memref_slice %arg15[%dma_start3A_82, %dma_start3A_83] : memref<512x32xf32, #tpu.memory_space<vmem>> -> memref<128x32xf32, #tpu.memory_space<vmem>>
    %dma_start3A_85 = arith.constant 0 : i32
    %dma_start3A_86 = tpu.memref_slice %arg12[%dma_start3A_81, %dma_start3A_85] : memref<4x128xi32, #tpu.memory_space<vmem>> -> memref<1x128xi32, #tpu.memory_space<vmem>>
    %dma_start3A_87 = tpu.memref_squeeze %dma_start3A_86 : memref<1x128xi32, #tpu.memory_space<vmem>> -> memref<128xi32, #tpu.memory_space<vmem>>
    %dma_start3A_88 = arith.constant 0 : i32
    %dma_start3A_89 = arith.constant 0 : i32
    %dma_start3A_90 = tpu.memref_slice %arg3[%dma_start3A_88, %dma_start3A_89] : memref<100000x32xf32, #tpu.memory_space<hbm>> -> memref<100000x32xf32, #tpu.memory_space<hbm>>
    tpu.enqueue_indirect_dma source(%dma_start3A_90 : memref<100000x32xf32, #tpu.memory_space<hbm>>) target(%dma_start3A_84 : memref<128x32xf32, #tpu.memory_space<vmem>>) offsets(%dma_start3A_87 : memref<128xi32, #tpu.memory_space<vmem>>) semaphore(%arg17 : memref<!tpu.dma_semaphore, #tpu.memory_space<semaphore_mem>>)
    %dma_start3A_91 = arith.constant 1 : i32
    %dma_start3A_92 = arith.constant 128 : i32
    %dma_start3A_93 = arith.constant 0 : i32
    %dma_start3A_94 = tpu.memref_slice %arg15[%dma_start3A_92, %dma_start3A_93] : memref<512x32xf32, #tpu.memory_space<vmem>> -> memref<128x32xf32, #tpu.memory_space<vmem>>
    %dma_start3A_95 = arith.constant 0 : i32
    %dma_start3A_96 = tpu.memref_slice %arg12[%dma_start3A_91, %dma_start3A_95] : memref<4x128xi32, #tpu.memory_space<vmem>> -> memref<1x128xi32, #tpu.memory_space<vmem>>
    %dma_start3A_97 = tpu.memref_squeeze %dma_start3A_96 : memref<1x128xi32, #tpu.memory_space<vmem>> -> memref<128xi32, #tpu.memory_space<vmem>>
    %dma_start3A_98 = arith.constant 0 : i32
    %dma_start3A_99 = arith.constant 0 : i32
    %dma_start3A_100 = tpu.memref_slice %arg3[%dma_start3A_98, %dma_start3A_99] : memref<100000x32xf32, #tpu.memory_space<hbm>> -> memref<100000x32xf32, #tpu.memory_space<hbm>>
    tpu.enqueue_indirect_dma source(%dma_start3A_100 : memref<100000x32xf32, #tpu.memory_space<hbm>>) target(%dma_start3A_94 : memref<128x32xf32, #tpu.memory_space<vmem>>) offsets(%dma_start3A_97 : memref<128xi32, #tpu.memory_space<vmem>>) semaphore(%arg17 : memref<!tpu.dma_semaphore, #tpu.memory_space<semaphore_mem>>)
    %dma_start3A_101 = arith.constant 2 : i32
    %dma_start3A_102 = arith.constant 256 : i32
    %dma_start3A_103 = arith.constant 0 : i32
    %dma_start3A_104 = tpu.memref_slice %arg15[%dma_start3A_102, %dma_start3A_103] : memref<512x32xf32, #tpu.memory_space<vmem>> -> memref<128x32xf32, #tpu.memory_space<vmem>>
    %dma_start3A_105 = arith.constant 0 : i32
    %dma_start3A_106 = tpu.memref_slice %arg12[%dma_start3A_101, %dma_start3A_105] : memref<4x128xi32, #tpu.memory_space<vmem>> -> memref<1x128xi32, #tpu.memory_space<vmem>>
    %dma_start3A_107 = tpu.memref_squeeze %dma_start3A_106 : memref<1x128xi32, #tpu.memory_space<vmem>> -> memref<128xi32, #tpu.memory_space<vmem>>
    %dma_start3A_108 = arith.constant 0 : i32
    %dma_start3A_109 = arith.constant 0 : i32
    %dma_start3A_110 = tpu.memref_slice %arg3[%dma_start3A_108, %dma_start3A_109] : memref<100000x32xf32, #tpu.memory_space<hbm>> -> memref<100000x32xf32, #tpu.memory_space<hbm>>
    tpu.enqueue_indirect_dma source(%dma_start3A_110 : memref<100000x32xf32, #tpu.memory_space<hbm>>) target(%dma_start3A_104 : memref<128x32xf32, #tpu.memory_space<vmem>>) offsets(%dma_start3A_107 : memref<128xi32, #tpu.memory_space<vmem>>) semaphore(%arg17 : memref<!tpu.dma_semaphore, #tpu.memory_space<semaphore_mem>>)
    %dma_start3A_111 = arith.constant 3 : i32
    %dma_start3A_112 = arith.constant 384 : i32
    %dma_start3A_113 = arith.constant 0 : i32
    %dma_start3A_114 = tpu.memref_slice %arg15[%dma_start3A_112, %dma_start3A_113] : memref<512x32xf32, #tpu.memory_space<vmem>> -> memref<128x32xf32, #tpu.memory_space<vmem>>
    %dma_start3A_115 = arith.constant 0 : i32
    %dma_start3A_116 = tpu.memref_slice %arg12[%dma_start3A_111, %dma_start3A_115] : memref<4x128xi32, #tpu.memory_space<vmem>> -> memref<1x128xi32, #tpu.memory_space<vmem>>
    %dma_start3A_117 = tpu.memref_squeeze %dma_start3A_116 : memref<1x128xi32, #tpu.memory_space<vmem>> -> memref<128xi32, #tpu.memory_space<vmem>>
    %dma_start3A_118 = arith.constant 0 : i32
    %dma_start3A_119 = arith.constant 0 : i32
    %dma_start3A_120 = tpu.memref_slice %arg3[%dma_start3A_118, %dma_start3A_119] : memref<100000x32xf32, #tpu.memory_space<hbm>> -> memref<100000x32xf32, #tpu.memory_space<hbm>>
    tpu.enqueue_indirect_dma source(%dma_start3A_120 : memref<100000x32xf32, #tpu.memory_space<hbm>>) target(%dma_start3A_114 : memref<128x32xf32, #tpu.memory_space<vmem>>) offsets(%dma_start3A_117 : memref<128xi32, #tpu.memory_space<vmem>>) semaphore(%arg17 : memref<!tpu.dma_semaphore, #tpu.memory_space<semaphore_mem>>)
    "tpu.region"() ({
      %run_scoped3A = tpu.sem_alloc : memref<!tpu.dma_semaphore, #tpu.memory_space<semaphore_mem>>
      %dma_start3A_241 = arith.constant 0 : i32
      %dma_start3A_242 = tpu.memref_slice %arg8[%mul3A_2, %dma_start3A_241] : memref<16384x32xf32, #tpu.memory_space<hbm>> -> memref<512x32xf32, #tpu.memory_space<hbm>>
      %dma_start3A_243 = arith.constant 0 : i32
      %dma_start3A_244 = tpu.memref_slice %arg8[%mul3A_2, %dma_start3A_243] : memref<16384x32xf32, #tpu.memory_space<hbm>> -> memref<512x32xf32, #tpu.memory_space<hbm>>
      tpu.enqueue_dma source(%arg14 : memref<512x32xf32, #tpu.memory_space<vmem>>) target(%dma_start3A_244 : memref<512x32xf32, #tpu.memory_space<hbm>>) target_semaphore(%run_scoped3A : memref<!tpu.dma_semaphore, #tpu.memory_space<semaphore_mem>>)
      %dma_wait3A_245 = arith.constant 0 : i32
      %dma_wait3A_246 = tpu.memref_slice %arg8[%mul3A_2, %dma_wait3A_245] : memref<16384x32xf32, #tpu.memory_space<hbm>> -> memref<512x32xf32, #tpu.memory_space<hbm>>
      %dma_wait3A_247 = arith.constant 0 : i32
      %dma_wait3A_248 = tpu.memref_slice %arg8[%mul3A_2, %dma_wait3A_247] : memref<16384x32xf32, #tpu.memory_space<hbm>> -> memref<512x32xf32, #tpu.memory_space<hbm>>
      tpu.wait_dma2 semaphore(%run_scoped3A : memref<!tpu.dma_semaphore, #tpu.memory_space<semaphore_mem>>) src(%arg14 : memref<512x32xf32, #tpu.memory_space<vmem>>) dst(%dma_wait3A_248 : memref<512x32xf32, #tpu.memory_space<hbm>>)
      tpu.yield
    }) : () -> ()
    %dma_wait3A_121 = arith.constant 0 : i32
    %dma_wait3A_122 = arith.constant 0 : i32
    %dma_wait3A_123 = arith.constant 0 : i32
    %dma_wait3A_124 = tpu.memref_slice %arg15[%dma_wait3A_122, %dma_wait3A_123] : memref<512x32xf32, #tpu.memory_space<vmem>> -> memref<128x32xf32, #tpu.memory_space<vmem>>
    %dma_wait3A_125 = arith.constant 0 : i32
    %dma_wait3A_126 = tpu.memref_slice %arg12[%dma_wait3A_121, %dma_wait3A_125] : memref<4x128xi32, #tpu.memory_space<vmem>> -> memref<1x128xi32, #tpu.memory_space<vmem>>
    %dma_wait3A_127 = tpu.memref_squeeze %dma_wait3A_126 : memref<1x128xi32, #tpu.memory_space<vmem>> -> memref<128xi32, #tpu.memory_space<vmem>>
    %dma_wait3A_128 = arith.constant 0 : i32
    %dma_wait3A_129 = arith.constant 0 : i32
    %dma_wait3A_130 = tpu.memref_slice %arg3[%dma_wait3A_128, %dma_wait3A_129] : memref<100000x32xf32, #tpu.memory_space<hbm>> -> memref<100000x32xf32, #tpu.memory_space<hbm>>
    tpu.wait_indirect_dma semaphore(%arg17 : memref<!tpu.dma_semaphore, #tpu.memory_space<semaphore_mem>>) src(%dma_wait3A_130 : memref<100000x32xf32, #tpu.memory_space<hbm>>) dst(%dma_wait3A_124 : memref<128x32xf32, #tpu.memory_space<vmem>>)
    %dma_wait3A_131 = arith.constant 1 : i32
    %dma_wait3A_132 = arith.constant 128 : i32
    %dma_wait3A_133 = arith.constant 0 : i32
    %dma_wait3A_134 = tpu.memref_slice %arg15[%dma_wait3A_132, %dma_wait3A_133] : memref<512x32xf32, #tpu.memory_space<vmem>> -> memref<128x32xf32, #tpu.memory_space<vmem>>
    %dma_wait3A_135 = arith.constant 0 : i32
    %dma_wait3A_136 = tpu.memref_slice %arg12[%dma_wait3A_131, %dma_wait3A_135] : memref<4x128xi32, #tpu.memory_space<vmem>> -> memref<1x128xi32, #tpu.memory_space<vmem>>
    %dma_wait3A_137 = tpu.memref_squeeze %dma_wait3A_136 : memref<1x128xi32, #tpu.memory_space<vmem>> -> memref<128xi32, #tpu.memory_space<vmem>>
    %dma_wait3A_138 = arith.constant 0 : i32
    %dma_wait3A_139 = arith.constant 0 : i32
    %dma_wait3A_140 = tpu.memref_slice %arg3[%dma_wait3A_138, %dma_wait3A_139] : memref<100000x32xf32, #tpu.memory_space<hbm>> -> memref<100000x32xf32, #tpu.memory_space<hbm>>
    tpu.wait_indirect_dma semaphore(%arg17 : memref<!tpu.dma_semaphore, #tpu.memory_space<semaphore_mem>>) src(%dma_wait3A_140 : memref<100000x32xf32, #tpu.memory_space<hbm>>) dst(%dma_wait3A_134 : memref<128x32xf32, #tpu.memory_space<vmem>>)
    %dma_wait3A_141 = arith.constant 2 : i32
    %dma_wait3A_142 = arith.constant 256 : i32
    %dma_wait3A_143 = arith.constant 0 : i32
    %dma_wait3A_144 = tpu.memref_slice %arg15[%dma_wait3A_142, %dma_wait3A_143] : memref<512x32xf32, #tpu.memory_space<vmem>> -> memref<128x32xf32, #tpu.memory_space<vmem>>
    %dma_wait3A_145 = arith.constant 0 : i32
    %dma_wait3A_146 = tpu.memref_slice %arg12[%dma_wait3A_141, %dma_wait3A_145] : memref<4x128xi32, #tpu.memory_space<vmem>> -> memref<1x128xi32, #tpu.memory_space<vmem>>
    %dma_wait3A_147 = tpu.memref_squeeze %dma_wait3A_146 : memref<1x128xi32, #tpu.memory_space<vmem>> -> memref<128xi32, #tpu.memory_space<vmem>>
    %dma_wait3A_148 = arith.constant 0 : i32
    %dma_wait3A_149 = arith.constant 0 : i32
    %dma_wait3A_150 = tpu.memref_slice %arg3[%dma_wait3A_148, %dma_wait3A_149] : memref<100000x32xf32, #tpu.memory_space<hbm>> -> memref<100000x32xf32, #tpu.memory_space<hbm>>
    tpu.wait_indirect_dma semaphore(%arg17 : memref<!tpu.dma_semaphore, #tpu.memory_space<semaphore_mem>>) src(%dma_wait3A_150 : memref<100000x32xf32, #tpu.memory_space<hbm>>) dst(%dma_wait3A_144 : memref<128x32xf32, #tpu.memory_space<vmem>>)
    %dma_wait3A_151 = arith.constant 3 : i32
    %dma_wait3A_152 = arith.constant 384 : i32
    %dma_wait3A_153 = arith.constant 0 : i32
    %dma_wait3A_154 = tpu.memref_slice %arg15[%dma_wait3A_152, %dma_wait3A_153] : memref<512x32xf32, #tpu.memory_space<vmem>> -> memref<128x32xf32, #tpu.memory_space<vmem>>
    %dma_wait3A_155 = arith.constant 0 : i32
    %dma_wait3A_156 = tpu.memref_slice %arg12[%dma_wait3A_151, %dma_wait3A_155] : memref<4x128xi32, #tpu.memory_space<vmem>> -> memref<1x128xi32, #tpu.memory_space<vmem>>
    %dma_wait3A_157 = tpu.memref_squeeze %dma_wait3A_156 : memref<1x128xi32, #tpu.memory_space<vmem>> -> memref<128xi32, #tpu.memory_space<vmem>>
    %dma_wait3A_158 = arith.constant 0 : i32
    %dma_wait3A_159 = arith.constant 0 : i32
    %dma_wait3A_160 = tpu.memref_slice %arg3[%dma_wait3A_158, %dma_wait3A_159] : memref<100000x32xf32, #tpu.memory_space<hbm>> -> memref<100000x32xf32, #tpu.memory_space<hbm>>
    tpu.wait_indirect_dma semaphore(%arg17 : memref<!tpu.dma_semaphore, #tpu.memory_space<semaphore_mem>>) src(%dma_wait3A_160 : memref<100000x32xf32, #tpu.memory_space<hbm>>) dst(%dma_wait3A_154 : memref<128x32xf32, #tpu.memory_space<vmem>>)
    %dma_start3A_161 = arith.constant 0 : i32
    %dma_start3A_162 = arith.constant 0 : i32
    %dma_start3A_163 = arith.constant 0 : i32
    %dma_start3A_164 = tpu.memref_slice %arg14[%dma_start3A_162, %dma_start3A_163] : memref<512x32xf32, #tpu.memory_space<vmem>> -> memref<128x32xf32, #tpu.memory_space<vmem>>
    %dma_start3A_165 = arith.constant 0 : i32
    %dma_start3A_166 = tpu.memref_slice %arg13[%dma_start3A_161, %dma_start3A_165] : memref<4x128xi32, #tpu.memory_space<vmem>> -> memref<1x128xi32, #tpu.memory_space<vmem>>
    %dma_start3A_167 = tpu.memref_squeeze %dma_start3A_166 : memref<1x128xi32, #tpu.memory_space<vmem>> -> memref<128xi32, #tpu.memory_space<vmem>>
    %dma_start3A_168 = arith.constant 0 : i32
    %dma_start3A_169 = arith.constant 0 : i32
    %dma_start3A_170 = tpu.memref_slice %arg4[%dma_start3A_168, %dma_start3A_169] : memref<100000x32xf32, #tpu.memory_space<hbm>> -> memref<100000x32xf32, #tpu.memory_space<hbm>>
    tpu.enqueue_indirect_dma source(%dma_start3A_170 : memref<100000x32xf32, #tpu.memory_space<hbm>>) target(%dma_start3A_164 : memref<128x32xf32, #tpu.memory_space<vmem>>) offsets(%dma_start3A_167 : memref<128xi32, #tpu.memory_space<vmem>>) semaphore(%arg16 : memref<!tpu.dma_semaphore, #tpu.memory_space<semaphore_mem>>)
    %dma_start3A_171 = arith.constant 1 : i32
    %dma_start3A_172 = arith.constant 128 : i32
    %dma_start3A_173 = arith.constant 0 : i32
    %dma_start3A_174 = tpu.memref_slice %arg14[%dma_start3A_172, %dma_start3A_173] : memref<512x32xf32, #tpu.memory_space<vmem>> -> memref<128x32xf32, #tpu.memory_space<vmem>>
    %dma_start3A_175 = arith.constant 0 : i32
    %dma_start3A_176 = tpu.memref_slice %arg13[%dma_start3A_171, %dma_start3A_175] : memref<4x128xi32, #tpu.memory_space<vmem>> -> memref<1x128xi32, #tpu.memory_space<vmem>>
    %dma_start3A_177 = tpu.memref_squeeze %dma_start3A_176 : memref<1x128xi32, #tpu.memory_space<vmem>> -> memref<128xi32, #tpu.memory_space<vmem>>
    %dma_start3A_178 = arith.constant 0 : i32
    %dma_start3A_179 = arith.constant 0 : i32
    %dma_start3A_180 = tpu.memref_slice %arg4[%dma_start3A_178, %dma_start3A_179] : memref<100000x32xf32, #tpu.memory_space<hbm>> -> memref<100000x32xf32, #tpu.memory_space<hbm>>
    tpu.enqueue_indirect_dma source(%dma_start3A_180 : memref<100000x32xf32, #tpu.memory_space<hbm>>) target(%dma_start3A_174 : memref<128x32xf32, #tpu.memory_space<vmem>>) offsets(%dma_start3A_177 : memref<128xi32, #tpu.memory_space<vmem>>) semaphore(%arg16 : memref<!tpu.dma_semaphore, #tpu.memory_space<semaphore_mem>>)
    %dma_start3A_181 = arith.constant 2 : i32
    %dma_start3A_182 = arith.constant 256 : i32
    %dma_start3A_183 = arith.constant 0 : i32
    %dma_start3A_184 = tpu.memref_slice %arg14[%dma_start3A_182, %dma_start3A_183] : memref<512x32xf32, #tpu.memory_space<vmem>> -> memref<128x32xf32, #tpu.memory_space<vmem>>
    %dma_start3A_185 = arith.constant 0 : i32
    %dma_start3A_186 = tpu.memref_slice %arg13[%dma_start3A_181, %dma_start3A_185] : memref<4x128xi32, #tpu.memory_space<vmem>> -> memref<1x128xi32, #tpu.memory_space<vmem>>
    %dma_start3A_187 = tpu.memref_squeeze %dma_start3A_186 : memref<1x128xi32, #tpu.memory_space<vmem>> -> memref<128xi32, #tpu.memory_space<vmem>>
    %dma_start3A_188 = arith.constant 0 : i32
    %dma_start3A_189 = arith.constant 0 : i32
    %dma_start3A_190 = tpu.memref_slice %arg4[%dma_start3A_188, %dma_start3A_189] : memref<100000x32xf32, #tpu.memory_space<hbm>> -> memref<100000x32xf32, #tpu.memory_space<hbm>>
    tpu.enqueue_indirect_dma source(%dma_start3A_190 : memref<100000x32xf32, #tpu.memory_space<hbm>>) target(%dma_start3A_184 : memref<128x32xf32, #tpu.memory_space<vmem>>) offsets(%dma_start3A_187 : memref<128xi32, #tpu.memory_space<vmem>>) semaphore(%arg16 : memref<!tpu.dma_semaphore, #tpu.memory_space<semaphore_mem>>)
    %dma_start3A_191 = arith.constant 3 : i32
    %dma_start3A_192 = arith.constant 384 : i32
    %dma_start3A_193 = arith.constant 0 : i32
    %dma_start3A_194 = tpu.memref_slice %arg14[%dma_start3A_192, %dma_start3A_193] : memref<512x32xf32, #tpu.memory_space<vmem>> -> memref<128x32xf32, #tpu.memory_space<vmem>>
    %dma_start3A_195 = arith.constant 0 : i32
    %dma_start3A_196 = tpu.memref_slice %arg13[%dma_start3A_191, %dma_start3A_195] : memref<4x128xi32, #tpu.memory_space<vmem>> -> memref<1x128xi32, #tpu.memory_space<vmem>>
    %dma_start3A_197 = tpu.memref_squeeze %dma_start3A_196 : memref<1x128xi32, #tpu.memory_space<vmem>> -> memref<128xi32, #tpu.memory_space<vmem>>
    %dma_start3A_198 = arith.constant 0 : i32
    %dma_start3A_199 = arith.constant 0 : i32
    %dma_start3A_200 = tpu.memref_slice %arg4[%dma_start3A_198, %dma_start3A_199] : memref<100000x32xf32, #tpu.memory_space<hbm>> -> memref<100000x32xf32, #tpu.memory_space<hbm>>
    tpu.enqueue_indirect_dma source(%dma_start3A_200 : memref<100000x32xf32, #tpu.memory_space<hbm>>) target(%dma_start3A_194 : memref<128x32xf32, #tpu.memory_space<vmem>>) offsets(%dma_start3A_197 : memref<128xi32, #tpu.memory_space<vmem>>) semaphore(%arg16 : memref<!tpu.dma_semaphore, #tpu.memory_space<semaphore_mem>>)
    "tpu.region"() ({
      %run_scoped3A = tpu.sem_alloc : memref<!tpu.dma_semaphore, #tpu.memory_space<semaphore_mem>>
      %dma_start3A_241 = arith.constant 0 : i32
      %dma_start3A_242 = tpu.memref_slice %arg9[%mul3A_2, %dma_start3A_241] : memref<16384x32xf32, #tpu.memory_space<hbm>> -> memref<512x32xf32, #tpu.memory_space<hbm>>
      %dma_start3A_243 = arith.constant 0 : i32
      %dma_start3A_244 = tpu.memref_slice %arg9[%mul3A_2, %dma_start3A_243] : memref<16384x32xf32, #tpu.memory_space<hbm>> -> memref<512x32xf32, #tpu.memory_space<hbm>>
      tpu.enqueue_dma source(%arg15 : memref<512x32xf32, #tpu.memory_space<vmem>>) target(%dma_start3A_244 : memref<512x32xf32, #tpu.memory_space<hbm>>) target_semaphore(%run_scoped3A : memref<!tpu.dma_semaphore, #tpu.memory_space<semaphore_mem>>)
      %dma_wait3A_245 = arith.constant 0 : i32
      %dma_wait3A_246 = tpu.memref_slice %arg9[%mul3A_2, %dma_wait3A_245] : memref<16384x32xf32, #tpu.memory_space<hbm>> -> memref<512x32xf32, #tpu.memory_space<hbm>>
      %dma_wait3A_247 = arith.constant 0 : i32
      %dma_wait3A_248 = tpu.memref_slice %arg9[%mul3A_2, %dma_wait3A_247] : memref<16384x32xf32, #tpu.memory_space<hbm>> -> memref<512x32xf32, #tpu.memory_space<hbm>>
      tpu.wait_dma2 semaphore(%run_scoped3A : memref<!tpu.dma_semaphore, #tpu.memory_space<semaphore_mem>>) src(%arg15 : memref<512x32xf32, #tpu.memory_space<vmem>>) dst(%dma_wait3A_248 : memref<512x32xf32, #tpu.memory_space<hbm>>)
      tpu.yield
    }) : () -> ()
    %dma_wait3A_201 = arith.constant 0 : i32
    %dma_wait3A_202 = arith.constant 0 : i32
    %dma_wait3A_203 = arith.constant 0 : i32
    %dma_wait3A_204 = tpu.memref_slice %arg14[%dma_wait3A_202, %dma_wait3A_203] : memref<512x32xf32, #tpu.memory_space<vmem>> -> memref<128x32xf32, #tpu.memory_space<vmem>>
    %dma_wait3A_205 = arith.constant 0 : i32
    %dma_wait3A_206 = tpu.memref_slice %arg13[%dma_wait3A_201, %dma_wait3A_205] : memref<4x128xi32, #tpu.memory_space<vmem>> -> memref<1x128xi32, #tpu.memory_space<vmem>>
    %dma_wait3A_207 = tpu.memref_squeeze %dma_wait3A_206 : memref<1x128xi32, #tpu.memory_space<vmem>> -> memref<128xi32, #tpu.memory_space<vmem>>
    %dma_wait3A_208 = arith.constant 0 : i32
    %dma_wait3A_209 = arith.constant 0 : i32
    %dma_wait3A_210 = tpu.memref_slice %arg4[%dma_wait3A_208, %dma_wait3A_209] : memref<100000x32xf32, #tpu.memory_space<hbm>> -> memref<100000x32xf32, #tpu.memory_space<hbm>>
    tpu.wait_indirect_dma semaphore(%arg16 : memref<!tpu.dma_semaphore, #tpu.memory_space<semaphore_mem>>) src(%dma_wait3A_210 : memref<100000x32xf32, #tpu.memory_space<hbm>>) dst(%dma_wait3A_204 : memref<128x32xf32, #tpu.memory_space<vmem>>)
    %dma_wait3A_211 = arith.constant 1 : i32
    %dma_wait3A_212 = arith.constant 128 : i32
    %dma_wait3A_213 = arith.constant 0 : i32
    %dma_wait3A_214 = tpu.memref_slice %arg14[%dma_wait3A_212, %dma_wait3A_213] : memref<512x32xf32, #tpu.memory_space<vmem>> -> memref<128x32xf32, #tpu.memory_space<vmem>>
    %dma_wait3A_215 = arith.constant 0 : i32
    %dma_wait3A_216 = tpu.memref_slice %arg13[%dma_wait3A_211, %dma_wait3A_215] : memref<4x128xi32, #tpu.memory_space<vmem>> -> memref<1x128xi32, #tpu.memory_space<vmem>>
    %dma_wait3A_217 = tpu.memref_squeeze %dma_wait3A_216 : memref<1x128xi32, #tpu.memory_space<vmem>> -> memref<128xi32, #tpu.memory_space<vmem>>
    %dma_wait3A_218 = arith.constant 0 : i32
    %dma_wait3A_219 = arith.constant 0 : i32
    %dma_wait3A_220 = tpu.memref_slice %arg4[%dma_wait3A_218, %dma_wait3A_219] : memref<100000x32xf32, #tpu.memory_space<hbm>> -> memref<100000x32xf32, #tpu.memory_space<hbm>>
    tpu.wait_indirect_dma semaphore(%arg16 : memref<!tpu.dma_semaphore, #tpu.memory_space<semaphore_mem>>) src(%dma_wait3A_220 : memref<100000x32xf32, #tpu.memory_space<hbm>>) dst(%dma_wait3A_214 : memref<128x32xf32, #tpu.memory_space<vmem>>)
    %dma_wait3A_221 = arith.constant 2 : i32
    %dma_wait3A_222 = arith.constant 256 : i32
    %dma_wait3A_223 = arith.constant 0 : i32
    %dma_wait3A_224 = tpu.memref_slice %arg14[%dma_wait3A_222, %dma_wait3A_223] : memref<512x32xf32, #tpu.memory_space<vmem>> -> memref<128x32xf32, #tpu.memory_space<vmem>>
    %dma_wait3A_225 = arith.constant 0 : i32
    %dma_wait3A_226 = tpu.memref_slice %arg13[%dma_wait3A_221, %dma_wait3A_225] : memref<4x128xi32, #tpu.memory_space<vmem>> -> memref<1x128xi32, #tpu.memory_space<vmem>>
    %dma_wait3A_227 = tpu.memref_squeeze %dma_wait3A_226 : memref<1x128xi32, #tpu.memory_space<vmem>> -> memref<128xi32, #tpu.memory_space<vmem>>
    %dma_wait3A_228 = arith.constant 0 : i32
    %dma_wait3A_229 = arith.constant 0 : i32
    %dma_wait3A_230 = tpu.memref_slice %arg4[%dma_wait3A_228, %dma_wait3A_229] : memref<100000x32xf32, #tpu.memory_space<hbm>> -> memref<100000x32xf32, #tpu.memory_space<hbm>>
    tpu.wait_indirect_dma semaphore(%arg16 : memref<!tpu.dma_semaphore, #tpu.memory_space<semaphore_mem>>) src(%dma_wait3A_230 : memref<100000x32xf32, #tpu.memory_space<hbm>>) dst(%dma_wait3A_224 : memref<128x32xf32, #tpu.memory_space<vmem>>)
    %dma_wait3A_231 = arith.constant 3 : i32
    %dma_wait3A_232 = arith.constant 384 : i32
    %dma_wait3A_233 = arith.constant 0 : i32
    %dma_wait3A_234 = tpu.memref_slice %arg14[%dma_wait3A_232, %dma_wait3A_233] : memref<512x32xf32, #tpu.memory_space<vmem>> -> memref<128x32xf32, #tpu.memory_space<vmem>>
    %dma_wait3A_235 = arith.constant 0 : i32
    %dma_wait3A_236 = tpu.memref_slice %arg13[%dma_wait3A_231, %dma_wait3A_235] : memref<4x128xi32, #tpu.memory_space<vmem>> -> memref<1x128xi32, #tpu.memory_space<vmem>>
    %dma_wait3A_237 = tpu.memref_squeeze %dma_wait3A_236 : memref<1x128xi32, #tpu.memory_space<vmem>> -> memref<128xi32, #tpu.memory_space<vmem>>
    %dma_wait3A_238 = arith.constant 0 : i32
    %dma_wait3A_239 = arith.constant 0 : i32
    %dma_wait3A_240 = tpu.memref_slice %arg4[%dma_wait3A_238, %dma_wait3A_239] : memref<100000x32xf32, #tpu.memory_space<hbm>> -> memref<100000x32xf32, #tpu.memory_space<hbm>>
    tpu.wait_indirect_dma semaphore(%arg16 : memref<!tpu.dma_semaphore, #tpu.memory_space<semaphore_mem>>) src(%dma_wait3A_240 : memref<100000x32xf32, #tpu.memory_space<hbm>>) dst(%dma_wait3A_234 : memref<128x32xf32, #tpu.memory_space<vmem>>)
    "tpu.region"() ({
      %run_scoped3A = tpu.sem_alloc : memref<!tpu.dma_semaphore, #tpu.memory_space<semaphore_mem>>
      %dma_start3A_241 = arith.constant 0 : i32
      %dma_start3A_242 = tpu.memref_slice %arg10[%mul3A_2, %dma_start3A_241] : memref<16384x32xf32, #tpu.memory_space<hbm>> -> memref<512x32xf32, #tpu.memory_space<hbm>>
      %dma_start3A_243 = arith.constant 0 : i32
      %dma_start3A_244 = tpu.memref_slice %arg10[%mul3A_2, %dma_start3A_243] : memref<16384x32xf32, #tpu.memory_space<hbm>> -> memref<512x32xf32, #tpu.memory_space<hbm>>
      tpu.enqueue_dma source(%arg14 : memref<512x32xf32, #tpu.memory_space<vmem>>) target(%dma_start3A_244 : memref<512x32xf32, #tpu.memory_space<hbm>>) target_semaphore(%run_scoped3A : memref<!tpu.dma_semaphore, #tpu.memory_space<semaphore_mem>>)
      %dma_wait3A_245 = arith.constant 0 : i32
      %dma_wait3A_246 = tpu.memref_slice %arg10[%mul3A_2, %dma_wait3A_245] : memref<16384x32xf32, #tpu.memory_space<hbm>> -> memref<512x32xf32, #tpu.memory_space<hbm>>
      %dma_wait3A_247 = arith.constant 0 : i32
      %dma_wait3A_248 = tpu.memref_slice %arg10[%mul3A_2, %dma_wait3A_247] : memref<16384x32xf32, #tpu.memory_space<hbm>> -> memref<512x32xf32, #tpu.memory_space<hbm>>
      tpu.wait_dma2 semaphore(%run_scoped3A : memref<!tpu.dma_semaphore, #tpu.memory_space<semaphore_mem>>) src(%arg14 : memref<512x32xf32, #tpu.memory_space<vmem>>) dst(%dma_wait3A_248 : memref<512x32xf32, #tpu.memory_space<hbm>>)
      tpu.yield
    }) : () -> ()
    return
  }
}

#map = affine_map<(d0, d1) -> (0, 0)>
#map1 = affine_map<(d0, d1) -> (0, 0, 0)>
module attributes {stable_mosaic.version = 14 : i64} {
  func.func @k(%arg0: i32, %arg1: i32, %arg2: memref<100000x32xf32, #tpu.memory_space<hbm>>, %arg3: memref<100000x32xf32, #tpu.memory_space<hbm>>, %arg4: memref<100000x32xf32, #tpu.memory_space<hbm>>, %arg5: memref<32x4x128xi32, #tpu.memory_space<hbm>>, %arg6: memref<32x4x128xi32, #tpu.memory_space<hbm>>, %arg7: memref<32x4x128xi32, #tpu.memory_space<hbm>>, %arg8: memref<16384x32xf32, #tpu.memory_space<hbm>>, %arg9: memref<16384x32xf32, #tpu.memory_space<hbm>>, %arg10: memref<16384x32xf32, #tpu.memory_space<hbm>>, %arg11: memref<16384x32xf32, #tpu.memory_space<hbm>>, %arg12: memref<16384x32xf32, #tpu.memory_space<hbm>>, %arg13: memref<4x128xi32, #tpu.memory_space<vmem>>, %arg14: memref<4x128xi32, #tpu.memory_space<vmem>>, %arg15: memref<4x128xi32, #tpu.memory_space<vmem>>, %arg16: memref<512x32xf32, #tpu.memory_space<vmem>>, %arg17: memref<512x32xf32, #tpu.memory_space<vmem>>, %arg18: memref<!tpu.dma_semaphore, #tpu.memory_space<semaphore_mem>>, %arg19: memref<!tpu.dma_semaphore, #tpu.memory_space<semaphore_mem>>) attributes {dimension_semantics = [#tpu.dimension_semantics<core_parallel>, #tpu.dimension_semantics<subcore_parallel>], iteration_bounds = array<i64: 2, 16>, scalar_prefetch = 0 : i64, scratch_operands = 7 : i64, tpu.core_type = #tpu.core_type<sc_vector_subcore>, window_params = [{transform_indices = #map}, {transform_indices = #map}, {transform_indices = #map}, {transform_indices = #map1}, {transform_indices = #map1}, {transform_indices = #map1}, {transform_indices = #map}, {transform_indices = #map}, {transform_indices = #map}, {transform_indices = #map}, {transform_indices = #map}]} {
    %mul3A = arith.constant 2 : i32
    %mul3A_0 = arith.muli %arg1, %mul3A : i32
    %add3A = arith.addi %mul3A_0, %arg0 : i32
    %mul3A_1 = arith.constant 512 : i32
    %mul3A_2 = arith.muli %add3A, %mul3A_1 : i32
    "tpu.region"() ({
      %run_scoped3A = tpu.sem_alloc : memref<!tpu.dma_semaphore, #tpu.memory_space<semaphore_mem>>
      %dma_start3A_401 = arith.constant 0 : i32
      %dma_start3A_402 = arith.constant 0 : i32
      %dma_start3A_403 = tpu.memref_slice %arg5[%add3A, %dma_start3A_401, %dma_start3A_402] : memref<32x4x128xi32, #tpu.memory_space<hbm>> -> memref<1x4x128xi32, #tpu.memory_space<hbm>>
      %dma_start3A_404 = tpu.memref_squeeze %dma_start3A_403 : memref<1x4x128xi32, #tpu.memory_space<hbm>> -> memref<4x128xi32, #tpu.memory_space<hbm>>
      %dma_start3A_405 = arith.constant 0 : i32
      %dma_start3A_406 = arith.constant 0 : i32
      %dma_start3A_407 = tpu.memref_slice %arg5[%add3A, %dma_start3A_405, %dma_start3A_406] : memref<32x4x128xi32, #tpu.memory_space<hbm>> -> memref<1x4x128xi32, #tpu.memory_space<hbm>>
      %dma_start3A_408 = tpu.memref_squeeze %dma_start3A_407 : memref<1x4x128xi32, #tpu.memory_space<hbm>> -> memref<4x128xi32, #tpu.memory_space<hbm>>
      tpu.enqueue_dma source(%dma_start3A_408 : memref<4x128xi32, #tpu.memory_space<hbm>>) target(%arg13 : memref<4x128xi32, #tpu.memory_space<vmem>>) target_semaphore(%run_scoped3A : memref<!tpu.dma_semaphore, #tpu.memory_space<semaphore_mem>>)
      %dma_wait3A_409 = arith.constant 0 : i32
      %dma_wait3A_410 = arith.constant 0 : i32
      %dma_wait3A_411 = tpu.memref_slice %arg5[%add3A, %dma_wait3A_409, %dma_wait3A_410] : memref<32x4x128xi32, #tpu.memory_space<hbm>> -> memref<1x4x128xi32, #tpu.memory_space<hbm>>
      %dma_wait3A_412 = tpu.memref_squeeze %dma_wait3A_411 : memref<1x4x128xi32, #tpu.memory_space<hbm>> -> memref<4x128xi32, #tpu.memory_space<hbm>>
      %dma_wait3A_413 = arith.constant 0 : i32
      %dma_wait3A_414 = arith.constant 0 : i32
      %dma_wait3A_415 = tpu.memref_slice %arg5[%add3A, %dma_wait3A_413, %dma_wait3A_414] : memref<32x4x128xi32, #tpu.memory_space<hbm>> -> memref<1x4x128xi32, #tpu.memory_space<hbm>>
      %dma_wait3A_416 = tpu.memref_squeeze %dma_wait3A_415 : memref<1x4x128xi32, #tpu.memory_space<hbm>> -> memref<4x128xi32, #tpu.memory_space<hbm>>
      tpu.wait_dma2 semaphore(%run_scoped3A : memref<!tpu.dma_semaphore, #tpu.memory_space<semaphore_mem>>) src(%dma_wait3A_416 : memref<4x128xi32, #tpu.memory_space<hbm>>) dst(%arg13 : memref<4x128xi32, #tpu.memory_space<vmem>>)
      tpu.yield
    }) : () -> ()
    "tpu.region"() ({
      %run_scoped3A = tpu.sem_alloc : memref<!tpu.dma_semaphore, #tpu.memory_space<semaphore_mem>>
      %dma_start3A_401 = arith.constant 0 : i32
      %dma_start3A_402 = arith.constant 0 : i32
      %dma_start3A_403 = tpu.memref_slice %arg6[%add3A, %dma_start3A_401, %dma_start3A_402] : memref<32x4x128xi32, #tpu.memory_space<hbm>> -> memref<1x4x128xi32, #tpu.memory_space<hbm>>
      %dma_start3A_404 = tpu.memref_squeeze %dma_start3A_403 : memref<1x4x128xi32, #tpu.memory_space<hbm>> -> memref<4x128xi32, #tpu.memory_space<hbm>>
      %dma_start3A_405 = arith.constant 0 : i32
      %dma_start3A_406 = arith.constant 0 : i32
      %dma_start3A_407 = tpu.memref_slice %arg6[%add3A, %dma_start3A_405, %dma_start3A_406] : memref<32x4x128xi32, #tpu.memory_space<hbm>> -> memref<1x4x128xi32, #tpu.memory_space<hbm>>
      %dma_start3A_408 = tpu.memref_squeeze %dma_start3A_407 : memref<1x4x128xi32, #tpu.memory_space<hbm>> -> memref<4x128xi32, #tpu.memory_space<hbm>>
      tpu.enqueue_dma source(%dma_start3A_408 : memref<4x128xi32, #tpu.memory_space<hbm>>) target(%arg14 : memref<4x128xi32, #tpu.memory_space<vmem>>) target_semaphore(%run_scoped3A : memref<!tpu.dma_semaphore, #tpu.memory_space<semaphore_mem>>)
      %dma_wait3A_409 = arith.constant 0 : i32
      %dma_wait3A_410 = arith.constant 0 : i32
      %dma_wait3A_411 = tpu.memref_slice %arg6[%add3A, %dma_wait3A_409, %dma_wait3A_410] : memref<32x4x128xi32, #tpu.memory_space<hbm>> -> memref<1x4x128xi32, #tpu.memory_space<hbm>>
      %dma_wait3A_412 = tpu.memref_squeeze %dma_wait3A_411 : memref<1x4x128xi32, #tpu.memory_space<hbm>> -> memref<4x128xi32, #tpu.memory_space<hbm>>
      %dma_wait3A_413 = arith.constant 0 : i32
      %dma_wait3A_414 = arith.constant 0 : i32
      %dma_wait3A_415 = tpu.memref_slice %arg6[%add3A, %dma_wait3A_413, %dma_wait3A_414] : memref<32x4x128xi32, #tpu.memory_space<hbm>> -> memref<1x4x128xi32, #tpu.memory_space<hbm>>
      %dma_wait3A_416 = tpu.memref_squeeze %dma_wait3A_415 : memref<1x4x128xi32, #tpu.memory_space<hbm>> -> memref<4x128xi32, #tpu.memory_space<hbm>>
      tpu.wait_dma2 semaphore(%run_scoped3A : memref<!tpu.dma_semaphore, #tpu.memory_space<semaphore_mem>>) src(%dma_wait3A_416 : memref<4x128xi32, #tpu.memory_space<hbm>>) dst(%arg14 : memref<4x128xi32, #tpu.memory_space<vmem>>)
      tpu.yield
    }) : () -> ()
    "tpu.region"() ({
      %run_scoped3A = tpu.sem_alloc : memref<!tpu.dma_semaphore, #tpu.memory_space<semaphore_mem>>
      %dma_start3A_401 = arith.constant 0 : i32
      %dma_start3A_402 = arith.constant 0 : i32
      %dma_start3A_403 = tpu.memref_slice %arg7[%add3A, %dma_start3A_401, %dma_start3A_402] : memref<32x4x128xi32, #tpu.memory_space<hbm>> -> memref<1x4x128xi32, #tpu.memory_space<hbm>>
      %dma_start3A_404 = tpu.memref_squeeze %dma_start3A_403 : memref<1x4x128xi32, #tpu.memory_space<hbm>> -> memref<4x128xi32, #tpu.memory_space<hbm>>
      %dma_start3A_405 = arith.constant 0 : i32
      %dma_start3A_406 = arith.constant 0 : i32
      %dma_start3A_407 = tpu.memref_slice %arg7[%add3A, %dma_start3A_405, %dma_start3A_406] : memref<32x4x128xi32, #tpu.memory_space<hbm>> -> memref<1x4x128xi32, #tpu.memory_space<hbm>>
      %dma_start3A_408 = tpu.memref_squeeze %dma_start3A_407 : memref<1x4x128xi32, #tpu.memory_space<hbm>> -> memref<4x128xi32, #tpu.memory_space<hbm>>
      tpu.enqueue_dma source(%dma_start3A_408 : memref<4x128xi32, #tpu.memory_space<hbm>>) target(%arg15 : memref<4x128xi32, #tpu.memory_space<vmem>>) target_semaphore(%run_scoped3A : memref<!tpu.dma_semaphore, #tpu.memory_space<semaphore_mem>>)
      %dma_wait3A_409 = arith.constant 0 : i32
      %dma_wait3A_410 = arith.constant 0 : i32
      %dma_wait3A_411 = tpu.memref_slice %arg7[%add3A, %dma_wait3A_409, %dma_wait3A_410] : memref<32x4x128xi32, #tpu.memory_space<hbm>> -> memref<1x4x128xi32, #tpu.memory_space<hbm>>
      %dma_wait3A_412 = tpu.memref_squeeze %dma_wait3A_411 : memref<1x4x128xi32, #tpu.memory_space<hbm>> -> memref<4x128xi32, #tpu.memory_space<hbm>>
      %dma_wait3A_413 = arith.constant 0 : i32
      %dma_wait3A_414 = arith.constant 0 : i32
      %dma_wait3A_415 = tpu.memref_slice %arg7[%add3A, %dma_wait3A_413, %dma_wait3A_414] : memref<32x4x128xi32, #tpu.memory_space<hbm>> -> memref<1x4x128xi32, #tpu.memory_space<hbm>>
      %dma_wait3A_416 = tpu.memref_squeeze %dma_wait3A_415 : memref<1x4x128xi32, #tpu.memory_space<hbm>> -> memref<4x128xi32, #tpu.memory_space<hbm>>
      tpu.wait_dma2 semaphore(%run_scoped3A : memref<!tpu.dma_semaphore, #tpu.memory_space<semaphore_mem>>) src(%dma_wait3A_416 : memref<4x128xi32, #tpu.memory_space<hbm>>) dst(%arg15 : memref<4x128xi32, #tpu.memory_space<vmem>>)
      tpu.yield
    }) : () -> ()
    %dma_start3A = arith.constant 0 : i32
    %dma_start3A_3 = arith.constant 0 : i32
    %dma_start3A_4 = arith.constant 0 : i32
    %dma_start3A_5 = tpu.memref_slice %arg16[%dma_start3A_3, %dma_start3A_4] : memref<512x32xf32, #tpu.memory_space<vmem>> -> memref<128x32xf32, #tpu.memory_space<vmem>>
    %dma_start3A_6 = arith.constant 0 : i32
    %dma_start3A_7 = tpu.memref_slice %arg13[%dma_start3A, %dma_start3A_6] : memref<4x128xi32, #tpu.memory_space<vmem>> -> memref<1x128xi32, #tpu.memory_space<vmem>>
    %dma_start3A_8 = tpu.memref_squeeze %dma_start3A_7 : memref<1x128xi32, #tpu.memory_space<vmem>> -> memref<128xi32, #tpu.memory_space<vmem>>
    %dma_start3A_9 = arith.constant 0 : i32
    %dma_start3A_10 = arith.constant 0 : i32
    %dma_start3A_11 = tpu.memref_slice %arg2[%dma_start3A_9, %dma_start3A_10] : memref<100000x32xf32, #tpu.memory_space<hbm>> -> memref<100000x32xf32, #tpu.memory_space<hbm>>
    tpu.enqueue_indirect_dma source(%dma_start3A_11 : memref<100000x32xf32, #tpu.memory_space<hbm>>) target(%dma_start3A_5 : memref<128x32xf32, #tpu.memory_space<vmem>>) offsets(%dma_start3A_8 : memref<128xi32, #tpu.memory_space<vmem>>) semaphore(%arg18 : memref<!tpu.dma_semaphore, #tpu.memory_space<semaphore_mem>>)
    %dma_start3A_12 = arith.constant 1 : i32
    %dma_start3A_13 = arith.constant 128 : i32
    %dma_start3A_14 = arith.constant 0 : i32
    %dma_start3A_15 = tpu.memref_slice %arg16[%dma_start3A_13, %dma_start3A_14] : memref<512x32xf32, #tpu.memory_space<vmem>> -> memref<128x32xf32, #tpu.memory_space<vmem>>
    %dma_start3A_16 = arith.constant 0 : i32
    %dma_start3A_17 = tpu.memref_slice %arg13[%dma_start3A_12, %dma_start3A_16] : memref<4x128xi32, #tpu.memory_space<vmem>> -> memref<1x128xi32, #tpu.memory_space<vmem>>
    %dma_start3A_18 = tpu.memref_squeeze %dma_start3A_17 : memref<1x128xi32, #tpu.memory_space<vmem>> -> memref<128xi32, #tpu.memory_space<vmem>>
    %dma_start3A_19 = arith.constant 0 : i32
    %dma_start3A_20 = arith.constant 0 : i32
    %dma_start3A_21 = tpu.memref_slice %arg2[%dma_start3A_19, %dma_start3A_20] : memref<100000x32xf32, #tpu.memory_space<hbm>> -> memref<100000x32xf32, #tpu.memory_space<hbm>>
    tpu.enqueue_indirect_dma source(%dma_start3A_21 : memref<100000x32xf32, #tpu.memory_space<hbm>>) target(%dma_start3A_15 : memref<128x32xf32, #tpu.memory_space<vmem>>) offsets(%dma_start3A_18 : memref<128xi32, #tpu.memory_space<vmem>>) semaphore(%arg18 : memref<!tpu.dma_semaphore, #tpu.memory_space<semaphore_mem>>)
    %dma_start3A_22 = arith.constant 2 : i32
    %dma_start3A_23 = arith.constant 256 : i32
    %dma_start3A_24 = arith.constant 0 : i32
    %dma_start3A_25 = tpu.memref_slice %arg16[%dma_start3A_23, %dma_start3A_24] : memref<512x32xf32, #tpu.memory_space<vmem>> -> memref<128x32xf32, #tpu.memory_space<vmem>>
    %dma_start3A_26 = arith.constant 0 : i32
    %dma_start3A_27 = tpu.memref_slice %arg13[%dma_start3A_22, %dma_start3A_26] : memref<4x128xi32, #tpu.memory_space<vmem>> -> memref<1x128xi32, #tpu.memory_space<vmem>>
    %dma_start3A_28 = tpu.memref_squeeze %dma_start3A_27 : memref<1x128xi32, #tpu.memory_space<vmem>> -> memref<128xi32, #tpu.memory_space<vmem>>
    %dma_start3A_29 = arith.constant 0 : i32
    %dma_start3A_30 = arith.constant 0 : i32
    %dma_start3A_31 = tpu.memref_slice %arg2[%dma_start3A_29, %dma_start3A_30] : memref<100000x32xf32, #tpu.memory_space<hbm>> -> memref<100000x32xf32, #tpu.memory_space<hbm>>
    tpu.enqueue_indirect_dma source(%dma_start3A_31 : memref<100000x32xf32, #tpu.memory_space<hbm>>) target(%dma_start3A_25 : memref<128x32xf32, #tpu.memory_space<vmem>>) offsets(%dma_start3A_28 : memref<128xi32, #tpu.memory_space<vmem>>) semaphore(%arg18 : memref<!tpu.dma_semaphore, #tpu.memory_space<semaphore_mem>>)
    %dma_start3A_32 = arith.constant 3 : i32
    %dma_start3A_33 = arith.constant 384 : i32
    %dma_start3A_34 = arith.constant 0 : i32
    %dma_start3A_35 = tpu.memref_slice %arg16[%dma_start3A_33, %dma_start3A_34] : memref<512x32xf32, #tpu.memory_space<vmem>> -> memref<128x32xf32, #tpu.memory_space<vmem>>
    %dma_start3A_36 = arith.constant 0 : i32
    %dma_start3A_37 = tpu.memref_slice %arg13[%dma_start3A_32, %dma_start3A_36] : memref<4x128xi32, #tpu.memory_space<vmem>> -> memref<1x128xi32, #tpu.memory_space<vmem>>
    %dma_start3A_38 = tpu.memref_squeeze %dma_start3A_37 : memref<1x128xi32, #tpu.memory_space<vmem>> -> memref<128xi32, #tpu.memory_space<vmem>>
    %dma_start3A_39 = arith.constant 0 : i32
    %dma_start3A_40 = arith.constant 0 : i32
    %dma_start3A_41 = tpu.memref_slice %arg2[%dma_start3A_39, %dma_start3A_40] : memref<100000x32xf32, #tpu.memory_space<hbm>> -> memref<100000x32xf32, #tpu.memory_space<hbm>>
    tpu.enqueue_indirect_dma source(%dma_start3A_41 : memref<100000x32xf32, #tpu.memory_space<hbm>>) target(%dma_start3A_35 : memref<128x32xf32, #tpu.memory_space<vmem>>) offsets(%dma_start3A_38 : memref<128xi32, #tpu.memory_space<vmem>>) semaphore(%arg18 : memref<!tpu.dma_semaphore, #tpu.memory_space<semaphore_mem>>)
    %dma_wait3A = arith.constant 0 : i32
    %dma_wait3A_42 = arith.constant 0 : i32
    %dma_wait3A_43 = arith.constant 0 : i32
    %dma_wait3A_44 = tpu.memref_slice %arg16[%dma_wait3A_42, %dma_wait3A_43] : memref<512x32xf32, #tpu.memory_space<vmem>> -> memref<128x32xf32, #tpu.memory_space<vmem>>
    %dma_wait3A_45 = arith.constant 0 : i32
    %dma_wait3A_46 = tpu.memref_slice %arg13[%dma_wait3A, %dma_wait3A_45] : memref<4x128xi32, #tpu.memory_space<vmem>> -> memref<1x128xi32, #tpu.memory_space<vmem>>
    %dma_wait3A_47 = tpu.memref_squeeze %dma_wait3A_46 : memref<1x128xi32, #tpu.memory_space<vmem>> -> memref<128xi32, #tpu.memory_space<vmem>>
    %dma_wait3A_48 = arith.constant 0 : i32
    %dma_wait3A_49 = arith.constant 0 : i32
    %dma_wait3A_50 = tpu.memref_slice %arg2[%dma_wait3A_48, %dma_wait3A_49] : memref<100000x32xf32, #tpu.memory_space<hbm>> -> memref<100000x32xf32, #tpu.memory_space<hbm>>
    tpu.wait_indirect_dma semaphore(%arg18 : memref<!tpu.dma_semaphore, #tpu.memory_space<semaphore_mem>>) src(%dma_wait3A_50 : memref<100000x32xf32, #tpu.memory_space<hbm>>) dst(%dma_wait3A_44 : memref<128x32xf32, #tpu.memory_space<vmem>>)
    %dma_wait3A_51 = arith.constant 1 : i32
    %dma_wait3A_52 = arith.constant 128 : i32
    %dma_wait3A_53 = arith.constant 0 : i32
    %dma_wait3A_54 = tpu.memref_slice %arg16[%dma_wait3A_52, %dma_wait3A_53] : memref<512x32xf32, #tpu.memory_space<vmem>> -> memref<128x32xf32, #tpu.memory_space<vmem>>
    %dma_wait3A_55 = arith.constant 0 : i32
    %dma_wait3A_56 = tpu.memref_slice %arg13[%dma_wait3A_51, %dma_wait3A_55] : memref<4x128xi32, #tpu.memory_space<vmem>> -> memref<1x128xi32, #tpu.memory_space<vmem>>
    %dma_wait3A_57 = tpu.memref_squeeze %dma_wait3A_56 : memref<1x128xi32, #tpu.memory_space<vmem>> -> memref<128xi32, #tpu.memory_space<vmem>>
    %dma_wait3A_58 = arith.constant 0 : i32
    %dma_wait3A_59 = arith.constant 0 : i32
    %dma_wait3A_60 = tpu.memref_slice %arg2[%dma_wait3A_58, %dma_wait3A_59] : memref<100000x32xf32, #tpu.memory_space<hbm>> -> memref<100000x32xf32, #tpu.memory_space<hbm>>
    tpu.wait_indirect_dma semaphore(%arg18 : memref<!tpu.dma_semaphore, #tpu.memory_space<semaphore_mem>>) src(%dma_wait3A_60 : memref<100000x32xf32, #tpu.memory_space<hbm>>) dst(%dma_wait3A_54 : memref<128x32xf32, #tpu.memory_space<vmem>>)
    %dma_wait3A_61 = arith.constant 2 : i32
    %dma_wait3A_62 = arith.constant 256 : i32
    %dma_wait3A_63 = arith.constant 0 : i32
    %dma_wait3A_64 = tpu.memref_slice %arg16[%dma_wait3A_62, %dma_wait3A_63] : memref<512x32xf32, #tpu.memory_space<vmem>> -> memref<128x32xf32, #tpu.memory_space<vmem>>
    %dma_wait3A_65 = arith.constant 0 : i32
    %dma_wait3A_66 = tpu.memref_slice %arg13[%dma_wait3A_61, %dma_wait3A_65] : memref<4x128xi32, #tpu.memory_space<vmem>> -> memref<1x128xi32, #tpu.memory_space<vmem>>
    %dma_wait3A_67 = tpu.memref_squeeze %dma_wait3A_66 : memref<1x128xi32, #tpu.memory_space<vmem>> -> memref<128xi32, #tpu.memory_space<vmem>>
    %dma_wait3A_68 = arith.constant 0 : i32
    %dma_wait3A_69 = arith.constant 0 : i32
    %dma_wait3A_70 = tpu.memref_slice %arg2[%dma_wait3A_68, %dma_wait3A_69] : memref<100000x32xf32, #tpu.memory_space<hbm>> -> memref<100000x32xf32, #tpu.memory_space<hbm>>
    tpu.wait_indirect_dma semaphore(%arg18 : memref<!tpu.dma_semaphore, #tpu.memory_space<semaphore_mem>>) src(%dma_wait3A_70 : memref<100000x32xf32, #tpu.memory_space<hbm>>) dst(%dma_wait3A_64 : memref<128x32xf32, #tpu.memory_space<vmem>>)
    %dma_wait3A_71 = arith.constant 3 : i32
    %dma_wait3A_72 = arith.constant 384 : i32
    %dma_wait3A_73 = arith.constant 0 : i32
    %dma_wait3A_74 = tpu.memref_slice %arg16[%dma_wait3A_72, %dma_wait3A_73] : memref<512x32xf32, #tpu.memory_space<vmem>> -> memref<128x32xf32, #tpu.memory_space<vmem>>
    %dma_wait3A_75 = arith.constant 0 : i32
    %dma_wait3A_76 = tpu.memref_slice %arg13[%dma_wait3A_71, %dma_wait3A_75] : memref<4x128xi32, #tpu.memory_space<vmem>> -> memref<1x128xi32, #tpu.memory_space<vmem>>
    %dma_wait3A_77 = tpu.memref_squeeze %dma_wait3A_76 : memref<1x128xi32, #tpu.memory_space<vmem>> -> memref<128xi32, #tpu.memory_space<vmem>>
    %dma_wait3A_78 = arith.constant 0 : i32
    %dma_wait3A_79 = arith.constant 0 : i32
    %dma_wait3A_80 = tpu.memref_slice %arg2[%dma_wait3A_78, %dma_wait3A_79] : memref<100000x32xf32, #tpu.memory_space<hbm>> -> memref<100000x32xf32, #tpu.memory_space<hbm>>
    tpu.wait_indirect_dma semaphore(%arg18 : memref<!tpu.dma_semaphore, #tpu.memory_space<semaphore_mem>>) src(%dma_wait3A_80 : memref<100000x32xf32, #tpu.memory_space<hbm>>) dst(%dma_wait3A_74 : memref<128x32xf32, #tpu.memory_space<vmem>>)
    %dma_start3A_81 = arith.constant 0 : i32
    %dma_start3A_82 = arith.constant 0 : i32
    %dma_start3A_83 = arith.constant 0 : i32
    %dma_start3A_84 = tpu.memref_slice %arg17[%dma_start3A_82, %dma_start3A_83] : memref<512x32xf32, #tpu.memory_space<vmem>> -> memref<128x32xf32, #tpu.memory_space<vmem>>
    %dma_start3A_85 = arith.constant 0 : i32
    %dma_start3A_86 = tpu.memref_slice %arg13[%dma_start3A_81, %dma_start3A_85] : memref<4x128xi32, #tpu.memory_space<vmem>> -> memref<1x128xi32, #tpu.memory_space<vmem>>
    %dma_start3A_87 = tpu.memref_squeeze %dma_start3A_86 : memref<1x128xi32, #tpu.memory_space<vmem>> -> memref<128xi32, #tpu.memory_space<vmem>>
    %dma_start3A_88 = arith.constant 0 : i32
    %dma_start3A_89 = arith.constant 0 : i32
    %dma_start3A_90 = tpu.memref_slice %arg3[%dma_start3A_88, %dma_start3A_89] : memref<100000x32xf32, #tpu.memory_space<hbm>> -> memref<100000x32xf32, #tpu.memory_space<hbm>>
    tpu.enqueue_indirect_dma source(%dma_start3A_90 : memref<100000x32xf32, #tpu.memory_space<hbm>>) target(%dma_start3A_84 : memref<128x32xf32, #tpu.memory_space<vmem>>) offsets(%dma_start3A_87 : memref<128xi32, #tpu.memory_space<vmem>>) semaphore(%arg19 : memref<!tpu.dma_semaphore, #tpu.memory_space<semaphore_mem>>)
    %dma_start3A_91 = arith.constant 1 : i32
    %dma_start3A_92 = arith.constant 128 : i32
    %dma_start3A_93 = arith.constant 0 : i32
    %dma_start3A_94 = tpu.memref_slice %arg17[%dma_start3A_92, %dma_start3A_93] : memref<512x32xf32, #tpu.memory_space<vmem>> -> memref<128x32xf32, #tpu.memory_space<vmem>>
    %dma_start3A_95 = arith.constant 0 : i32
    %dma_start3A_96 = tpu.memref_slice %arg13[%dma_start3A_91, %dma_start3A_95] : memref<4x128xi32, #tpu.memory_space<vmem>> -> memref<1x128xi32, #tpu.memory_space<vmem>>
    %dma_start3A_97 = tpu.memref_squeeze %dma_start3A_96 : memref<1x128xi32, #tpu.memory_space<vmem>> -> memref<128xi32, #tpu.memory_space<vmem>>
    %dma_start3A_98 = arith.constant 0 : i32
    %dma_start3A_99 = arith.constant 0 : i32
    %dma_start3A_100 = tpu.memref_slice %arg3[%dma_start3A_98, %dma_start3A_99] : memref<100000x32xf32, #tpu.memory_space<hbm>> -> memref<100000x32xf32, #tpu.memory_space<hbm>>
    tpu.enqueue_indirect_dma source(%dma_start3A_100 : memref<100000x32xf32, #tpu.memory_space<hbm>>) target(%dma_start3A_94 : memref<128x32xf32, #tpu.memory_space<vmem>>) offsets(%dma_start3A_97 : memref<128xi32, #tpu.memory_space<vmem>>) semaphore(%arg19 : memref<!tpu.dma_semaphore, #tpu.memory_space<semaphore_mem>>)
    %dma_start3A_101 = arith.constant 2 : i32
    %dma_start3A_102 = arith.constant 256 : i32
    %dma_start3A_103 = arith.constant 0 : i32
    %dma_start3A_104 = tpu.memref_slice %arg17[%dma_start3A_102, %dma_start3A_103] : memref<512x32xf32, #tpu.memory_space<vmem>> -> memref<128x32xf32, #tpu.memory_space<vmem>>
    %dma_start3A_105 = arith.constant 0 : i32
    %dma_start3A_106 = tpu.memref_slice %arg13[%dma_start3A_101, %dma_start3A_105] : memref<4x128xi32, #tpu.memory_space<vmem>> -> memref<1x128xi32, #tpu.memory_space<vmem>>
    %dma_start3A_107 = tpu.memref_squeeze %dma_start3A_106 : memref<1x128xi32, #tpu.memory_space<vmem>> -> memref<128xi32, #tpu.memory_space<vmem>>
    %dma_start3A_108 = arith.constant 0 : i32
    %dma_start3A_109 = arith.constant 0 : i32
    %dma_start3A_110 = tpu.memref_slice %arg3[%dma_start3A_108, %dma_start3A_109] : memref<100000x32xf32, #tpu.memory_space<hbm>> -> memref<100000x32xf32, #tpu.memory_space<hbm>>
    tpu.enqueue_indirect_dma source(%dma_start3A_110 : memref<100000x32xf32, #tpu.memory_space<hbm>>) target(%dma_start3A_104 : memref<128x32xf32, #tpu.memory_space<vmem>>) offsets(%dma_start3A_107 : memref<128xi32, #tpu.memory_space<vmem>>) semaphore(%arg19 : memref<!tpu.dma_semaphore, #tpu.memory_space<semaphore_mem>>)
    %dma_start3A_111 = arith.constant 3 : i32
    %dma_start3A_112 = arith.constant 384 : i32
    %dma_start3A_113 = arith.constant 0 : i32
    %dma_start3A_114 = tpu.memref_slice %arg17[%dma_start3A_112, %dma_start3A_113] : memref<512x32xf32, #tpu.memory_space<vmem>> -> memref<128x32xf32, #tpu.memory_space<vmem>>
    %dma_start3A_115 = arith.constant 0 : i32
    %dma_start3A_116 = tpu.memref_slice %arg13[%dma_start3A_111, %dma_start3A_115] : memref<4x128xi32, #tpu.memory_space<vmem>> -> memref<1x128xi32, #tpu.memory_space<vmem>>
    %dma_start3A_117 = tpu.memref_squeeze %dma_start3A_116 : memref<1x128xi32, #tpu.memory_space<vmem>> -> memref<128xi32, #tpu.memory_space<vmem>>
    %dma_start3A_118 = arith.constant 0 : i32
    %dma_start3A_119 = arith.constant 0 : i32
    %dma_start3A_120 = tpu.memref_slice %arg3[%dma_start3A_118, %dma_start3A_119] : memref<100000x32xf32, #tpu.memory_space<hbm>> -> memref<100000x32xf32, #tpu.memory_space<hbm>>
    tpu.enqueue_indirect_dma source(%dma_start3A_120 : memref<100000x32xf32, #tpu.memory_space<hbm>>) target(%dma_start3A_114 : memref<128x32xf32, #tpu.memory_space<vmem>>) offsets(%dma_start3A_117 : memref<128xi32, #tpu.memory_space<vmem>>) semaphore(%arg19 : memref<!tpu.dma_semaphore, #tpu.memory_space<semaphore_mem>>)
    "tpu.region"() ({
      %run_scoped3A = tpu.sem_alloc : memref<!tpu.dma_semaphore, #tpu.memory_space<semaphore_mem>>
      %dma_start3A_401 = arith.constant 0 : i32
      %dma_start3A_402 = tpu.memref_slice %arg8[%mul3A_2, %dma_start3A_401] : memref<16384x32xf32, #tpu.memory_space<hbm>> -> memref<512x32xf32, #tpu.memory_space<hbm>>
      %dma_start3A_403 = arith.constant 0 : i32
      %dma_start3A_404 = tpu.memref_slice %arg8[%mul3A_2, %dma_start3A_403] : memref<16384x32xf32, #tpu.memory_space<hbm>> -> memref<512x32xf32, #tpu.memory_space<hbm>>
      tpu.enqueue_dma source(%arg16 : memref<512x32xf32, #tpu.memory_space<vmem>>) target(%dma_start3A_404 : memref<512x32xf32, #tpu.memory_space<hbm>>) target_semaphore(%run_scoped3A : memref<!tpu.dma_semaphore, #tpu.memory_space<semaphore_mem>>)
      %dma_wait3A_405 = arith.constant 0 : i32
      %dma_wait3A_406 = tpu.memref_slice %arg8[%mul3A_2, %dma_wait3A_405] : memref<16384x32xf32, #tpu.memory_space<hbm>> -> memref<512x32xf32, #tpu.memory_space<hbm>>
      %dma_wait3A_407 = arith.constant 0 : i32
      %dma_wait3A_408 = tpu.memref_slice %arg8[%mul3A_2, %dma_wait3A_407] : memref<16384x32xf32, #tpu.memory_space<hbm>> -> memref<512x32xf32, #tpu.memory_space<hbm>>
      tpu.wait_dma2 semaphore(%run_scoped3A : memref<!tpu.dma_semaphore, #tpu.memory_space<semaphore_mem>>) src(%arg16 : memref<512x32xf32, #tpu.memory_space<vmem>>) dst(%dma_wait3A_408 : memref<512x32xf32, #tpu.memory_space<hbm>>)
      tpu.yield
    }) : () -> ()
    %dma_wait3A_121 = arith.constant 0 : i32
    %dma_wait3A_122 = arith.constant 0 : i32
    %dma_wait3A_123 = arith.constant 0 : i32
    %dma_wait3A_124 = tpu.memref_slice %arg17[%dma_wait3A_122, %dma_wait3A_123] : memref<512x32xf32, #tpu.memory_space<vmem>> -> memref<128x32xf32, #tpu.memory_space<vmem>>
    %dma_wait3A_125 = arith.constant 0 : i32
    %dma_wait3A_126 = tpu.memref_slice %arg13[%dma_wait3A_121, %dma_wait3A_125] : memref<4x128xi32, #tpu.memory_space<vmem>> -> memref<1x128xi32, #tpu.memory_space<vmem>>
    %dma_wait3A_127 = tpu.memref_squeeze %dma_wait3A_126 : memref<1x128xi32, #tpu.memory_space<vmem>> -> memref<128xi32, #tpu.memory_space<vmem>>
    %dma_wait3A_128 = arith.constant 0 : i32
    %dma_wait3A_129 = arith.constant 0 : i32
    %dma_wait3A_130 = tpu.memref_slice %arg3[%dma_wait3A_128, %dma_wait3A_129] : memref<100000x32xf32, #tpu.memory_space<hbm>> -> memref<100000x32xf32, #tpu.memory_space<hbm>>
    tpu.wait_indirect_dma semaphore(%arg19 : memref<!tpu.dma_semaphore, #tpu.memory_space<semaphore_mem>>) src(%dma_wait3A_130 : memref<100000x32xf32, #tpu.memory_space<hbm>>) dst(%dma_wait3A_124 : memref<128x32xf32, #tpu.memory_space<vmem>>)
    %dma_wait3A_131 = arith.constant 1 : i32
    %dma_wait3A_132 = arith.constant 128 : i32
    %dma_wait3A_133 = arith.constant 0 : i32
    %dma_wait3A_134 = tpu.memref_slice %arg17[%dma_wait3A_132, %dma_wait3A_133] : memref<512x32xf32, #tpu.memory_space<vmem>> -> memref<128x32xf32, #tpu.memory_space<vmem>>
    %dma_wait3A_135 = arith.constant 0 : i32
    %dma_wait3A_136 = tpu.memref_slice %arg13[%dma_wait3A_131, %dma_wait3A_135] : memref<4x128xi32, #tpu.memory_space<vmem>> -> memref<1x128xi32, #tpu.memory_space<vmem>>
    %dma_wait3A_137 = tpu.memref_squeeze %dma_wait3A_136 : memref<1x128xi32, #tpu.memory_space<vmem>> -> memref<128xi32, #tpu.memory_space<vmem>>
    %dma_wait3A_138 = arith.constant 0 : i32
    %dma_wait3A_139 = arith.constant 0 : i32
    %dma_wait3A_140 = tpu.memref_slice %arg3[%dma_wait3A_138, %dma_wait3A_139] : memref<100000x32xf32, #tpu.memory_space<hbm>> -> memref<100000x32xf32, #tpu.memory_space<hbm>>
    tpu.wait_indirect_dma semaphore(%arg19 : memref<!tpu.dma_semaphore, #tpu.memory_space<semaphore_mem>>) src(%dma_wait3A_140 : memref<100000x32xf32, #tpu.memory_space<hbm>>) dst(%dma_wait3A_134 : memref<128x32xf32, #tpu.memory_space<vmem>>)
    %dma_wait3A_141 = arith.constant 2 : i32
    %dma_wait3A_142 = arith.constant 256 : i32
    %dma_wait3A_143 = arith.constant 0 : i32
    %dma_wait3A_144 = tpu.memref_slice %arg17[%dma_wait3A_142, %dma_wait3A_143] : memref<512x32xf32, #tpu.memory_space<vmem>> -> memref<128x32xf32, #tpu.memory_space<vmem>>
    %dma_wait3A_145 = arith.constant 0 : i32
    %dma_wait3A_146 = tpu.memref_slice %arg13[%dma_wait3A_141, %dma_wait3A_145] : memref<4x128xi32, #tpu.memory_space<vmem>> -> memref<1x128xi32, #tpu.memory_space<vmem>>
    %dma_wait3A_147 = tpu.memref_squeeze %dma_wait3A_146 : memref<1x128xi32, #tpu.memory_space<vmem>> -> memref<128xi32, #tpu.memory_space<vmem>>
    %dma_wait3A_148 = arith.constant 0 : i32
    %dma_wait3A_149 = arith.constant 0 : i32
    %dma_wait3A_150 = tpu.memref_slice %arg3[%dma_wait3A_148, %dma_wait3A_149] : memref<100000x32xf32, #tpu.memory_space<hbm>> -> memref<100000x32xf32, #tpu.memory_space<hbm>>
    tpu.wait_indirect_dma semaphore(%arg19 : memref<!tpu.dma_semaphore, #tpu.memory_space<semaphore_mem>>) src(%dma_wait3A_150 : memref<100000x32xf32, #tpu.memory_space<hbm>>) dst(%dma_wait3A_144 : memref<128x32xf32, #tpu.memory_space<vmem>>)
    %dma_wait3A_151 = arith.constant 3 : i32
    %dma_wait3A_152 = arith.constant 384 : i32
    %dma_wait3A_153 = arith.constant 0 : i32
    %dma_wait3A_154 = tpu.memref_slice %arg17[%dma_wait3A_152, %dma_wait3A_153] : memref<512x32xf32, #tpu.memory_space<vmem>> -> memref<128x32xf32, #tpu.memory_space<vmem>>
    %dma_wait3A_155 = arith.constant 0 : i32
    %dma_wait3A_156 = tpu.memref_slice %arg13[%dma_wait3A_151, %dma_wait3A_155] : memref<4x128xi32, #tpu.memory_space<vmem>> -> memref<1x128xi32, #tpu.memory_space<vmem>>
    %dma_wait3A_157 = tpu.memref_squeeze %dma_wait3A_156 : memref<1x128xi32, #tpu.memory_space<vmem>> -> memref<128xi32, #tpu.memory_space<vmem>>
    %dma_wait3A_158 = arith.constant 0 : i32
    %dma_wait3A_159 = arith.constant 0 : i32
    %dma_wait3A_160 = tpu.memref_slice %arg3[%dma_wait3A_158, %dma_wait3A_159] : memref<100000x32xf32, #tpu.memory_space<hbm>> -> memref<100000x32xf32, #tpu.memory_space<hbm>>
    tpu.wait_indirect_dma semaphore(%arg19 : memref<!tpu.dma_semaphore, #tpu.memory_space<semaphore_mem>>) src(%dma_wait3A_160 : memref<100000x32xf32, #tpu.memory_space<hbm>>) dst(%dma_wait3A_154 : memref<128x32xf32, #tpu.memory_space<vmem>>)
    %dma_start3A_161 = arith.constant 0 : i32
    %dma_start3A_162 = arith.constant 0 : i32
    %dma_start3A_163 = arith.constant 0 : i32
    %dma_start3A_164 = tpu.memref_slice %arg16[%dma_start3A_162, %dma_start3A_163] : memref<512x32xf32, #tpu.memory_space<vmem>> -> memref<128x32xf32, #tpu.memory_space<vmem>>
    %dma_start3A_165 = arith.constant 0 : i32
    %dma_start3A_166 = tpu.memref_slice %arg14[%dma_start3A_161, %dma_start3A_165] : memref<4x128xi32, #tpu.memory_space<vmem>> -> memref<1x128xi32, #tpu.memory_space<vmem>>
    %dma_start3A_167 = tpu.memref_squeeze %dma_start3A_166 : memref<1x128xi32, #tpu.memory_space<vmem>> -> memref<128xi32, #tpu.memory_space<vmem>>
    %dma_start3A_168 = arith.constant 0 : i32
    %dma_start3A_169 = arith.constant 0 : i32
    %dma_start3A_170 = tpu.memref_slice %arg3[%dma_start3A_168, %dma_start3A_169] : memref<100000x32xf32, #tpu.memory_space<hbm>> -> memref<100000x32xf32, #tpu.memory_space<hbm>>
    tpu.enqueue_indirect_dma source(%dma_start3A_170 : memref<100000x32xf32, #tpu.memory_space<hbm>>) target(%dma_start3A_164 : memref<128x32xf32, #tpu.memory_space<vmem>>) offsets(%dma_start3A_167 : memref<128xi32, #tpu.memory_space<vmem>>) semaphore(%arg18 : memref<!tpu.dma_semaphore, #tpu.memory_space<semaphore_mem>>)
    %dma_start3A_171 = arith.constant 1 : i32
    %dma_start3A_172 = arith.constant 128 : i32
    %dma_start3A_173 = arith.constant 0 : i32
    %dma_start3A_174 = tpu.memref_slice %arg16[%dma_start3A_172, %dma_start3A_173] : memref<512x32xf32, #tpu.memory_space<vmem>> -> memref<128x32xf32, #tpu.memory_space<vmem>>
    %dma_start3A_175 = arith.constant 0 : i32
    %dma_start3A_176 = tpu.memref_slice %arg14[%dma_start3A_171, %dma_start3A_175] : memref<4x128xi32, #tpu.memory_space<vmem>> -> memref<1x128xi32, #tpu.memory_space<vmem>>
    %dma_start3A_177 = tpu.memref_squeeze %dma_start3A_176 : memref<1x128xi32, #tpu.memory_space<vmem>> -> memref<128xi32, #tpu.memory_space<vmem>>
    %dma_start3A_178 = arith.constant 0 : i32
    %dma_start3A_179 = arith.constant 0 : i32
    %dma_start3A_180 = tpu.memref_slice %arg3[%dma_start3A_178, %dma_start3A_179] : memref<100000x32xf32, #tpu.memory_space<hbm>> -> memref<100000x32xf32, #tpu.memory_space<hbm>>
    tpu.enqueue_indirect_dma source(%dma_start3A_180 : memref<100000x32xf32, #tpu.memory_space<hbm>>) target(%dma_start3A_174 : memref<128x32xf32, #tpu.memory_space<vmem>>) offsets(%dma_start3A_177 : memref<128xi32, #tpu.memory_space<vmem>>) semaphore(%arg18 : memref<!tpu.dma_semaphore, #tpu.memory_space<semaphore_mem>>)
    %dma_start3A_181 = arith.constant 2 : i32
    %dma_start3A_182 = arith.constant 256 : i32
    %dma_start3A_183 = arith.constant 0 : i32
    %dma_start3A_184 = tpu.memref_slice %arg16[%dma_start3A_182, %dma_start3A_183] : memref<512x32xf32, #tpu.memory_space<vmem>> -> memref<128x32xf32, #tpu.memory_space<vmem>>
    %dma_start3A_185 = arith.constant 0 : i32
    %dma_start3A_186 = tpu.memref_slice %arg14[%dma_start3A_181, %dma_start3A_185] : memref<4x128xi32, #tpu.memory_space<vmem>> -> memref<1x128xi32, #tpu.memory_space<vmem>>
    %dma_start3A_187 = tpu.memref_squeeze %dma_start3A_186 : memref<1x128xi32, #tpu.memory_space<vmem>> -> memref<128xi32, #tpu.memory_space<vmem>>
    %dma_start3A_188 = arith.constant 0 : i32
    %dma_start3A_189 = arith.constant 0 : i32
    %dma_start3A_190 = tpu.memref_slice %arg3[%dma_start3A_188, %dma_start3A_189] : memref<100000x32xf32, #tpu.memory_space<hbm>> -> memref<100000x32xf32, #tpu.memory_space<hbm>>
    tpu.enqueue_indirect_dma source(%dma_start3A_190 : memref<100000x32xf32, #tpu.memory_space<hbm>>) target(%dma_start3A_184 : memref<128x32xf32, #tpu.memory_space<vmem>>) offsets(%dma_start3A_187 : memref<128xi32, #tpu.memory_space<vmem>>) semaphore(%arg18 : memref<!tpu.dma_semaphore, #tpu.memory_space<semaphore_mem>>)
    %dma_start3A_191 = arith.constant 3 : i32
    %dma_start3A_192 = arith.constant 384 : i32
    %dma_start3A_193 = arith.constant 0 : i32
    %dma_start3A_194 = tpu.memref_slice %arg16[%dma_start3A_192, %dma_start3A_193] : memref<512x32xf32, #tpu.memory_space<vmem>> -> memref<128x32xf32, #tpu.memory_space<vmem>>
    %dma_start3A_195 = arith.constant 0 : i32
    %dma_start3A_196 = tpu.memref_slice %arg14[%dma_start3A_191, %dma_start3A_195] : memref<4x128xi32, #tpu.memory_space<vmem>> -> memref<1x128xi32, #tpu.memory_space<vmem>>
    %dma_start3A_197 = tpu.memref_squeeze %dma_start3A_196 : memref<1x128xi32, #tpu.memory_space<vmem>> -> memref<128xi32, #tpu.memory_space<vmem>>
    %dma_start3A_198 = arith.constant 0 : i32
    %dma_start3A_199 = arith.constant 0 : i32
    %dma_start3A_200 = tpu.memref_slice %arg3[%dma_start3A_198, %dma_start3A_199] : memref<100000x32xf32, #tpu.memory_space<hbm>> -> memref<100000x32xf32, #tpu.memory_space<hbm>>
    tpu.enqueue_indirect_dma source(%dma_start3A_200 : memref<100000x32xf32, #tpu.memory_space<hbm>>) target(%dma_start3A_194 : memref<128x32xf32, #tpu.memory_space<vmem>>) offsets(%dma_start3A_197 : memref<128xi32, #tpu.memory_space<vmem>>) semaphore(%arg18 : memref<!tpu.dma_semaphore, #tpu.memory_space<semaphore_mem>>)
    "tpu.region"() ({
      %run_scoped3A = tpu.sem_alloc : memref<!tpu.dma_semaphore, #tpu.memory_space<semaphore_mem>>
      %dma_start3A_401 = arith.constant 0 : i32
      %dma_start3A_402 = tpu.memref_slice %arg9[%mul3A_2, %dma_start3A_401] : memref<16384x32xf32, #tpu.memory_space<hbm>> -> memref<512x32xf32, #tpu.memory_space<hbm>>
      %dma_start3A_403 = arith.constant 0 : i32
      %dma_start3A_404 = tpu.memref_slice %arg9[%mul3A_2, %dma_start3A_403] : memref<16384x32xf32, #tpu.memory_space<hbm>> -> memref<512x32xf32, #tpu.memory_space<hbm>>
      tpu.enqueue_dma source(%arg17 : memref<512x32xf32, #tpu.memory_space<vmem>>) target(%dma_start3A_404 : memref<512x32xf32, #tpu.memory_space<hbm>>) target_semaphore(%run_scoped3A : memref<!tpu.dma_semaphore, #tpu.memory_space<semaphore_mem>>)
      %dma_wait3A_405 = arith.constant 0 : i32
      %dma_wait3A_406 = tpu.memref_slice %arg9[%mul3A_2, %dma_wait3A_405] : memref<16384x32xf32, #tpu.memory_space<hbm>> -> memref<512x32xf32, #tpu.memory_space<hbm>>
      %dma_wait3A_407 = arith.constant 0 : i32
      %dma_wait3A_408 = tpu.memref_slice %arg9[%mul3A_2, %dma_wait3A_407] : memref<16384x32xf32, #tpu.memory_space<hbm>> -> memref<512x32xf32, #tpu.memory_space<hbm>>
      tpu.wait_dma2 semaphore(%run_scoped3A : memref<!tpu.dma_semaphore, #tpu.memory_space<semaphore_mem>>) src(%arg17 : memref<512x32xf32, #tpu.memory_space<vmem>>) dst(%dma_wait3A_408 : memref<512x32xf32, #tpu.memory_space<hbm>>)
      tpu.yield
    }) : () -> ()
    %dma_wait3A_201 = arith.constant 0 : i32
    %dma_wait3A_202 = arith.constant 0 : i32
    %dma_wait3A_203 = arith.constant 0 : i32
    %dma_wait3A_204 = tpu.memref_slice %arg16[%dma_wait3A_202, %dma_wait3A_203] : memref<512x32xf32, #tpu.memory_space<vmem>> -> memref<128x32xf32, #tpu.memory_space<vmem>>
    %dma_wait3A_205 = arith.constant 0 : i32
    %dma_wait3A_206 = tpu.memref_slice %arg14[%dma_wait3A_201, %dma_wait3A_205] : memref<4x128xi32, #tpu.memory_space<vmem>> -> memref<1x128xi32, #tpu.memory_space<vmem>>
    %dma_wait3A_207 = tpu.memref_squeeze %dma_wait3A_206 : memref<1x128xi32, #tpu.memory_space<vmem>> -> memref<128xi32, #tpu.memory_space<vmem>>
    %dma_wait3A_208 = arith.constant 0 : i32
    %dma_wait3A_209 = arith.constant 0 : i32
    %dma_wait3A_210 = tpu.memref_slice %arg3[%dma_wait3A_208, %dma_wait3A_209] : memref<100000x32xf32, #tpu.memory_space<hbm>> -> memref<100000x32xf32, #tpu.memory_space<hbm>>
    tpu.wait_indirect_dma semaphore(%arg18 : memref<!tpu.dma_semaphore, #tpu.memory_space<semaphore_mem>>) src(%dma_wait3A_210 : memref<100000x32xf32, #tpu.memory_space<hbm>>) dst(%dma_wait3A_204 : memref<128x32xf32, #tpu.memory_space<vmem>>)
    %dma_wait3A_211 = arith.constant 1 : i32
    %dma_wait3A_212 = arith.constant 128 : i32
    %dma_wait3A_213 = arith.constant 0 : i32
    %dma_wait3A_214 = tpu.memref_slice %arg16[%dma_wait3A_212, %dma_wait3A_213] : memref<512x32xf32, #tpu.memory_space<vmem>> -> memref<128x32xf32, #tpu.memory_space<vmem>>
    %dma_wait3A_215 = arith.constant 0 : i32
    %dma_wait3A_216 = tpu.memref_slice %arg14[%dma_wait3A_211, %dma_wait3A_215] : memref<4x128xi32, #tpu.memory_space<vmem>> -> memref<1x128xi32, #tpu.memory_space<vmem>>
    %dma_wait3A_217 = tpu.memref_squeeze %dma_wait3A_216 : memref<1x128xi32, #tpu.memory_space<vmem>> -> memref<128xi32, #tpu.memory_space<vmem>>
    %dma_wait3A_218 = arith.constant 0 : i32
    %dma_wait3A_219 = arith.constant 0 : i32
    %dma_wait3A_220 = tpu.memref_slice %arg3[%dma_wait3A_218, %dma_wait3A_219] : memref<100000x32xf32, #tpu.memory_space<hbm>> -> memref<100000x32xf32, #tpu.memory_space<hbm>>
    tpu.wait_indirect_dma semaphore(%arg18 : memref<!tpu.dma_semaphore, #tpu.memory_space<semaphore_mem>>) src(%dma_wait3A_220 : memref<100000x32xf32, #tpu.memory_space<hbm>>) dst(%dma_wait3A_214 : memref<128x32xf32, #tpu.memory_space<vmem>>)
    %dma_wait3A_221 = arith.constant 2 : i32
    %dma_wait3A_222 = arith.constant 256 : i32
    %dma_wait3A_223 = arith.constant 0 : i32
    %dma_wait3A_224 = tpu.memref_slice %arg16[%dma_wait3A_222, %dma_wait3A_223] : memref<512x32xf32, #tpu.memory_space<vmem>> -> memref<128x32xf32, #tpu.memory_space<vmem>>
    %dma_wait3A_225 = arith.constant 0 : i32
    %dma_wait3A_226 = tpu.memref_slice %arg14[%dma_wait3A_221, %dma_wait3A_225] : memref<4x128xi32, #tpu.memory_space<vmem>> -> memref<1x128xi32, #tpu.memory_space<vmem>>
    %dma_wait3A_227 = tpu.memref_squeeze %dma_wait3A_226 : memref<1x128xi32, #tpu.memory_space<vmem>> -> memref<128xi32, #tpu.memory_space<vmem>>
    %dma_wait3A_228 = arith.constant 0 : i32
    %dma_wait3A_229 = arith.constant 0 : i32
    %dma_wait3A_230 = tpu.memref_slice %arg3[%dma_wait3A_228, %dma_wait3A_229] : memref<100000x32xf32, #tpu.memory_space<hbm>> -> memref<100000x32xf32, #tpu.memory_space<hbm>>
    tpu.wait_indirect_dma semaphore(%arg18 : memref<!tpu.dma_semaphore, #tpu.memory_space<semaphore_mem>>) src(%dma_wait3A_230 : memref<100000x32xf32, #tpu.memory_space<hbm>>) dst(%dma_wait3A_224 : memref<128x32xf32, #tpu.memory_space<vmem>>)
    %dma_wait3A_231 = arith.constant 3 : i32
    %dma_wait3A_232 = arith.constant 384 : i32
    %dma_wait3A_233 = arith.constant 0 : i32
    %dma_wait3A_234 = tpu.memref_slice %arg16[%dma_wait3A_232, %dma_wait3A_233] : memref<512x32xf32, #tpu.memory_space<vmem>> -> memref<128x32xf32, #tpu.memory_space<vmem>>
    %dma_wait3A_235 = arith.constant 0 : i32
    %dma_wait3A_236 = tpu.memref_slice %arg14[%dma_wait3A_231, %dma_wait3A_235] : memref<4x128xi32, #tpu.memory_space<vmem>> -> memref<1x128xi32, #tpu.memory_space<vmem>>
    %dma_wait3A_237 = tpu.memref_squeeze %dma_wait3A_236 : memref<1x128xi32, #tpu.memory_space<vmem>> -> memref<128xi32, #tpu.memory_space<vmem>>
    %dma_wait3A_238 = arith.constant 0 : i32
    %dma_wait3A_239 = arith.constant 0 : i32
    %dma_wait3A_240 = tpu.memref_slice %arg3[%dma_wait3A_238, %dma_wait3A_239] : memref<100000x32xf32, #tpu.memory_space<hbm>> -> memref<100000x32xf32, #tpu.memory_space<hbm>>
    tpu.wait_indirect_dma semaphore(%arg18 : memref<!tpu.dma_semaphore, #tpu.memory_space<semaphore_mem>>) src(%dma_wait3A_240 : memref<100000x32xf32, #tpu.memory_space<hbm>>) dst(%dma_wait3A_234 : memref<128x32xf32, #tpu.memory_space<vmem>>)
    %dma_start3A_241 = arith.constant 0 : i32
    %dma_start3A_242 = arith.constant 0 : i32
    %dma_start3A_243 = arith.constant 0 : i32
    %dma_start3A_244 = tpu.memref_slice %arg17[%dma_start3A_242, %dma_start3A_243] : memref<512x32xf32, #tpu.memory_space<vmem>> -> memref<128x32xf32, #tpu.memory_space<vmem>>
    %dma_start3A_245 = arith.constant 0 : i32
    %dma_start3A_246 = tpu.memref_slice %arg13[%dma_start3A_241, %dma_start3A_245] : memref<4x128xi32, #tpu.memory_space<vmem>> -> memref<1x128xi32, #tpu.memory_space<vmem>>
    %dma_start3A_247 = tpu.memref_squeeze %dma_start3A_246 : memref<1x128xi32, #tpu.memory_space<vmem>> -> memref<128xi32, #tpu.memory_space<vmem>>
    %dma_start3A_248 = arith.constant 0 : i32
    %dma_start3A_249 = arith.constant 0 : i32
    %dma_start3A_250 = tpu.memref_slice %arg4[%dma_start3A_248, %dma_start3A_249] : memref<100000x32xf32, #tpu.memory_space<hbm>> -> memref<100000x32xf32, #tpu.memory_space<hbm>>
    tpu.enqueue_indirect_dma source(%dma_start3A_250 : memref<100000x32xf32, #tpu.memory_space<hbm>>) target(%dma_start3A_244 : memref<128x32xf32, #tpu.memory_space<vmem>>) offsets(%dma_start3A_247 : memref<128xi32, #tpu.memory_space<vmem>>) semaphore(%arg19 : memref<!tpu.dma_semaphore, #tpu.memory_space<semaphore_mem>>)
    %dma_start3A_251 = arith.constant 1 : i32
    %dma_start3A_252 = arith.constant 128 : i32
    %dma_start3A_253 = arith.constant 0 : i32
    %dma_start3A_254 = tpu.memref_slice %arg17[%dma_start3A_252, %dma_start3A_253] : memref<512x32xf32, #tpu.memory_space<vmem>> -> memref<128x32xf32, #tpu.memory_space<vmem>>
    %dma_start3A_255 = arith.constant 0 : i32
    %dma_start3A_256 = tpu.memref_slice %arg13[%dma_start3A_251, %dma_start3A_255] : memref<4x128xi32, #tpu.memory_space<vmem>> -> memref<1x128xi32, #tpu.memory_space<vmem>>
    %dma_start3A_257 = tpu.memref_squeeze %dma_start3A_256 : memref<1x128xi32, #tpu.memory_space<vmem>> -> memref<128xi32, #tpu.memory_space<vmem>>
    %dma_start3A_258 = arith.constant 0 : i32
    %dma_start3A_259 = arith.constant 0 : i32
    %dma_start3A_260 = tpu.memref_slice %arg4[%dma_start3A_258, %dma_start3A_259] : memref<100000x32xf32, #tpu.memory_space<hbm>> -> memref<100000x32xf32, #tpu.memory_space<hbm>>
    tpu.enqueue_indirect_dma source(%dma_start3A_260 : memref<100000x32xf32, #tpu.memory_space<hbm>>) target(%dma_start3A_254 : memref<128x32xf32, #tpu.memory_space<vmem>>) offsets(%dma_start3A_257 : memref<128xi32, #tpu.memory_space<vmem>>) semaphore(%arg19 : memref<!tpu.dma_semaphore, #tpu.memory_space<semaphore_mem>>)
    %dma_start3A_261 = arith.constant 2 : i32
    %dma_start3A_262 = arith.constant 256 : i32
    %dma_start3A_263 = arith.constant 0 : i32
    %dma_start3A_264 = tpu.memref_slice %arg17[%dma_start3A_262, %dma_start3A_263] : memref<512x32xf32, #tpu.memory_space<vmem>> -> memref<128x32xf32, #tpu.memory_space<vmem>>
    %dma_start3A_265 = arith.constant 0 : i32
    %dma_start3A_266 = tpu.memref_slice %arg13[%dma_start3A_261, %dma_start3A_265] : memref<4x128xi32, #tpu.memory_space<vmem>> -> memref<1x128xi32, #tpu.memory_space<vmem>>
    %dma_start3A_267 = tpu.memref_squeeze %dma_start3A_266 : memref<1x128xi32, #tpu.memory_space<vmem>> -> memref<128xi32, #tpu.memory_space<vmem>>
    %dma_start3A_268 = arith.constant 0 : i32
    %dma_start3A_269 = arith.constant 0 : i32
    %dma_start3A_270 = tpu.memref_slice %arg4[%dma_start3A_268, %dma_start3A_269] : memref<100000x32xf32, #tpu.memory_space<hbm>> -> memref<100000x32xf32, #tpu.memory_space<hbm>>
    tpu.enqueue_indirect_dma source(%dma_start3A_270 : memref<100000x32xf32, #tpu.memory_space<hbm>>) target(%dma_start3A_264 : memref<128x32xf32, #tpu.memory_space<vmem>>) offsets(%dma_start3A_267 : memref<128xi32, #tpu.memory_space<vmem>>) semaphore(%arg19 : memref<!tpu.dma_semaphore, #tpu.memory_space<semaphore_mem>>)
    %dma_start3A_271 = arith.constant 3 : i32
    %dma_start3A_272 = arith.constant 384 : i32
    %dma_start3A_273 = arith.constant 0 : i32
    %dma_start3A_274 = tpu.memref_slice %arg17[%dma_start3A_272, %dma_start3A_273] : memref<512x32xf32, #tpu.memory_space<vmem>> -> memref<128x32xf32, #tpu.memory_space<vmem>>
    %dma_start3A_275 = arith.constant 0 : i32
    %dma_start3A_276 = tpu.memref_slice %arg13[%dma_start3A_271, %dma_start3A_275] : memref<4x128xi32, #tpu.memory_space<vmem>> -> memref<1x128xi32, #tpu.memory_space<vmem>>
    %dma_start3A_277 = tpu.memref_squeeze %dma_start3A_276 : memref<1x128xi32, #tpu.memory_space<vmem>> -> memref<128xi32, #tpu.memory_space<vmem>>
    %dma_start3A_278 = arith.constant 0 : i32
    %dma_start3A_279 = arith.constant 0 : i32
    %dma_start3A_280 = tpu.memref_slice %arg4[%dma_start3A_278, %dma_start3A_279] : memref<100000x32xf32, #tpu.memory_space<hbm>> -> memref<100000x32xf32, #tpu.memory_space<hbm>>
    tpu.enqueue_indirect_dma source(%dma_start3A_280 : memref<100000x32xf32, #tpu.memory_space<hbm>>) target(%dma_start3A_274 : memref<128x32xf32, #tpu.memory_space<vmem>>) offsets(%dma_start3A_277 : memref<128xi32, #tpu.memory_space<vmem>>) semaphore(%arg19 : memref<!tpu.dma_semaphore, #tpu.memory_space<semaphore_mem>>)
    "tpu.region"() ({
      %run_scoped3A = tpu.sem_alloc : memref<!tpu.dma_semaphore, #tpu.memory_space<semaphore_mem>>
      %dma_start3A_401 = arith.constant 0 : i32
      %dma_start3A_402 = tpu.memref_slice %arg10[%mul3A_2, %dma_start3A_401] : memref<16384x32xf32, #tpu.memory_space<hbm>> -> memref<512x32xf32, #tpu.memory_space<hbm>>
      %dma_start3A_403 = arith.constant 0 : i32
      %dma_start3A_404 = tpu.memref_slice %arg10[%mul3A_2, %dma_start3A_403] : memref<16384x32xf32, #tpu.memory_space<hbm>> -> memref<512x32xf32, #tpu.memory_space<hbm>>
      tpu.enqueue_dma source(%arg16 : memref<512x32xf32, #tpu.memory_space<vmem>>) target(%dma_start3A_404 : memref<512x32xf32, #tpu.memory_space<hbm>>) target_semaphore(%run_scoped3A : memref<!tpu.dma_semaphore, #tpu.memory_space<semaphore_mem>>)
      %dma_wait3A_405 = arith.constant 0 : i32
      %dma_wait3A_406 = tpu.memref_slice %arg10[%mul3A_2, %dma_wait3A_405] : memref<16384x32xf32, #tpu.memory_space<hbm>> -> memref<512x32xf32, #tpu.memory_space<hbm>>
      %dma_wait3A_407 = arith.constant 0 : i32
      %dma_wait3A_408 = tpu.memref_slice %arg10[%mul3A_2, %dma_wait3A_407] : memref<16384x32xf32, #tpu.memory_space<hbm>> -> memref<512x32xf32, #tpu.memory_space<hbm>>
      tpu.wait_dma2 semaphore(%run_scoped3A : memref<!tpu.dma_semaphore, #tpu.memory_space<semaphore_mem>>) src(%arg16 : memref<512x32xf32, #tpu.memory_space<vmem>>) dst(%dma_wait3A_408 : memref<512x32xf32, #tpu.memory_space<hbm>>)
      tpu.yield
    }) : () -> ()
    %dma_wait3A_281 = arith.constant 0 : i32
    %dma_wait3A_282 = arith.constant 0 : i32
    %dma_wait3A_283 = arith.constant 0 : i32
    %dma_wait3A_284 = tpu.memref_slice %arg17[%dma_wait3A_282, %dma_wait3A_283] : memref<512x32xf32, #tpu.memory_space<vmem>> -> memref<128x32xf32, #tpu.memory_space<vmem>>
    %dma_wait3A_285 = arith.constant 0 : i32
    %dma_wait3A_286 = tpu.memref_slice %arg13[%dma_wait3A_281, %dma_wait3A_285] : memref<4x128xi32, #tpu.memory_space<vmem>> -> memref<1x128xi32, #tpu.memory_space<vmem>>
    %dma_wait3A_287 = tpu.memref_squeeze %dma_wait3A_286 : memref<1x128xi32, #tpu.memory_space<vmem>> -> memref<128xi32, #tpu.memory_space<vmem>>
    %dma_wait3A_288 = arith.constant 0 : i32
    %dma_wait3A_289 = arith.constant 0 : i32
    %dma_wait3A_290 = tpu.memref_slice %arg4[%dma_wait3A_288, %dma_wait3A_289] : memref<100000x32xf32, #tpu.memory_space<hbm>> -> memref<100000x32xf32, #tpu.memory_space<hbm>>
    tpu.wait_indirect_dma semaphore(%arg19 : memref<!tpu.dma_semaphore, #tpu.memory_space<semaphore_mem>>) src(%dma_wait3A_290 : memref<100000x32xf32, #tpu.memory_space<hbm>>) dst(%dma_wait3A_284 : memref<128x32xf32, #tpu.memory_space<vmem>>)
    %dma_wait3A_291 = arith.constant 1 : i32
    %dma_wait3A_292 = arith.constant 128 : i32
    %dma_wait3A_293 = arith.constant 0 : i32
    %dma_wait3A_294 = tpu.memref_slice %arg17[%dma_wait3A_292, %dma_wait3A_293] : memref<512x32xf32, #tpu.memory_space<vmem>> -> memref<128x32xf32, #tpu.memory_space<vmem>>
    %dma_wait3A_295 = arith.constant 0 : i32
    %dma_wait3A_296 = tpu.memref_slice %arg13[%dma_wait3A_291, %dma_wait3A_295] : memref<4x128xi32, #tpu.memory_space<vmem>> -> memref<1x128xi32, #tpu.memory_space<vmem>>
    %dma_wait3A_297 = tpu.memref_squeeze %dma_wait3A_296 : memref<1x128xi32, #tpu.memory_space<vmem>> -> memref<128xi32, #tpu.memory_space<vmem>>
    %dma_wait3A_298 = arith.constant 0 : i32
    %dma_wait3A_299 = arith.constant 0 : i32
    %dma_wait3A_300 = tpu.memref_slice %arg4[%dma_wait3A_298, %dma_wait3A_299] : memref<100000x32xf32, #tpu.memory_space<hbm>> -> memref<100000x32xf32, #tpu.memory_space<hbm>>
    tpu.wait_indirect_dma semaphore(%arg19 : memref<!tpu.dma_semaphore, #tpu.memory_space<semaphore_mem>>) src(%dma_wait3A_300 : memref<100000x32xf32, #tpu.memory_space<hbm>>) dst(%dma_wait3A_294 : memref<128x32xf32, #tpu.memory_space<vmem>>)
    %dma_wait3A_301 = arith.constant 2 : i32
    %dma_wait3A_302 = arith.constant 256 : i32
    %dma_wait3A_303 = arith.constant 0 : i32
    %dma_wait3A_304 = tpu.memref_slice %arg17[%dma_wait3A_302, %dma_wait3A_303] : memref<512x32xf32, #tpu.memory_space<vmem>> -> memref<128x32xf32, #tpu.memory_space<vmem>>
    %dma_wait3A_305 = arith.constant 0 : i32
    %dma_wait3A_306 = tpu.memref_slice %arg13[%dma_wait3A_301, %dma_wait3A_305] : memref<4x128xi32, #tpu.memory_space<vmem>> -> memref<1x128xi32, #tpu.memory_space<vmem>>
    %dma_wait3A_307 = tpu.memref_squeeze %dma_wait3A_306 : memref<1x128xi32, #tpu.memory_space<vmem>> -> memref<128xi32, #tpu.memory_space<vmem>>
    %dma_wait3A_308 = arith.constant 0 : i32
    %dma_wait3A_309 = arith.constant 0 : i32
    %dma_wait3A_310 = tpu.memref_slice %arg4[%dma_wait3A_308, %dma_wait3A_309] : memref<100000x32xf32, #tpu.memory_space<hbm>> -> memref<100000x32xf32, #tpu.memory_space<hbm>>
    tpu.wait_indirect_dma semaphore(%arg19 : memref<!tpu.dma_semaphore, #tpu.memory_space<semaphore_mem>>) src(%dma_wait3A_310 : memref<100000x32xf32, #tpu.memory_space<hbm>>) dst(%dma_wait3A_304 : memref<128x32xf32, #tpu.memory_space<vmem>>)
    %dma_wait3A_311 = arith.constant 3 : i32
    %dma_wait3A_312 = arith.constant 384 : i32
    %dma_wait3A_313 = arith.constant 0 : i32
    %dma_wait3A_314 = tpu.memref_slice %arg17[%dma_wait3A_312, %dma_wait3A_313] : memref<512x32xf32, #tpu.memory_space<vmem>> -> memref<128x32xf32, #tpu.memory_space<vmem>>
    %dma_wait3A_315 = arith.constant 0 : i32
    %dma_wait3A_316 = tpu.memref_slice %arg13[%dma_wait3A_311, %dma_wait3A_315] : memref<4x128xi32, #tpu.memory_space<vmem>> -> memref<1x128xi32, #tpu.memory_space<vmem>>
    %dma_wait3A_317 = tpu.memref_squeeze %dma_wait3A_316 : memref<1x128xi32, #tpu.memory_space<vmem>> -> memref<128xi32, #tpu.memory_space<vmem>>
    %dma_wait3A_318 = arith.constant 0 : i32
    %dma_wait3A_319 = arith.constant 0 : i32
    %dma_wait3A_320 = tpu.memref_slice %arg4[%dma_wait3A_318, %dma_wait3A_319] : memref<100000x32xf32, #tpu.memory_space<hbm>> -> memref<100000x32xf32, #tpu.memory_space<hbm>>
    tpu.wait_indirect_dma semaphore(%arg19 : memref<!tpu.dma_semaphore, #tpu.memory_space<semaphore_mem>>) src(%dma_wait3A_320 : memref<100000x32xf32, #tpu.memory_space<hbm>>) dst(%dma_wait3A_314 : memref<128x32xf32, #tpu.memory_space<vmem>>)
    %dma_start3A_321 = arith.constant 0 : i32
    %dma_start3A_322 = arith.constant 0 : i32
    %dma_start3A_323 = arith.constant 0 : i32
    %dma_start3A_324 = tpu.memref_slice %arg16[%dma_start3A_322, %dma_start3A_323] : memref<512x32xf32, #tpu.memory_space<vmem>> -> memref<128x32xf32, #tpu.memory_space<vmem>>
    %dma_start3A_325 = arith.constant 0 : i32
    %dma_start3A_326 = tpu.memref_slice %arg14[%dma_start3A_321, %dma_start3A_325] : memref<4x128xi32, #tpu.memory_space<vmem>> -> memref<1x128xi32, #tpu.memory_space<vmem>>
    %dma_start3A_327 = tpu.memref_squeeze %dma_start3A_326 : memref<1x128xi32, #tpu.memory_space<vmem>> -> memref<128xi32, #tpu.memory_space<vmem>>
    %dma_start3A_328 = arith.constant 0 : i32
    %dma_start3A_329 = arith.constant 0 : i32
    %dma_start3A_330 = tpu.memref_slice %arg4[%dma_start3A_328, %dma_start3A_329] : memref<100000x32xf32, #tpu.memory_space<hbm>> -> memref<100000x32xf32, #tpu.memory_space<hbm>>
    tpu.enqueue_indirect_dma source(%dma_start3A_330 : memref<100000x32xf32, #tpu.memory_space<hbm>>) target(%dma_start3A_324 : memref<128x32xf32, #tpu.memory_space<vmem>>) offsets(%dma_start3A_327 : memref<128xi32, #tpu.memory_space<vmem>>) semaphore(%arg18 : memref<!tpu.dma_semaphore, #tpu.memory_space<semaphore_mem>>)
    %dma_start3A_331 = arith.constant 1 : i32
    %dma_start3A_332 = arith.constant 128 : i32
    %dma_start3A_333 = arith.constant 0 : i32
    %dma_start3A_334 = tpu.memref_slice %arg16[%dma_start3A_332, %dma_start3A_333] : memref<512x32xf32, #tpu.memory_space<vmem>> -> memref<128x32xf32, #tpu.memory_space<vmem>>
    %dma_start3A_335 = arith.constant 0 : i32
    %dma_start3A_336 = tpu.memref_slice %arg14[%dma_start3A_331, %dma_start3A_335] : memref<4x128xi32, #tpu.memory_space<vmem>> -> memref<1x128xi32, #tpu.memory_space<vmem>>
    %dma_start3A_337 = tpu.memref_squeeze %dma_start3A_336 : memref<1x128xi32, #tpu.memory_space<vmem>> -> memref<128xi32, #tpu.memory_space<vmem>>
    %dma_start3A_338 = arith.constant 0 : i32
    %dma_start3A_339 = arith.constant 0 : i32
    %dma_start3A_340 = tpu.memref_slice %arg4[%dma_start3A_338, %dma_start3A_339] : memref<100000x32xf32, #tpu.memory_space<hbm>> -> memref<100000x32xf32, #tpu.memory_space<hbm>>
    tpu.enqueue_indirect_dma source(%dma_start3A_340 : memref<100000x32xf32, #tpu.memory_space<hbm>>) target(%dma_start3A_334 : memref<128x32xf32, #tpu.memory_space<vmem>>) offsets(%dma_start3A_337 : memref<128xi32, #tpu.memory_space<vmem>>) semaphore(%arg18 : memref<!tpu.dma_semaphore, #tpu.memory_space<semaphore_mem>>)
    %dma_start3A_341 = arith.constant 2 : i32
    %dma_start3A_342 = arith.constant 256 : i32
    %dma_start3A_343 = arith.constant 0 : i32
    %dma_start3A_344 = tpu.memref_slice %arg16[%dma_start3A_342, %dma_start3A_343] : memref<512x32xf32, #tpu.memory_space<vmem>> -> memref<128x32xf32, #tpu.memory_space<vmem>>
    %dma_start3A_345 = arith.constant 0 : i32
    %dma_start3A_346 = tpu.memref_slice %arg14[%dma_start3A_341, %dma_start3A_345] : memref<4x128xi32, #tpu.memory_space<vmem>> -> memref<1x128xi32, #tpu.memory_space<vmem>>
    %dma_start3A_347 = tpu.memref_squeeze %dma_start3A_346 : memref<1x128xi32, #tpu.memory_space<vmem>> -> memref<128xi32, #tpu.memory_space<vmem>>
    %dma_start3A_348 = arith.constant 0 : i32
    %dma_start3A_349 = arith.constant 0 : i32
    %dma_start3A_350 = tpu.memref_slice %arg4[%dma_start3A_348, %dma_start3A_349] : memref<100000x32xf32, #tpu.memory_space<hbm>> -> memref<100000x32xf32, #tpu.memory_space<hbm>>
    tpu.enqueue_indirect_dma source(%dma_start3A_350 : memref<100000x32xf32, #tpu.memory_space<hbm>>) target(%dma_start3A_344 : memref<128x32xf32, #tpu.memory_space<vmem>>) offsets(%dma_start3A_347 : memref<128xi32, #tpu.memory_space<vmem>>) semaphore(%arg18 : memref<!tpu.dma_semaphore, #tpu.memory_space<semaphore_mem>>)
    %dma_start3A_351 = arith.constant 3 : i32
    %dma_start3A_352 = arith.constant 384 : i32
    %dma_start3A_353 = arith.constant 0 : i32
    %dma_start3A_354 = tpu.memref_slice %arg16[%dma_start3A_352, %dma_start3A_353] : memref<512x32xf32, #tpu.memory_space<vmem>> -> memref<128x32xf32, #tpu.memory_space<vmem>>
    %dma_start3A_355 = arith.constant 0 : i32
    %dma_start3A_356 = tpu.memref_slice %arg14[%dma_start3A_351, %dma_start3A_355] : memref<4x128xi32, #tpu.memory_space<vmem>> -> memref<1x128xi32, #tpu.memory_space<vmem>>
    %dma_start3A_357 = tpu.memref_squeeze %dma_start3A_356 : memref<1x128xi32, #tpu.memory_space<vmem>> -> memref<128xi32, #tpu.memory_space<vmem>>
    %dma_start3A_358 = arith.constant 0 : i32
    %dma_start3A_359 = arith.constant 0 : i32
    %dma_start3A_360 = tpu.memref_slice %arg4[%dma_start3A_358, %dma_start3A_359] : memref<100000x32xf32, #tpu.memory_space<hbm>> -> memref<100000x32xf32, #tpu.memory_space<hbm>>
    tpu.enqueue_indirect_dma source(%dma_start3A_360 : memref<100000x32xf32, #tpu.memory_space<hbm>>) target(%dma_start3A_354 : memref<128x32xf32, #tpu.memory_space<vmem>>) offsets(%dma_start3A_357 : memref<128xi32, #tpu.memory_space<vmem>>) semaphore(%arg18 : memref<!tpu.dma_semaphore, #tpu.memory_space<semaphore_mem>>)
    "tpu.region"() ({
      %run_scoped3A = tpu.sem_alloc : memref<!tpu.dma_semaphore, #tpu.memory_space<semaphore_mem>>
      %dma_start3A_401 = arith.constant 0 : i32
      %dma_start3A_402 = tpu.memref_slice %arg11[%mul3A_2, %dma_start3A_401] : memref<16384x32xf32, #tpu.memory_space<hbm>> -> memref<512x32xf32, #tpu.memory_space<hbm>>
      %dma_start3A_403 = arith.constant 0 : i32
      %dma_start3A_404 = tpu.memref_slice %arg11[%mul3A_2, %dma_start3A_403] : memref<16384x32xf32, #tpu.memory_space<hbm>> -> memref<512x32xf32, #tpu.memory_space<hbm>>
      tpu.enqueue_dma source(%arg17 : memref<512x32xf32, #tpu.memory_space<vmem>>) target(%dma_start3A_404 : memref<512x32xf32, #tpu.memory_space<hbm>>) target_semaphore(%run_scoped3A : memref<!tpu.dma_semaphore, #tpu.memory_space<semaphore_mem>>)
      %dma_wait3A_405 = arith.constant 0 : i32
      %dma_wait3A_406 = tpu.memref_slice %arg11[%mul3A_2, %dma_wait3A_405] : memref<16384x32xf32, #tpu.memory_space<hbm>> -> memref<512x32xf32, #tpu.memory_space<hbm>>
      %dma_wait3A_407 = arith.constant 0 : i32
      %dma_wait3A_408 = tpu.memref_slice %arg11[%mul3A_2, %dma_wait3A_407] : memref<16384x32xf32, #tpu.memory_space<hbm>> -> memref<512x32xf32, #tpu.memory_space<hbm>>
      tpu.wait_dma2 semaphore(%run_scoped3A : memref<!tpu.dma_semaphore, #tpu.memory_space<semaphore_mem>>) src(%arg17 : memref<512x32xf32, #tpu.memory_space<vmem>>) dst(%dma_wait3A_408 : memref<512x32xf32, #tpu.memory_space<hbm>>)
      tpu.yield
    }) : () -> ()
    %dma_wait3A_361 = arith.constant 0 : i32
    %dma_wait3A_362 = arith.constant 0 : i32
    %dma_wait3A_363 = arith.constant 0 : i32
    %dma_wait3A_364 = tpu.memref_slice %arg16[%dma_wait3A_362, %dma_wait3A_363] : memref<512x32xf32, #tpu.memory_space<vmem>> -> memref<128x32xf32, #tpu.memory_space<vmem>>
    %dma_wait3A_365 = arith.constant 0 : i32
    %dma_wait3A_366 = tpu.memref_slice %arg14[%dma_wait3A_361, %dma_wait3A_365] : memref<4x128xi32, #tpu.memory_space<vmem>> -> memref<1x128xi32, #tpu.memory_space<vmem>>
    %dma_wait3A_367 = tpu.memref_squeeze %dma_wait3A_366 : memref<1x128xi32, #tpu.memory_space<vmem>> -> memref<128xi32, #tpu.memory_space<vmem>>
    %dma_wait3A_368 = arith.constant 0 : i32
    %dma_wait3A_369 = arith.constant 0 : i32
    %dma_wait3A_370 = tpu.memref_slice %arg4[%dma_wait3A_368, %dma_wait3A_369] : memref<100000x32xf32, #tpu.memory_space<hbm>> -> memref<100000x32xf32, #tpu.memory_space<hbm>>
    tpu.wait_indirect_dma semaphore(%arg18 : memref<!tpu.dma_semaphore, #tpu.memory_space<semaphore_mem>>) src(%dma_wait3A_370 : memref<100000x32xf32, #tpu.memory_space<hbm>>) dst(%dma_wait3A_364 : memref<128x32xf32, #tpu.memory_space<vmem>>)
    %dma_wait3A_371 = arith.constant 1 : i32
    %dma_wait3A_372 = arith.constant 128 : i32
    %dma_wait3A_373 = arith.constant 0 : i32
    %dma_wait3A_374 = tpu.memref_slice %arg16[%dma_wait3A_372, %dma_wait3A_373] : memref<512x32xf32, #tpu.memory_space<vmem>> -> memref<128x32xf32, #tpu.memory_space<vmem>>
    %dma_wait3A_375 = arith.constant 0 : i32
    %dma_wait3A_376 = tpu.memref_slice %arg14[%dma_wait3A_371, %dma_wait3A_375] : memref<4x128xi32, #tpu.memory_space<vmem>> -> memref<1x128xi32, #tpu.memory_space<vmem>>
    %dma_wait3A_377 = tpu.memref_squeeze %dma_wait3A_376 : memref<1x128xi32, #tpu.memory_space<vmem>> -> memref<128xi32, #tpu.memory_space<vmem>>
    %dma_wait3A_378 = arith.constant 0 : i32
    %dma_wait3A_379 = arith.constant 0 : i32
    %dma_wait3A_380 = tpu.memref_slice %arg4[%dma_wait3A_378, %dma_wait3A_379] : memref<100000x32xf32, #tpu.memory_space<hbm>> -> memref<100000x32xf32, #tpu.memory_space<hbm>>
    tpu.wait_indirect_dma semaphore(%arg18 : memref<!tpu.dma_semaphore, #tpu.memory_space<semaphore_mem>>) src(%dma_wait3A_380 : memref<100000x32xf32, #tpu.memory_space<hbm>>) dst(%dma_wait3A_374 : memref<128x32xf32, #tpu.memory_space<vmem>>)
    %dma_wait3A_381 = arith.constant 2 : i32
    %dma_wait3A_382 = arith.constant 256 : i32
    %dma_wait3A_383 = arith.constant 0 : i32
    %dma_wait3A_384 = tpu.memref_slice %arg16[%dma_wait3A_382, %dma_wait3A_383] : memref<512x32xf32, #tpu.memory_space<vmem>> -> memref<128x32xf32, #tpu.memory_space<vmem>>
    %dma_wait3A_385 = arith.constant 0 : i32
    %dma_wait3A_386 = tpu.memref_slice %arg14[%dma_wait3A_381, %dma_wait3A_385] : memref<4x128xi32, #tpu.memory_space<vmem>> -> memref<1x128xi32, #tpu.memory_space<vmem>>
    %dma_wait3A_387 = tpu.memref_squeeze %dma_wait3A_386 : memref<1x128xi32, #tpu.memory_space<vmem>> -> memref<128xi32, #tpu.memory_space<vmem>>
    %dma_wait3A_388 = arith.constant 0 : i32
    %dma_wait3A_389 = arith.constant 0 : i32
    %dma_wait3A_390 = tpu.memref_slice %arg4[%dma_wait3A_388, %dma_wait3A_389] : memref<100000x32xf32, #tpu.memory_space<hbm>> -> memref<100000x32xf32, #tpu.memory_space<hbm>>
    tpu.wait_indirect_dma semaphore(%arg18 : memref<!tpu.dma_semaphore, #tpu.memory_space<semaphore_mem>>) src(%dma_wait3A_390 : memref<100000x32xf32, #tpu.memory_space<hbm>>) dst(%dma_wait3A_384 : memref<128x32xf32, #tpu.memory_space<vmem>>)
    %dma_wait3A_391 = arith.constant 3 : i32
    %dma_wait3A_392 = arith.constant 384 : i32
    %dma_wait3A_393 = arith.constant 0 : i32
    %dma_wait3A_394 = tpu.memref_slice %arg16[%dma_wait3A_392, %dma_wait3A_393] : memref<512x32xf32, #tpu.memory_space<vmem>> -> memref<128x32xf32, #tpu.memory_space<vmem>>
    %dma_wait3A_395 = arith.constant 0 : i32
    %dma_wait3A_396 = tpu.memref_slice %arg14[%dma_wait3A_391, %dma_wait3A_395] : memref<4x128xi32, #tpu.memory_space<vmem>> -> memref<1x128xi32, #tpu.memory_space<vmem>>
    %dma_wait3A_397 = tpu.memref_squeeze %dma_wait3A_396 : memref<1x128xi32, #tpu.memory_space<vmem>> -> memref<128xi32, #tpu.memory_space<vmem>>
    %dma_wait3A_398 = arith.constant 0 : i32
    %dma_wait3A_399 = arith.constant 0 : i32
    %dma_wait3A_400 = tpu.memref_slice %arg4[%dma_wait3A_398, %dma_wait3A_399] : memref<100000x32xf32, #tpu.memory_space<hbm>> -> memref<100000x32xf32, #tpu.memory_space<hbm>>
    tpu.wait_indirect_dma semaphore(%arg18 : memref<!tpu.dma_semaphore, #tpu.memory_space<semaphore_mem>>) src(%dma_wait3A_400 : memref<100000x32xf32, #tpu.memory_space<hbm>>) dst(%dma_wait3A_394 : memref<128x32xf32, #tpu.memory_space<vmem>>)
    "tpu.region"() ({
      %run_scoped3A = tpu.sem_alloc : memref<!tpu.dma_semaphore, #tpu.memory_space<semaphore_mem>>
      %dma_start3A_401 = arith.constant 0 : i32
      %dma_start3A_402 = tpu.memref_slice %arg12[%mul3A_2, %dma_start3A_401] : memref<16384x32xf32, #tpu.memory_space<hbm>> -> memref<512x32xf32, #tpu.memory_space<hbm>>
      %dma_start3A_403 = arith.constant 0 : i32
      %dma_start3A_404 = tpu.memref_slice %arg12[%mul3A_2, %dma_start3A_403] : memref<16384x32xf32, #tpu.memory_space<hbm>> -> memref<512x32xf32, #tpu.memory_space<hbm>>
      tpu.enqueue_dma source(%arg16 : memref<512x32xf32, #tpu.memory_space<vmem>>) target(%dma_start3A_404 : memref<512x32xf32, #tpu.memory_space<hbm>>) target_semaphore(%run_scoped3A : memref<!tpu.dma_semaphore, #tpu.memory_space<semaphore_mem>>)
      %dma_wait3A_405 = arith.constant 0 : i32
      %dma_wait3A_406 = tpu.memref_slice %arg12[%mul3A_2, %dma_wait3A_405] : memref<16384x32xf32, #tpu.memory_space<hbm>> -> memref<512x32xf32, #tpu.memory_space<hbm>>
      %dma_wait3A_407 = arith.constant 0 : i32
      %dma_wait3A_408 = tpu.memref_slice %arg12[%mul3A_2, %dma_wait3A_407] : memref<16384x32xf32, #tpu.memory_space<hbm>> -> memref<512x32xf32, #tpu.memory_space<hbm>>
      tpu.wait_dma2 semaphore(%run_scoped3A : memref<!tpu.dma_semaphore, #tpu.memory_space<semaphore_mem>>) src(%arg16 : memref<512x32xf32, #tpu.memory_space<vmem>>) dst(%dma_wait3A_408 : memref<512x32xf32, #tpu.memory_space<hbm>>)
      tpu.yield
    }) : () -> ()
    return
  }
}

module attributes {stable_mosaic.version = 14 : i64} {
  func.func @body(%arg0: i32, %arg1: memref<2048x32xf32, #tpu.memory_space<vmem>>, %arg2: memref<2048x32xf32, #tpu.memory_space<vmem>>, %arg3: memref<2048x32xf32, #tpu.memory_space<vmem>>, %arg4: memref<2048x32xf32, #tpu.memory_space<vmem>>, %arg5: memref<2048x32xf32, #tpu.memory_space<vmem>>, %arg6: memref<2048x32xf32, #tpu.memory_space<vmem>>, %arg7: memref<2048x32xf32, #tpu.memory_space<vmem>>, %arg8: memref<2048x32xf32, #tpu.memory_space<vmem>>, %arg9: memref<2048x1xf32, #tpu.memory_space<vmem>>, %arg10: memref<2048x1xf32, #tpu.memory_space<vmem>>, %arg11: memref<32x64xf32, #tpu.memory_space<vmem>>, %arg12: memref<1x64xf32, #tpu.memory_space<vmem>>, %arg13: memref<64x32xf32, #tpu.memory_space<vmem>>, %arg14: memref<1x32xf32, #tpu.memory_space<vmem>>, %arg15: memref<32x64xf32, #tpu.memory_space<vmem>>, %arg16: memref<1x64xf32, #tpu.memory_space<vmem>>, %arg17: memref<64x32xf32, #tpu.memory_space<vmem>>, %arg18: memref<1x32xf32, #tpu.memory_space<vmem>>, %arg19: memref<32x64xf32, #tpu.memory_space<vmem>>, %arg20: memref<1x64xf32, #tpu.memory_space<vmem>>, %arg21: memref<64x32xf32, #tpu.memory_space<vmem>>, %arg22: memref<1x32xf32, #tpu.memory_space<vmem>>, %arg23: memref<32x64xf32, #tpu.memory_space<vmem>>, %arg24: memref<1x64xf32, #tpu.memory_space<vmem>>, %arg25: memref<64x32xf32, #tpu.memory_space<vmem>>, %arg26: memref<1x32xf32, #tpu.memory_space<vmem>>, %arg27: memref<1x1xf32, #tpu.memory_space<smem>>, %arg28: memref<1x1xf32, #tpu.memory_space<smem>>) attributes {dimension_semantics = [#tpu.dimension_semantics<arbitrary>], iteration_bounds = array<i64: 8>, scalar_prefetch = 0 : i64, scratch_operands = 0 : i64, tpu.core_type = #tpu.core_type<tc>, window_params = [{transform_indices = @transform_0, window_bounds = array<i64: 2048, 32>}, {transform_indices = @transform_1, window_bounds = array<i64: 2048, 32>}, {transform_indices = @transform_2, window_bounds = array<i64: 2048, 32>}, {transform_indices = @transform_3, window_bounds = array<i64: 2048, 32>}, {transform_indices = @transform_4, window_bounds = array<i64: 2048, 32>}, {transform_indices = @transform_5, window_bounds = array<i64: 2048, 32>}, {transform_indices = @transform_6, window_bounds = array<i64: 2048, 32>}, {transform_indices = @transform_7, window_bounds = array<i64: 2048, 32>}, {transform_indices = @transform_8, window_bounds = array<i64: 2048, 1>}, {transform_indices = @transform_9, window_bounds = array<i64: 2048, 1>}, {pipeline_mode = #tpu.pipeline_mode<synchronous>, transform_indices = @transform_10, window_bounds = array<i64: 32, 64>}, {pipeline_mode = #tpu.pipeline_mode<synchronous>, transform_indices = @transform_11, window_bounds = array<i64: 1, 64>}, {pipeline_mode = #tpu.pipeline_mode<synchronous>, transform_indices = @transform_12, window_bounds = array<i64: 64, 32>}, {pipeline_mode = #tpu.pipeline_mode<synchronous>, transform_indices = @transform_13, window_bounds = array<i64: 1, 32>}, {pipeline_mode = #tpu.pipeline_mode<synchronous>, transform_indices = @transform_14, window_bounds = array<i64: 32, 64>}, {pipeline_mode = #tpu.pipeline_mode<synchronous>, transform_indices = @transform_15, window_bounds = array<i64: 1, 64>}, {pipeline_mode = #tpu.pipeline_mode<synchronous>, transform_indices = @transform_16, window_bounds = array<i64: 64, 32>}, {pipeline_mode = #tpu.pipeline_mode<synchronous>, transform_indices = @transform_17, window_bounds = array<i64: 1, 32>}, {pipeline_mode = #tpu.pipeline_mode<synchronous>, transform_indices = @transform_18, window_bounds = array<i64: 32, 64>}, {pipeline_mode = #tpu.pipeline_mode<synchronous>, transform_indices = @transform_19, window_bounds = array<i64: 1, 64>}, {pipeline_mode = #tpu.pipeline_mode<synchronous>, transform_indices = @transform_20, window_bounds = array<i64: 64, 32>}, {pipeline_mode = #tpu.pipeline_mode<synchronous>, transform_indices = @transform_21, window_bounds = array<i64: 1, 32>}, {pipeline_mode = #tpu.pipeline_mode<synchronous>, transform_indices = @transform_22, window_bounds = array<i64: 32, 64>}, {pipeline_mode = #tpu.pipeline_mode<synchronous>, transform_indices = @transform_23, window_bounds = array<i64: 1, 64>}, {pipeline_mode = #tpu.pipeline_mode<synchronous>, transform_indices = @transform_24, window_bounds = array<i64: 64, 32>}, {pipeline_mode = #tpu.pipeline_mode<synchronous>, transform_indices = @transform_25, window_bounds = array<i64: 1, 32>}, {transform_indices = @transform_26, window_bounds = array<i64: 1, 1>}, {transform_indices = @transform_27, window_bounds = array<i64: 1, 1>}]} {
    %get3A = arith.constant 0 : index
    %get3A_0 = arith.constant 0 : index
    %get3A_1 = vector.load %arg5[%get3A, %get3A_0] : memref<2048x32xf32, #tpu.memory_space<vmem>>, vector<2048x32xf32>
    %get3A_2 = arith.constant 0 : index
    %get3A_3 = arith.constant 0 : index
    %get3A_4 = vector.load %arg1[%get3A_2, %get3A_3] : memref<2048x32xf32, #tpu.memory_space<vmem>>, vector<2048x32xf32>
    %mul3A = arith.mulf %get3A_1, %get3A_4 : vector<2048x32xf32>
    %get3A_5 = arith.constant 0 : index
    %get3A_6 = arith.constant 0 : index
    %get3A_7 = vector.load %arg6[%get3A_5, %get3A_6] : memref<2048x32xf32, #tpu.memory_space<vmem>>, vector<2048x32xf32>
    %sub3A = arith.constant 1.000000e+00 : f32
    %sub3A_8 = vector.broadcast %sub3A : f32 to vector<2048x32xf32>
    %sub3A_9 = arith.subf %sub3A_8, %get3A_7 : vector<2048x32xf32>
    %get3A_10 = arith.constant 0 : index
    %get3A_11 = arith.constant 0 : index
    %get3A_12 = vector.load %arg2[%get3A_10, %get3A_11] : memref<2048x32xf32, #tpu.memory_space<vmem>>, vector<2048x32xf32>
    %mul3A_13 = arith.mulf %sub3A_9, %get3A_12 : vector<2048x32xf32>
    %add3A = arith.addf %mul3A, %mul3A_13 : vector<2048x32xf32>
    %get3A_14 = arith.constant 0 : index
    %get3A_15 = arith.constant 0 : index
    %get3A_16 = vector.load %arg7[%get3A_14, %get3A_15] : memref<2048x32xf32, #tpu.memory_space<vmem>>, vector<2048x32xf32>
    %get3A_17 = arith.constant 0 : index
    %get3A_18 = arith.constant 0 : index
    %get3A_19 = vector.load %arg1[%get3A_17, %get3A_18] : memref<2048x32xf32, #tpu.memory_space<vmem>>, vector<2048x32xf32>
    %mul3A_20 = arith.mulf %get3A_16, %get3A_19 : vector<2048x32xf32>
    %get3A_21 = arith.constant 0 : index
    %get3A_22 = arith.constant 0 : index
    %get3A_23 = vector.load %arg8[%get3A_21, %get3A_22] : memref<2048x32xf32, #tpu.memory_space<vmem>>, vector<2048x32xf32>
    %sub3A_24 = arith.constant 1.000000e+00 : f32
    %sub3A_25 = vector.broadcast %sub3A_24 : f32 to vector<2048x32xf32>
    %sub3A_26 = arith.subf %sub3A_25, %get3A_23 : vector<2048x32xf32>
    %get3A_27 = arith.constant 0 : index
    %get3A_28 = arith.constant 0 : index
    %get3A_29 = vector.load %arg2[%get3A_27, %get3A_28] : memref<2048x32xf32, #tpu.memory_space<vmem>>, vector<2048x32xf32>
    %mul3A_30 = arith.mulf %sub3A_26, %get3A_29 : vector<2048x32xf32>
    %add3A_31 = arith.addf %mul3A_20, %mul3A_30 : vector<2048x32xf32>
    %get3A_32 = arith.constant 0 : index
    %get3A_33 = arith.constant 0 : index
    %get3A_34 = vector.load %arg11[%get3A_32, %get3A_33] : memref<32x64xf32, #tpu.memory_space<vmem>>, vector<32x64xf32>
    %dot_general3A = arith.constant dense<0.000000e+00> : vector<2048x64xf32>
    %dot_general3A_35 = tpu.matmul %add3A, %get3A_34, %dot_general3A {dimension_numbers = #tpu.dot_dimension_numbers<[1], [0], [0], [1], [0, 0, 1, 1], [], []>, transpose_lhs_hint = false} : vector<2048x32xf32>, vector<32x64xf32>, vector<2048x64xf32> -> vector<2048x64xf32>
    %get3A_36 = arith.constant 0 : index
    %get3A_37 = arith.constant 0 : index
    %get3A_38 = vector.load %arg12[%get3A_36, %get3A_37] : memref<1x64xf32, #tpu.memory_space<vmem>>, vector<1x64xf32>
    %add3A_39 = vector.broadcast %get3A_38 : vector<1x64xf32> to vector<2048x64xf32>
    %add3A_40 = arith.addf %dot_general3A_35, %add3A_39 : vector<2048x64xf32>
    %max3A = arith.constant 0.000000e+00 : f32
    %max3A_41 = vector.broadcast %max3A : f32 to vector<2048x64xf32>
    %max3A_42 = arith.maximumf %add3A_40, %max3A_41 : vector<2048x64xf32>
    %get3A_43 = arith.constant 0 : index
    %get3A_44 = arith.constant 0 : index
    %get3A_45 = vector.load %arg13[%get3A_43, %get3A_44] : memref<64x32xf32, #tpu.memory_space<vmem>>, vector<64x32xf32>
    %dot_general3A_46 = arith.constant dense<0.000000e+00> : vector<2048x32xf32>
    %dot_general3A_47 = tpu.matmul %max3A_42, %get3A_45, %dot_general3A_46 {dimension_numbers = #tpu.dot_dimension_numbers<[1], [0], [0], [1], [0, 0, 1, 1], [], []>, transpose_lhs_hint = false} : vector<2048x64xf32>, vector<64x32xf32>, vector<2048x32xf32> -> vector<2048x32xf32>
    %get3A_48 = arith.constant 0 : index
    %get3A_49 = arith.constant 0 : index
    %get3A_50 = vector.load %arg14[%get3A_48, %get3A_49] : memref<1x32xf32, #tpu.memory_space<vmem>>, vector<1x32xf32>
    %add3A_51 = vector.broadcast %get3A_50 : vector<1x32xf32> to vector<2048x32xf32>
    %add3A_52 = arith.addf %dot_general3A_47, %add3A_51 : vector<2048x32xf32>
    %max3A_53 = arith.constant 0.000000e+00 : f32
    %max3A_54 = vector.broadcast %max3A_53 : f32 to vector<2048x32xf32>
    %max3A_55 = arith.maximumf %add3A_52, %max3A_54 : vector<2048x32xf32>
    %get3A_56 = arith.constant 0 : index
    %get3A_57 = arith.constant 0 : index
    %get3A_58 = vector.load %arg15[%get3A_56, %get3A_57] : memref<32x64xf32, #tpu.memory_space<vmem>>, vector<32x64xf32>
    %dot_general3A_59 = arith.constant dense<0.000000e+00> : vector<2048x64xf32>
    %dot_general3A_60 = tpu.matmul %add3A_31, %get3A_58, %dot_general3A_59 {dimension_numbers = #tpu.dot_dimension_numbers<[1], [0], [0], [1], [0, 0, 1, 1], [], []>, transpose_lhs_hint = false} : vector<2048x32xf32>, vector<32x64xf32>, vector<2048x64xf32> -> vector<2048x64xf32>
    %get3A_61 = arith.constant 0 : index
    %get3A_62 = arith.constant 0 : index
    %get3A_63 = vector.load %arg16[%get3A_61, %get3A_62] : memref<1x64xf32, #tpu.memory_space<vmem>>, vector<1x64xf32>
    %add3A_64 = vector.broadcast %get3A_63 : vector<1x64xf32> to vector<2048x64xf32>
    %add3A_65 = arith.addf %dot_general3A_60, %add3A_64 : vector<2048x64xf32>
    %max3A_66 = arith.constant 0.000000e+00 : f32
    %max3A_67 = vector.broadcast %max3A_66 : f32 to vector<2048x64xf32>
    %max3A_68 = arith.maximumf %add3A_65, %max3A_67 : vector<2048x64xf32>
    %get3A_69 = arith.constant 0 : index
    %get3A_70 = arith.constant 0 : index
    %get3A_71 = vector.load %arg17[%get3A_69, %get3A_70] : memref<64x32xf32, #tpu.memory_space<vmem>>, vector<64x32xf32>
    %dot_general3A_72 = arith.constant dense<0.000000e+00> : vector<2048x32xf32>
    %dot_general3A_73 = tpu.matmul %max3A_68, %get3A_71, %dot_general3A_72 {dimension_numbers = #tpu.dot_dimension_numbers<[1], [0], [0], [1], [0, 0, 1, 1], [], []>, transpose_lhs_hint = false} : vector<2048x64xf32>, vector<64x32xf32>, vector<2048x32xf32> -> vector<2048x32xf32>
    %get3A_74 = arith.constant 0 : index
    %get3A_75 = arith.constant 0 : index
    %get3A_76 = vector.load %arg18[%get3A_74, %get3A_75] : memref<1x32xf32, #tpu.memory_space<vmem>>, vector<1x32xf32>
    %add3A_77 = vector.broadcast %get3A_76 : vector<1x32xf32> to vector<2048x32xf32>
    %add3A_78 = arith.addf %dot_general3A_73, %add3A_77 : vector<2048x32xf32>
    %max3A_79 = arith.constant 0.000000e+00 : f32
    %max3A_80 = vector.broadcast %max3A_79 : f32 to vector<2048x32xf32>
    %max3A_81 = arith.maximumf %add3A_78, %max3A_80 : vector<2048x32xf32>
    %get3A_82 = arith.constant 0 : index
    %get3A_83 = arith.constant 0 : index
    %get3A_84 = vector.load %arg3[%get3A_82, %get3A_83] : memref<2048x32xf32, #tpu.memory_space<vmem>>, vector<2048x32xf32>
    %get3A_85 = arith.constant 0 : index
    %get3A_86 = arith.constant 0 : index
    %get3A_87 = vector.load %arg19[%get3A_85, %get3A_86] : memref<32x64xf32, #tpu.memory_space<vmem>>, vector<32x64xf32>
    %dot_general3A_88 = arith.constant dense<0.000000e+00> : vector<2048x64xf32>
    %dot_general3A_89 = tpu.matmul %get3A_84, %get3A_87, %dot_general3A_88 {dimension_numbers = #tpu.dot_dimension_numbers<[1], [0], [0], [1], [0, 0, 1, 1], [], []>, transpose_lhs_hint = false} : vector<2048x32xf32>, vector<32x64xf32>, vector<2048x64xf32> -> vector<2048x64xf32>
    %get3A_90 = arith.constant 0 : index
    %get3A_91 = arith.constant 0 : index
    %get3A_92 = vector.load %arg20[%get3A_90, %get3A_91] : memref<1x64xf32, #tpu.memory_space<vmem>>, vector<1x64xf32>
    %add3A_93 = vector.broadcast %get3A_92 : vector<1x64xf32> to vector<2048x64xf32>
    %add3A_94 = arith.addf %dot_general3A_89, %add3A_93 : vector<2048x64xf32>
    %max3A_95 = arith.constant 0.000000e+00 : f32
    %max3A_96 = vector.broadcast %max3A_95 : f32 to vector<2048x64xf32>
    %max3A_97 = arith.maximumf %add3A_94, %max3A_96 : vector<2048x64xf32>
    %get3A_98 = arith.constant 0 : index
    %get3A_99 = arith.constant 0 : index
    %get3A_100 = vector.load %arg21[%get3A_98, %get3A_99] : memref<64x32xf32, #tpu.memory_space<vmem>>, vector<64x32xf32>
    %dot_general3A_101 = arith.constant dense<0.000000e+00> : vector<2048x32xf32>
    %dot_general3A_102 = tpu.matmul %max3A_97, %get3A_100, %dot_general3A_101 {dimension_numbers = #tpu.dot_dimension_numbers<[1], [0], [0], [1], [0, 0, 1, 1], [], []>, transpose_lhs_hint = false} : vector<2048x64xf32>, vector<64x32xf32>, vector<2048x32xf32> -> vector<2048x32xf32>
    %get3A_103 = arith.constant 0 : index
    %get3A_104 = arith.constant 0 : index
    %get3A_105 = vector.load %arg22[%get3A_103, %get3A_104] : memref<1x32xf32, #tpu.memory_space<vmem>>, vector<1x32xf32>
    %add3A_106 = vector.broadcast %get3A_105 : vector<1x32xf32> to vector<2048x32xf32>
    %add3A_107 = arith.addf %dot_general3A_102, %add3A_106 : vector<2048x32xf32>
    %max3A_108 = arith.constant 0.000000e+00 : f32
    %max3A_109 = vector.broadcast %max3A_108 : f32 to vector<2048x32xf32>
    %max3A_110 = arith.maximumf %add3A_107, %max3A_109 : vector<2048x32xf32>
    %get3A_111 = arith.constant 0 : index
    %get3A_112 = arith.constant 0 : index
    %get3A_113 = vector.load %arg4[%get3A_111, %get3A_112] : memref<2048x32xf32, #tpu.memory_space<vmem>>, vector<2048x32xf32>
    %get3A_114 = arith.constant 0 : index
    %get3A_115 = arith.constant 0 : index
    %get3A_116 = vector.load %arg23[%get3A_114, %get3A_115] : memref<32x64xf32, #tpu.memory_space<vmem>>, vector<32x64xf32>
    %dot_general3A_117 = arith.constant dense<0.000000e+00> : vector<2048x64xf32>
    %dot_general3A_118 = tpu.matmul %get3A_113, %get3A_116, %dot_general3A_117 {dimension_numbers = #tpu.dot_dimension_numbers<[1], [0], [0], [1], [0, 0, 1, 1], [], []>, transpose_lhs_hint = false} : vector<2048x32xf32>, vector<32x64xf32>, vector<2048x64xf32> -> vector<2048x64xf32>
    %get3A_119 = arith.constant 0 : index
    %get3A_120 = arith.constant 0 : index
    %get3A_121 = vector.load %arg24[%get3A_119, %get3A_120] : memref<1x64xf32, #tpu.memory_space<vmem>>, vector<1x64xf32>
    %add3A_122 = vector.broadcast %get3A_121 : vector<1x64xf32> to vector<2048x64xf32>
    %add3A_123 = arith.addf %dot_general3A_118, %add3A_122 : vector<2048x64xf32>
    %max3A_124 = arith.constant 0.000000e+00 : f32
    %max3A_125 = vector.broadcast %max3A_124 : f32 to vector<2048x64xf32>
    %max3A_126 = arith.maximumf %add3A_123, %max3A_125 : vector<2048x64xf32>
    %get3A_127 = arith.constant 0 : index
    %get3A_128 = arith.constant 0 : index
    %get3A_129 = vector.load %arg25[%get3A_127, %get3A_128] : memref<64x32xf32, #tpu.memory_space<vmem>>, vector<64x32xf32>
    %dot_general3A_130 = arith.constant dense<0.000000e+00> : vector<2048x32xf32>
    %dot_general3A_131 = tpu.matmul %max3A_126, %get3A_129, %dot_general3A_130 {dimension_numbers = #tpu.dot_dimension_numbers<[1], [0], [0], [1], [0, 0, 1, 1], [], []>, transpose_lhs_hint = false} : vector<2048x64xf32>, vector<64x32xf32>, vector<2048x32xf32> -> vector<2048x32xf32>
    %get3A_132 = arith.constant 0 : index
    %get3A_133 = arith.constant 0 : index
    %get3A_134 = vector.load %arg26[%get3A_132, %get3A_133] : memref<1x32xf32, #tpu.memory_space<vmem>>, vector<1x32xf32>
    %add3A_135 = vector.broadcast %get3A_134 : vector<1x32xf32> to vector<2048x32xf32>
    %add3A_136 = arith.addf %dot_general3A_131, %add3A_135 : vector<2048x32xf32>
    %max3A_137 = arith.constant 0.000000e+00 : f32
    %max3A_138 = vector.broadcast %max3A_137 : f32 to vector<2048x32xf32>
    %max3A_139 = arith.maximumf %add3A_136, %max3A_138 : vector<2048x32xf32>
    %mul3A_140 = arith.mulf %max3A_55, %max3A_110 : vector<2048x32xf32>
    %reduce_sum3A = arith.constant dense<0.000000e+00> : vector<2048xf32>
    %reduce_sum3A_141 = vector.multi_reduction <add>, %mul3A_140, %reduce_sum3A [1] : vector<2048x32xf32> to vector<2048xf32>
    %broadcast_in_dim3A = vector.shape_cast %reduce_sum3A_141 : vector<2048xf32> to vector<2048x1xf32>
    %mul3A_142 = arith.mulf %max3A_81, %max3A_139 : vector<2048x32xf32>
    %reduce_sum3A_143 = arith.constant dense<0.000000e+00> : vector<2048xf32>
    %reduce_sum3A_144 = vector.multi_reduction <add>, %mul3A_142, %reduce_sum3A_143 [1] : vector<2048x32xf32> to vector<2048xf32>
    %broadcast_in_dim3A_145 = vector.shape_cast %reduce_sum3A_144 : vector<2048xf32> to vector<2048x1xf32>
    %max3A_146 = arith.constant 9.99999997E-7 : f32
    %max3A_147 = vector.broadcast %max3A_146 : f32 to vector<2048x1xf32>
    %max3A_148 = arith.maximumf %broadcast_in_dim3A, %max3A_147 : vector<2048x1xf32>
    %max3A_149 = arith.constant 9.99999997E-7 : f32
    %max3A_150 = vector.broadcast %max3A_149 : f32 to vector<2048x1xf32>
    %max3A_151 = arith.maximumf %broadcast_in_dim3A_145, %max3A_150 : vector<2048x1xf32>
    %get3A_152 = arith.constant 0 : index
    %get3A_153 = arith.constant 0 : index
    %get3A_154 = vector.load %arg9[%get3A_152, %get3A_153] : memref<2048x1xf32, #tpu.memory_space<vmem>>, vector<2048x1xf32>
    %sub3A_155 = arith.subf %max3A_148, %get3A_154 : vector<2048x1xf32>
    %integer_pow3A = arith.mulf %sub3A_155, %sub3A_155 : vector<2048x1xf32>
    %reduce_sum3A_156 = vector.shape_cast %integer_pow3A : vector<2048x1xf32> to vector<1x2048x1xf32>
    %reduce_sum3A_157 = arith.constant dense<0.000000e+00> : vector<1xf32>
    %reduce_sum3A_158 = vector.multi_reduction <add>, %reduce_sum3A_156, %reduce_sum3A_157 [1, 2] : vector<1x2048x1xf32> to vector<1xf32>
    %reduce_sum3A_159 = vector.shape_cast %reduce_sum3A_158 : vector<1xf32> to vector<1x1x1xf32>
    %reduce_sum3A_160 = vector.extract %reduce_sum3A_159[0, 0, 0] : f32 from vector<1x1x1xf32>
    %get3A_161 = arith.constant 0 : index
    %get3A_162 = arith.constant 0 : index
    %get3A_163 = vector.load %arg10[%get3A_161, %get3A_162] : memref<2048x1xf32, #tpu.memory_space<vmem>>, vector<2048x1xf32>
    %sub3A_164 = arith.subf %max3A_151, %get3A_163 : vector<2048x1xf32>
    %integer_pow3A_165 = arith.mulf %sub3A_164, %sub3A_164 : vector<2048x1xf32>
    %reduce_sum3A_166 = vector.shape_cast %integer_pow3A_165 : vector<2048x1xf32> to vector<1x2048x1xf32>
    %reduce_sum3A_167 = arith.constant dense<0.000000e+00> : vector<1xf32>
    %reduce_sum3A_168 = vector.multi_reduction <add>, %reduce_sum3A_166, %reduce_sum3A_167 [1, 2] : vector<1x2048x1xf32> to vector<1xf32>
    %reduce_sum3A_169 = vector.shape_cast %reduce_sum3A_168 : vector<1xf32> to vector<1x1x1xf32>
    %reduce_sum3A_170 = vector.extract %reduce_sum3A_169[0, 0, 0] : f32 from vector<1x1x1xf32>
    %eq3A = arith.constant 0 : i32
    %eq3A_171 = arith.cmpi eq, %arg0, %eq3A : i32
    %convert_element_type3A = arith.extui %eq3A_171 : i1 to i32
    %cond3A = arith.constant 0 : i32
    %cond3A_172 = arith.cmpi ne, %convert_element_type3A, %cond3A : i32
    scf.if %cond3A_172 {
      %swap3A_186 = arith.constant 0.000000e+00 : f32
      %swap3A_187 = arith.constant 0 : index
      %swap3A_188 = arith.constant 0 : index
      %swap3A_189 = memref.load %arg27[%swap3A_187, %swap3A_188] : memref<1x1xf32, #tpu.memory_space<smem>>
      memref.store %swap3A_186, %arg27[%swap3A_187, %swap3A_188] : memref<1x1xf32, #tpu.memory_space<smem>>
      %swap3A_190 = arith.constant 0.000000e+00 : f32
      %swap3A_191 = arith.constant 0 : index
      %swap3A_192 = arith.constant 0 : index
      %swap3A_193 = memref.load %arg28[%swap3A_191, %swap3A_192] : memref<1x1xf32, #tpu.memory_space<smem>>
      memref.store %swap3A_190, %arg28[%swap3A_191, %swap3A_192] : memref<1x1xf32, #tpu.memory_space<smem>>
    } else {
    }
    %get3A_173 = arith.constant 0 : index
    %get3A_174 = arith.constant 0 : index
    %get3A_175 = memref.load %arg27[%get3A_173, %get3A_174] : memref<1x1xf32, #tpu.memory_space<smem>>
    %add3A_176 = arith.addf %get3A_175, %reduce_sum3A_160 : f32
    %swap3A = arith.constant 0 : index
    %swap3A_177 = arith.constant 0 : index
    %swap3A_178 = memref.load %arg27[%swap3A, %swap3A_177] : memref<1x1xf32, #tpu.memory_space<smem>>
    memref.store %add3A_176, %arg27[%swap3A, %swap3A_177] : memref<1x1xf32, #tpu.memory_space<smem>>
    %get3A_179 = arith.constant 0 : index
    %get3A_180 = arith.constant 0 : index
    %get3A_181 = memref.load %arg28[%get3A_179, %get3A_180] : memref<1x1xf32, #tpu.memory_space<smem>>
    %add3A_182 = arith.addf %get3A_181, %reduce_sum3A_170 : f32
    %swap3A_183 = arith.constant 0 : index
    %swap3A_184 = arith.constant 0 : index
    %swap3A_185 = memref.load %arg28[%swap3A_183, %swap3A_184] : memref<1x1xf32, #tpu.memory_space<smem>>
    memref.store %add3A_182, %arg28[%swap3A_183, %swap3A_184] : memref<1x1xf32, #tpu.memory_space<smem>>
    return
  }
  func.func @transform_0(%arg0: i32) -> (i32, i32) {
    %c0_i32 = arith.constant 0 : i32
    %c0_i32_0 = arith.constant 0 : i32
    return %arg0, %c0_i32 : i32, i32
  }
  func.func @transform_1(%arg0: i32) -> (i32, i32) {
    %c0_i32 = arith.constant 0 : i32
    %c0_i32_0 = arith.constant 0 : i32
    return %arg0, %c0_i32 : i32, i32
  }
  func.func @transform_2(%arg0: i32) -> (i32, i32) {
    %c0_i32 = arith.constant 0 : i32
    %c0_i32_0 = arith.constant 0 : i32
    return %arg0, %c0_i32 : i32, i32
  }
  func.func @transform_3(%arg0: i32) -> (i32, i32) {
    %c0_i32 = arith.constant 0 : i32
    %c0_i32_0 = arith.constant 0 : i32
    return %arg0, %c0_i32 : i32, i32
  }
  func.func @transform_4(%arg0: i32) -> (i32, i32) {
    %c0_i32 = arith.constant 0 : i32
    %c0_i32_0 = arith.constant 0 : i32
    return %arg0, %c0_i32 : i32, i32
  }
  func.func @transform_5(%arg0: i32) -> (i32, i32) {
    %c0_i32 = arith.constant 0 : i32
    %c0_i32_0 = arith.constant 0 : i32
    return %arg0, %c0_i32 : i32, i32
  }
  func.func @transform_6(%arg0: i32) -> (i32, i32) {
    %c0_i32 = arith.constant 0 : i32
    %c0_i32_0 = arith.constant 0 : i32
    return %arg0, %c0_i32 : i32, i32
  }
  func.func @transform_7(%arg0: i32) -> (i32, i32) {
    %c0_i32 = arith.constant 0 : i32
    %c0_i32_0 = arith.constant 0 : i32
    return %arg0, %c0_i32 : i32, i32
  }
  func.func @transform_8(%arg0: i32) -> (i32, i32) {
    %c0_i32 = arith.constant 0 : i32
    %c0_i32_0 = arith.constant 0 : i32
    return %arg0, %c0_i32 : i32, i32
  }
  func.func @transform_9(%arg0: i32) -> (i32, i32) {
    %c0_i32 = arith.constant 0 : i32
    %c0_i32_0 = arith.constant 0 : i32
    return %arg0, %c0_i32 : i32, i32
  }
  func.func @transform_10(%arg0: i32) -> (i32, i32) {
    %c0_i32 = arith.constant 0 : i32
    %c0_i32_0 = arith.constant 0 : i32
    %c0_i32_1 = arith.constant 0 : i32
    return %c0_i32, %c0_i32_0 : i32, i32
  }
  func.func @transform_11(%arg0: i32) -> (i32, i32) {
    %c0_i32 = arith.constant 0 : i32
    %c0_i32_0 = arith.constant 0 : i32
    %c0_i32_1 = arith.constant 0 : i32
    return %c0_i32, %c0_i32_0 : i32, i32
  }
  func.func @transform_12(%arg0: i32) -> (i32, i32) {
    %c0_i32 = arith.constant 0 : i32
    %c0_i32_0 = arith.constant 0 : i32
    %c0_i32_1 = arith.constant 0 : i32
    return %c0_i32, %c0_i32_0 : i32, i32
  }
  func.func @transform_13(%arg0: i32) -> (i32, i32) {
    %c0_i32 = arith.constant 0 : i32
    %c0_i32_0 = arith.constant 0 : i32
    %c0_i32_1 = arith.constant 0 : i32
    return %c0_i32, %c0_i32_0 : i32, i32
  }
  func.func @transform_14(%arg0: i32) -> (i32, i32) {
    %c0_i32 = arith.constant 0 : i32
    %c0_i32_0 = arith.constant 0 : i32
    %c0_i32_1 = arith.constant 0 : i32
    return %c0_i32, %c0_i32_0 : i32, i32
  }
  func.func @transform_15(%arg0: i32) -> (i32, i32) {
    %c0_i32 = arith.constant 0 : i32
    %c0_i32_0 = arith.constant 0 : i32
    %c0_i32_1 = arith.constant 0 : i32
    return %c0_i32, %c0_i32_0 : i32, i32
  }
  func.func @transform_16(%arg0: i32) -> (i32, i32) {
    %c0_i32 = arith.constant 0 : i32
    %c0_i32_0 = arith.constant 0 : i32
    %c0_i32_1 = arith.constant 0 : i32
    return %c0_i32, %c0_i32_0 : i32, i32
  }
  func.func @transform_17(%arg0: i32) -> (i32, i32) {
    %c0_i32 = arith.constant 0 : i32
    %c0_i32_0 = arith.constant 0 : i32
    %c0_i32_1 = arith.constant 0 : i32
    return %c0_i32, %c0_i32_0 : i32, i32
  }
  func.func @transform_18(%arg0: i32) -> (i32, i32) {
    %c0_i32 = arith.constant 0 : i32
    %c0_i32_0 = arith.constant 0 : i32
    %c0_i32_1 = arith.constant 0 : i32
    return %c0_i32, %c0_i32_0 : i32, i32
  }
  func.func @transform_19(%arg0: i32) -> (i32, i32) {
    %c0_i32 = arith.constant 0 : i32
    %c0_i32_0 = arith.constant 0 : i32
    %c0_i32_1 = arith.constant 0 : i32
    return %c0_i32, %c0_i32_0 : i32, i32
  }
  func.func @transform_20(%arg0: i32) -> (i32, i32) {
    %c0_i32 = arith.constant 0 : i32
    %c0_i32_0 = arith.constant 0 : i32
    %c0_i32_1 = arith.constant 0 : i32
    return %c0_i32, %c0_i32_0 : i32, i32
  }
  func.func @transform_21(%arg0: i32) -> (i32, i32) {
    %c0_i32 = arith.constant 0 : i32
    %c0_i32_0 = arith.constant 0 : i32
    %c0_i32_1 = arith.constant 0 : i32
    return %c0_i32, %c0_i32_0 : i32, i32
  }
  func.func @transform_22(%arg0: i32) -> (i32, i32) {
    %c0_i32 = arith.constant 0 : i32
    %c0_i32_0 = arith.constant 0 : i32
    %c0_i32_1 = arith.constant 0 : i32
    return %c0_i32, %c0_i32_0 : i32, i32
  }
  func.func @transform_23(%arg0: i32) -> (i32, i32) {
    %c0_i32 = arith.constant 0 : i32
    %c0_i32_0 = arith.constant 0 : i32
    %c0_i32_1 = arith.constant 0 : i32
    return %c0_i32, %c0_i32_0 : i32, i32
  }
  func.func @transform_24(%arg0: i32) -> (i32, i32) {
    %c0_i32 = arith.constant 0 : i32
    %c0_i32_0 = arith.constant 0 : i32
    %c0_i32_1 = arith.constant 0 : i32
    return %c0_i32, %c0_i32_0 : i32, i32
  }
  func.func @transform_25(%arg0: i32) -> (i32, i32) {
    %c0_i32 = arith.constant 0 : i32
    %c0_i32_0 = arith.constant 0 : i32
    %c0_i32_1 = arith.constant 0 : i32
    return %c0_i32, %c0_i32_0 : i32, i32
  }
  func.func @transform_26(%arg0: i32) -> (i32, i32) {
    %c0_i32 = arith.constant 0 : i32
    %c0_i32_0 = arith.constant 0 : i32
    %c0_i32_1 = arith.constant 0 : i32
    return %c0_i32, %c0_i32_0 : i32, i32
  }
  func.func @transform_27(%arg0: i32) -> (i32, i32) {
    %c0_i32 = arith.constant 0 : i32
    %c0_i32_0 = arith.constant 0 : i32
    %c0_i32_1 = arith.constant 0 : i32
    return %c0_i32, %c0_i32_0 : i32, i32
  }
}

</mosaic_0001>

<sc_bundles>
// kernel: kernel.5.cloned.1.call-start
scs
__scs_entry_jumppad:
0x0: {  	(pc) =	sbr.rel $0x88, $3  }
0x1: {  	(tag) =	ssettag $0x0;
	lr =	simm.s32 $0x1  }
0x2: {  	[smem:$0x3F85] =	sst lr;
	_ =	strace $0xD0000000  }
0x3: {  	_ = 	snop  }
0x4: {  	_ = 	snop  }
0x5: {  	_ = 	snop  }
0x6: {  	_ = 	snop  }
0x7: {  	_ = 	snop  }
__scs_overlays_trampoline_lowered:
0x8: {  	[smem:$0x3F94] =	sst s0  }
0x9: {  	[smem:$0x3F95] =	sst s1  }
0xa: {  	[smem:$0x3F96] =	sst s2  }
0xb: {  	[smem:$0x3F97] =	sst s3  }
0xc: {  	[smem:$0x3F98] =	sst s4  }
0xd: {  	[smem:$0x3F99] =	sst s5  }
0xe: {  	[smem:$0x3F9A] =	sst s6  }
0xf: {  	[smem:$0x3F9B] =	sst s7  }
0x10: {  	[smem:$0x3F9C] =	sst s8  }
0x11: {  	[smem:$0x3F9D] =	sst s9;
	s0 =	simm.s32 @!p0 $0x0  }
0x12: {  	s1 =	sld [smem:$0x3F83];
	s0 =	simm.s32 @p0 $0x1  }
0x13: {  	[smem:$0x3F9E] =	sst s0;
	s0 =	simm.s32 @!p1 $0x0  }
0x14: {  	s2 =	sld [smem:$0x3F82];
	s0 =	simm.s32 @p1 $0x1  }
0x15: {  	[smem:$0x3F9F] =	sst s0;
	s0 =	simm.s32 @!p2 $0x0  }
0x16: {  	s3 =	sld [smem:$0x3FDB];
	s0 =	simm.s32 @p2 $0x1  }
0x17: {  	s4 =	simm.s32 $0x1BF5;
	[smem:$0x3FA1] =	sst s0  }
0x18: {  	s0 =	sld [smem:$0x3F84];
	_ =	swait.ge [sflag:s4], $0x0  }
0x19: {  	s7 =	sld [smem:$0x3F85]  }
0x1a: {  	s8 =	sadd.s32 $0xFFFFE003, lr  }
0x1b: {  	s9 =	sadd.s32 $0xFFFFFEF7, lr;
	s5 =	simm.s32 $0xFFFFFFFF;
	p2 =	slt.u32 s8, $0xFFFFF086  }
0x1c: {  	p1 =	slt.u32 s9, $0xF7A;
	s5 =	simm.s32 @!p2 $0x0  }
0x1d: {  	s5 =	simm.s32 @p1 $0x1;
	p0 =	seq.s32 s7, s2  }
0x1e: {  	s7 =	smul.u32 @!p0 $0xF7A, s2;
	p2 =	seq.s32 @!p0 s5, $0x0  }
0x1f: {  	s9 =	smul.u32 $0xF7A, s1;
	s8 =	simm.s32 @!p0 $0x1BF5;
	p2 =	por !p2, p0  }
0x20: {  	[sflag:s8] =	ssyncset.s32 @!p0 $0xFFFFF086;
	s6 =	sadd.s32 @!p0 s3, s7;
	s7 =	simm.s32 @!p0 $0x108  }
0x21: {  	s3 =	sadd.s32 s3, s9;
	s6 =	sadd.s32 @!p0 $0x88, s6;
	s7 =	simm.s32 @p2 $0x1082  }
0x22: {  	[simem:s7], [sflag:s8] =	dma.local @!p0 [hbm:s6], $0xF7A  }
0x23: {  	s9 =	sor.u32 $0xD0000000, s2;
	s6 =	simm.s32 $0x108;
	_ =	swait.ge @!p0 [sflag:s8], $0x0  }
0x24: {  	s3 =	sadd.s32 $0x88, s3;
	s6 =	simm.s32 @!p1 $0x1082;
	[sflag:s4] =	ssyncset.s32 $0xFFFFF086  }
0x25: {  	[simem:s6], [sflag:s4] =	dma.local [hbm:s3], $0xF7A  }
0x26: {  	[smem:$0x3F85] =	sst s1;
	(tag) =	ssettag s2;
	_ =	strace s9  }
0x27: {  	s1 =	sld [smem:$0x3F95]  }
0x28: {  	s2 =	sld [smem:$0x3F96]  }
0x29: {  	s4 =	sld [smem:$0x3F98]  }
0x2a: {  	p0 =	seq.s32 s5, $0x0;
	s5 =	sld [smem:$0x3F99]  }
0x2b: {  	s6 =	sld [smem:$0x3F9A]  }
0x2c: {  	s7 =	sld [smem:$0x3F9B]  }
0x2d: {  	s3 =	simm.s32 $0x108;
	s8 =	sld [smem:$0x3F9C]  }
0x2e: {  	s3 =	simm.s32 @!p0 $0x1082;
	s9 =	sld [smem:$0x3F9D]  }
0x2f: {  	lr =	sadd.s32 s0, s3;
	s0 =	sld [smem:$0x3F94]  }
0x30: {  	s3 =	sld [smem:$0x3F97]  }
0x31: {  	[smem:$0x3FA0] =	sst s10  }
0x32: {  	s10 =	sld [smem:$0x3F9E];
	_ =	sdelay $0x3  }
0x33: {  	p0 =	seq.s32 s10, $0x1;
	s10 =	sld [smem:$0x3FA0];
	_ =	sdelay $0x3  }
0x34: {  	[smem:$0x3FA0] =	sst s10  }
0x35: {  	s10 =	sld [smem:$0x3F9F];
	_ =	sdelay $0x3  }
0x36: {  	p1 =	seq.s32 s10, $0x1;
	s10 =	sld [smem:$0x3FA0];
	_ =	sdelay $0x3  }
0x37: {  	[smem:$0x3FA0] =	sst s10  }
0x38: {  	s10 =	sld [smem:$0x3FA1]  }
0x39: {  	_ = 	snop;
	(pc) =	sbr.ind lr, $3  }
0x3a: {  	_ = 	snop  }
0x3b: {  	_ = 	snop  }
0x3c: {  	p2 =	seq.s32 s10, $0x1;
	s10 =	sld [smem:$0x3FA0]  }
0x3d: {  	_ =	shalt  }
0x3e: {  	_ =	shalt  }
0x3f: {  	_ =	shalt  }
0x40: {  	_ =	shalt  }
0x41: {  	_ =	shalt  }
0x42: {  	_ =	shalt  }
0x43: {  	_ =	shalt  }
0x44: {  	_ =	shalt  }
0x45: {  	_ =	shalt  }
0x46: {  	_ =	shalt  }
0x47: {  	_ =	shalt  }
0x48: {  	_ =	shalt  }
0x49: {  	_ =	shalt  }
0x4a: {  	_ =	shalt  }
0x4b: {  	_ =	shalt  }
0x4c: {  	_ =	shalt  }
0x4d: {  	_ =	shalt  }
0x4e: {  	_ =	shalt  }
0x4f: {  	_ =	shalt  }
0x50: {  	_ =	shalt  }
0x51: {  	_ =	shalt  }
0x52: {  	_ =	shalt  }
0x53: {  	_ =	shalt  }
0x54: {  	_ =	shalt  }
0x55: {  	_ =	shalt  }
0x56: {  	_ =	shalt  }
0x57: {  	_ =	shalt  }
0x58: {  	_ =	shalt  }
0x59: {  	_ =	shalt  }
0x5a: {  	_ =	shalt  }
0x5b: {  	_ =	shalt  }
0x5c: {  	_ =	shalt  }
0x5d: {  	_ =	shalt  }
0x5e: {  	_ =	shalt  }
0x5f: {  	_ =	shalt  }
0x60: {  	_ =	shalt  }
0x61: {  	_ =	shalt  }
0x62: {  	_ =	shalt  }
0x63: {  	_ =	shalt  }
0x64: {  	_ =	shalt  }
0x65: {  	_ =	shalt  }
0x66: {  	_ =	shalt  }
0x67: {  	_ =	shalt  }
0x68: {  	_ =	shalt  }
0x69: {  	_ =	shalt  }
0x6a: {  	_ =	shalt  }
0x6b: {  	_ =	shalt  }
0x6c: {  	_ =	shalt  }
0x6d: {  	_ =	shalt  }
0x6e: {  	_ =	shalt  }
0x6f: {  	_ =	shalt  }
0x70: {  	_ =	shalt  }
0x71: {  	_ =	shalt  }
0x72: {  	_ =	shalt  }
0x73: {  	_ =	shalt  }
0x74: {  	_ =	shalt  }
0x75: {  	_ =	shalt  }
0x76: {  	_ =	shalt  }
0x77: {  	_ =	shalt  }
0x78: {  	_ =	shalt  }
0x79: {  	_ =	shalt  }
0x7a: {  	_ =	shalt  }
0x7b: {  	_ =	shalt  }
0x7c: {  	_ =	shalt  }
0x7d: {  	_ =	shalt  }
0x7e: {  	_ =	shalt  }
0x7f: {  	_ =	shalt  }
0x80: {  	_ =	shalt  }
0x81: {  	_ =	shalt  }
0x82: {  	_ =	shalt  }
0x83: {  	_ =	shalt  }
0x84: {  	_ =	shalt  }
0x85: {  	_ =	shalt  }
0x86: {  	_ =	shalt  }
0x87: {  	_ =	shalt  }
.Lfunc_end0:
.L_simem_size_0:
called_computation_lowered:
.L_overlay_start_0:
0x88: {  	s2 =	sld [smem:$0x3FD9]  }
0x89: {  	s3 =	sld [smem:$0x3FFE];
	_ =	sdelay $0x1  }
0x8a: {  	s1 =	srdreg.scid  }
0x8b: {  	s0 =	sand.u32 $0x1, s1  }
0x8c: {  	s17 =	sshll.u32 s0, $0xA;
	s2 =	sadd.s32 s3, s2  }
0x8d: {  	s2 =	sadd.s32 s2, s17  }
0x8e: {  	[smem:$0x3FAC] =	sst s2  }
0x8f: {  	_ = 	snop  }
0x90: {  	s2 =	sld [smem:$0x3FC9]  }
0x91: {  	s18 =	sld [smem:$0x3FC6];
	(tm) =	ssettm $0x1  }
0x92: {  	s4 =	sld [smem:$0x3FFB];
	_ =	sdelay $0x3  }
0x93: {  	_ =	strace s4  }
0x94: {  	s4 =	sld [smem:$0x3FFC];
	_ =	sdelay $0x3  }
0x95: {  	_ =	strace s4  }
0x96: {  	s4 =	sld [smem:$0x3FFD];
	_ =	sdelay $0x3  }
0x97: {  	_ =	strace s4  }
0x98: {  	_ =	strace $0x8FFFFFFF  }
0x99: {  	s19 =	sld [smem:$0x3FDB];
	_ =	sdelay $0x1  }
0x9a: {  	s5 =	simm.s32 $_scs_section_size  }
0x9b: {  	s6 =	simm.s32 $_size__tile_overlayer_lowered;
	s7 =	simm.s32 $_tile_overlayer_lowered  }
0x9c: {  	s22 =	simm.s32 $0x1BFF;
	s21 =	sshll.u32 s7, $0x1;
	s4 =	sadd.s32 s5, s19  }
0x9d: {  	s8 =	simm.s32 $0x0;
	s20 =	sshll.u32 s6, $0x1;
	s6 =	sadd.s32 s21, s4  }
0x9e: {  	[timem:s8], [sflag:s22] =	dma.local [hbm:s6], s20  }
0x9f: {  	_ =	swait.ge [sflag:s22], s20  }
0xa0: {  	s5 =	ssub.s32 $0x0, s20;
	[sflag:s22] =	ssyncset.done $0x0  }
0xa1: {  	[sflag:s22] =	ssyncadd.s32 s5;
	_ =	sdelay $0x1  }
0xa2: {  	s23 =	simm.s32 $0x1B8B  }
0xa3: {  	_ =	swait.ge [sflag:s23], $0x1  }
0xa4: {  	[sflag:s23] =	ssyncset.done $0x0  }
0xa5: {  	s25 =	simm.s32 $0x1B8E;
	s24 =	sld [smem:$0x3FFE];
	[sflag:s23] =	ssyncadd.s32 $0xFFFFFFFF  }
0xa6: {  	s26 =	simm.s32 $execute0_lowered;
	[smem:$0x3FD2] =	sst s25  }
0xa7: {  	s6 =	sshll.u32 s26, $0x1;
	_ =	strace $0x80000046;
	[dreg:$0x1] =	wrdreg $0xFFFFFFFF  }
0xa8: {  	s28 =	simm.s32 $_size_execute0_lowered;
	s4 =	sadd.s32 s4, s6;
	[dreg:$0x0] =	wrdreg $0x0  }
0xa9: {  	s6 =	sshll.u32 s28, $0x1;
	[dreg:$0x2] =	wrdreg s4  }
0xaa: {  	[dreg:$0x3] =	wrdreg s6  }
0xab: {  	[dreg:$0x4] =	wrdreg $0xC0  }
0xac: {  	_ =	task [dreg:s8], $0x5FFFF  }
0xad: {  	[dreg:$0x1] =	wrdreg $0xFFFFFFFF  }
0xae: {  	[dreg:$0x0] =	wrdreg $0x60  }
0xaf: {  	[dreg:$0x2] =	wrdreg s24  }
0xb0: {  	[dreg:$0x3] =	wrdreg s2  }
0xb1: {  	[dreg:$0x4] =	wrdreg s18  }
0xb2: {  	[dreg:$0x5] =	wrdreg $0x9  }
0xb3: {  	_ =	task.clear_ibuf [dreg:s8], $0x6FFFF;
	_ =	strace $0x90000046  }
0xb4: {  	s29 =	simm.s32 $0x9;
	_ =	strace $0x80000048  }
0xb5: {  	_ =	swait.ge [sflag:s29], $0x1  }
0xb6: {  	[sflag:s29] =	ssyncadd.s32 $0xFFFFFFFF  }
0xb7: {  	_ =	strace $0x90000048  }
0xb8: {  	_ =	sfence  }
0xb9: {  	s30 =	sld [smem:$0x0];
	_ =	sdelay $0x2  }
0xba: {  	s31 =	sshll.u32 s1, $0xD;
	s1 =	sshrl.u32 s1, $0x2  }
0xbb: {  	s3 =	sand.u32 $0x4000, s31;
	s1 =	sadd.s32 s1, s30  }
0xbc: {  	s0 =	sor.u32 s3, s0;
	s1 =	sshll.u32 s1, $0x11  }
0xbd: {  	s0 =	sor.u32 s1, s0  }
0xbe: {  	s0 =	sadd.s32 $0x8F2B, s0  }
0xbf: {  	[sflag:s0] =	ssyncadd.remote.s32 $0x1  }
0xc0: {  	_ =	sfence.sel $0xFFFF  }
0xc1: {  	[dreg:$0x0] =	wrdreg $0xFFFFFFFF;
	(pc) =	sbr.abs _section_cstart, $3  }
0xc2: {  	[dreg:$0x1] =	wrdreg $0xFFFFFFFF  }
0xc3: {  	_ =	task.clear_ibuf [dreg:s8], $0x2FFFF;
	_ =	strace $0x9FFFFFFF  }
0xc4: {  	(tm) =	ssettm $0x7FFFFFFF  }
0xc5: {  	_ =	shalt  }
tec
execute0_lowered:
.L_overlay_start_1:
0x0: {  	(tag) =	ssettag $0x1  }
0x1: {  	s0 =	rddreg [dreg:$0x0]  }
0x2: {  	s1 =	rddreg [dreg:$0x1]  }
0x3: {  	s3 =	rddreg [dreg:$0x2]  }
0x4: {  	s2 =	simm.s32 $0x0;
	s4 =	srdreg.scid;
	s5 =	stileid.u32  }
0x5: {  	s10 =	simm.s32 $0x200;
	s31 =	simm.s32 $0x400;
	s9 =	simm.s32 $0x80  }
0x6: {  	s11 =	simm.s32 $0x1600;
	s21 =	simm.s32 $0x100;
	s12 =	simm.s32 $0x2600  }
0x7: {  	s22 =	simm.s32 $0x180;
	s13 =	simm.s32 $0x3600;
	s14 =	simm.s32 $0x4600  }
0x8: {  	s24 =	simm.s32 $0x5600;
	p0 =	por $0x0, $0x0;
	s20 =	simm.s32 $0x2  }
0x9: {  	s16 =	simm.s32 $0x280;
	s17 =	simm.s32 $0x300;
	s18 =	simm.s32 $0x380  }
0xa: {  	[smem:$0x7FF] =	sst s2;
	s4 =	sand.u32 $0x1, s4;
	s5 =	sshll.u32 s5, $0xA  }
0xb: {  	s29 =	sadd.s32 $0x18FA00, s0;
	s6 =	sshll.u32 s4, $0x9;
	s4 =	ssub.s32 $0x2, s4  }
0xc: {  	s19 =	sadd.s32 $0x1F1600, s0;
	_ =	strace $0x80000047;
	s8 =	sshrl.u32 s4, $0x1  }
0xd: {  	s6 =	sor.u32 s6, s5;
	s5 =	sadd.s32 $0x253200, s0;
	s25 =	ssub.s32 s4, s8  }
0xe: {  	s7 =	sshrl.u32 s6, $0x3;
	s6 =	sshll.u32 s6, $0x2;
	s26 =	smax.u32 s25, $0x1  }
0xf: {  	s1 =	sadd.s32 s1, s7;
	s0 =	sadd.s32 s6, s0;
	p1 =	sne.s32 s26, $0x1  }
.Ltmp0:
0x10: {  	s30 =	sadd.s32 s3, s7;
	s3 =	simm.s32 $0x3;
	(pc) =	sbr.rel @!p1 .LBB2_3-.Ltmp0, $4  }
0x11: {  	s6 =	simm.s32 $0x600;
	s7 =	simm.s32 $0x1;
	s25 =	simm.s32 $0x6600  }
0x12: {  	[dreg:$0x4] =	wrdreg s1;
	s28 =	sadd.s32 $0x9000, s0;
	s23 =	sadd.s32 $0x19000, s0  }
0x13: {  	s15 =	sadd.s32 $0x29000, s0;
	s8 =	sadd.s32 $0x39000, s0;
	s4 =	sadd.s32 $0x49000, s0  }
0x14: {  	s0 =	sadd.s32 $0xFFFFFFFF, s26;
	s26 =	simm.s32 $0x7600;
	s1 =	rddreg [dreg:$0x4]  }
0x15: {  	[tilespmem:s2], [sflag:$0x3] =	stream.linear.gather [hbm4b:s1+s2], $0x200, $0x38;
	[tilespmem:$0x8600] =	vst v63  }
0x16: {  	_ =	swait.ge [sflag:s3], $0x200  }
0x17: {  	[sflag:s3] =	ssyncset.done $0x0  }
0x18: {  	[sflag:s3] =	ssyncadd.s32 $0xFFFFFE00  }
0x19: {  	[tilespmem:s10], [sflag:$0x3] =	stream.linear.gather [hbm4b:s30+s2], $0x200, $0x38;
	[tilespmem:$0x8600] =	vst v63  }
0x1a: {  	_ =	swait.ge [sflag:s3], $0x200  }
0x1b: {  	[sflag:s3] =	ssyncset.done $0x0  }
0x1c: {  	[sflag:s3] =	ssyncadd.s32 $0xFFFFFE00  }
0x1d: {  	[tilespmem:s31], [sflag:$0x3] =	stream.linear.gather [hbm4b:s30+s2], $0x200, $0x38;
	[tilespmem:$0x8600] =	vst v63  }
0x1e: {  	_ =	swait.ge [sflag:s3], $0x200  }
0x1f: {  	[sflag:s3] =	ssyncset.done $0x0  }
0x20: {  	[sflag:s3] =	ssyncadd.s32 $0xFFFFFE00  }
0x21: {  	[tilespmem:s6], [sflag:$0x1] =	stream.indirect.gather [hbm4b:s29+s9], $0x20, s2, s9, $0xb8;
	[tilespmem:$0x8600] =	vst v63  }
0x22: {  	_ = 	snop  }
0x23: {  	[tilespmem:s11], [sflag:$0x1] =	stream.indirect.gather [hbm4b:s29+s9], $0x20, s9, s9, $0xb8;
	[tilespmem:$0x8600] =	vst v63  }
0x24: {  	_ = 	snop  }
0x25: {  	[tilespmem:s12], [sflag:$0x1] =	stream.indirect.gather [hbm4b:s29+s9], $0x20, s21, s9, $0xb8;
	[tilespmem:$0x8600] =	vst v63  }
0x26: {  	_ = 	snop  }
0x27: {  	[tilespmem:s13], [sflag:$0x1] =	stream.indirect.gather [hbm4b:s29+s9], $0x20, s22, s9, $0xb8;
	[tilespmem:$0x8600] =	vst v63  }
0x28: {  	_ =	swait.ge [sflag:s7], $0x1000  }
0x29: {  	[sflag:s7] =	ssyncset.done $0x0  }
0x2a: {  	[sflag:s7] =	ssyncadd.s32 $0xFFFFF000  }
0x2b: {  	_ =	swait.ge [sflag:s7], $0x1000  }
0x2c: {  	[sflag:s7] =	ssyncset.done $0x0  }
0x2d: {  	[sflag:s7] =	ssyncadd.s32 $0xFFFFF000  }
0x2e: {  	_ =	swait.ge [sflag:s7], $0x1000  }
0x2f: {  	[sflag:s7] =	ssyncset.done $0x0  }
0x30: {  	[sflag:s7] =	ssyncadd.s32 $0xFFFFF000  }
0x31: {  	_ =	swait.ge [sflag:s7], $0x1000  }
0x32: {  	[sflag:s7] =	ssyncset.done $0x0  }
0x33: {  	[sflag:s7] =	ssyncadd.s32 $0xFFFFF000  }
0x34: {  	[tilespmem:s14], [sflag:$0x2] =	stream.indirect.gather [hbm4b:s19+s9], $0x20, s2, s9, $0xb8;
	[tilespmem:$0x8600] =	vst v63  }
0x35: {  	_ = 	snop  }
0x36: {  	[tilespmem:s24], [sflag:$0x2] =	stream.indirect.gather [hbm4b:s19+s9], $0x20, s9, s9, $0xb8;
	[tilespmem:$0x8600] =	vst v63  }
0x37: {  	_ = 	snop  }
0x38: {  	[tilespmem:s25], [sflag:$0x2] =	stream.indirect.gather [hbm4b:s19+s9], $0x20, s21, s9, $0xb8;
	[tilespmem:$0x8600] =	vst v63  }
0x39: {  	_ = 	snop  }
0x3a: {  	[tilespmem:s26], [sflag:$0x2] =	stream.indirect.gather [hbm4b:s19+s9], $0x20, s22, s9, $0xb8;
	[tilespmem:$0x8600] =	vst v63  }
0x3b: {  	_ = 	snop  }
0x3c: {  	[hbm4b:s28+s2] =	stream.linear.scatter [tilespmem:s6], [sflag:$0x3], $0x4000, $0x38;
	[tilespmem:$0x8600] =	vst v63  }
0x3d: {  	_ =	swait.ge [sflag:s3], $0x4000  }
0x3e: {  	[sflag:s3] =	ssyncset.done $0x0  }
0x3f: {  	[sflag:s3] =	ssyncadd.s32 $0xFFFFC000  }
0x40: {  	_ =	swait.ge [sflag:s20], $0x1000  }
0x41: {  	[sflag:s20] =	ssyncset.done $0x0  }
0x42: {  	[sflag:s20] =	ssyncadd.s32 $0xFFFFF000  }
0x43: {  	_ =	swait.ge [sflag:s20], $0x1000  }
0x44: {  	[sflag:s20] =	ssyncset.done $0x0  }
0x45: {  	[sflag:s20] =	ssyncadd.s32 $0xFFFFF000  }
0x46: {  	_ =	swait.ge [sflag:s20], $0x1000  }
0x47: {  	[sflag:s20] =	ssyncset.done $0x0  }
0x48: {  	[sflag:s20] =	ssyncadd.s32 $0xFFFFF000  }
0x49: {  	_ =	swait.ge [sflag:s20], $0x1000  }
0x4a: {  	[sflag:s20] =	ssyncset.done $0x0  }
0x4b: {  	[sflag:s20] =	ssyncadd.s32 $0xFFFFF000  }
0x4c: {  	[tilespmem:s6], [sflag:$0x1] =	stream.indirect.gather [hbm4b:s19+s9], $0x20, s10, s9, $0xb8;
	[tilespmem:$0x8600] =	vst v63  }
0x4d: {  	_ = 	snop  }
0x4e: {  	[tilespmem:s11], [sflag:$0x1] =	stream.indirect.gather [hbm4b:s19+s9], $0x20, s16, s9, $0xb8;
	[tilespmem:$0x8600] =	vst v63  }
0x4f: {  	_ = 	snop  }
0x50: {  	[tilespmem:s12], [sflag:$0x1] =	stream.indirect.gather [hbm4b:s19+s9], $0x20, s17, s9, $0xb8;
	[tilespmem:$0x8600] =	vst v63  }
0x51: {  	_ = 	snop  }
0x52: {  	[tilespmem:s13], [sflag:$0x1] =	stream.indirect.gather [hbm4b:s19+s9], $0x20, s18, s9, $0xb8;
	[tilespmem:$0x8600] =	vst v63  }
0x53: {  	_ = 	snop  }
0x54: {  	[hbm4b:s23+s2] =	stream.linear.scatter [tilespmem:s14], [sflag:$0x3], $0x4000, $0x38;
	[tilespmem:$0x8600] =	vst v63  }
0x55: {  	_ =	swait.ge [sflag:s3], $0x4000  }
0x56: {  	[sflag:s3] =	ssyncset.done $0x0  }
0x57: {  	[sflag:s3] =	ssyncadd.s32 $0xFFFFC000  }
0x58: {  	_ =	swait.ge [sflag:s7], $0x1000  }
0x59: {  	[sflag:s7] =	ssyncset.done $0x0  }
0x5a: {  	[sflag:s7] =	ssyncadd.s32 $0xFFFFF000  }
0x5b: {  	_ =	swait.ge [sflag:s7], $0x1000  }
0x5c: {  	[sflag:s7] =	ssyncset.done $0x0  }
0x5d: {  	[sflag:s7] =	ssyncadd.s32 $0xFFFFF000  }
0x5e: {  	_ =	swait.ge [sflag:s7], $0x1000  }
0x5f: {  	[sflag:s7] =	ssyncset.done $0x0  }
0x60: {  	[sflag:s7] =	ssyncadd.s32 $0xFFFFF000  }
0x61: {  	_ =	swait.ge [sflag:s7], $0x1000  }
0x62: {  	[sflag:s7] =	ssyncset.done $0x0  }
0x63: {  	[sflag:s7] =	ssyncadd.s32 $0xFFFFF000  }
0x64: {  	[tilespmem:s14], [sflag:$0x2] =	stream.indirect.gather [hbm4b:s5+s9], $0x20, s2, s9, $0xb8;
	[tilespmem:$0x8600] =	vst v63  }
0x65: {  	_ = 	snop  }
0x66: {  	[tilespmem:s24], [sflag:$0x2] =	stream.indirect.gather [hbm4b:s5+s9], $0x20, s9, s9, $0xb8;
	[tilespmem:$0x8600] =	vst v63  }
0x67: {  	_ = 	snop  }
0x68: {  	[tilespmem:s25], [sflag:$0x2] =	stream.indirect.gather [hbm4b:s5+s9], $0x20, s21, s9, $0xb8;
	[tilespmem:$0x8600] =	vst v63  }
0x69: {  	_ = 	snop  }
0x6a: {  	[tilespmem:s26], [sflag:$0x2] =	stream.indirect.gather [hbm4b:s5+s9], $0x20, s22, s9, $0xb8;
	[tilespmem:$0x8600] =	vst v63  }
0x6b: {  	_ = 	snop  }
0x6c: {  	[hbm4b:s15+s2] =	stream.linear.scatter [tilespmem:s6], [sflag:$0x3], $0x4000, $0x38;
	[tilespmem:$0x8600] =	vst v63  }
0x6d: {  	_ =	swait.ge [sflag:s3], $0x4000  }
0x6e: {  	[sflag:s3] =	ssyncset.done $0x0  }
0x6f: {  	[sflag:s3] =	ssyncadd.s32 $0xFFFFC000  }
0x70: {  	_ =	swait.ge [sflag:s20], $0x1000  }
0x71: {  	[sflag:s20] =	ssyncset.done $0x0  }
0x72: {  	[sflag:s20] =	ssyncadd.s32 $0xFFFFF000  }
0x73: {  	_ =	swait.ge [sflag:s20], $0x1000  }
0x74: {  	[sflag:s20] =	ssyncset.done $0x0  }
0x75: {  	[sflag:s20] =	ssyncadd.s32 $0xFFFFF000  }
0x76: {  	_ =	swait.ge [sflag:s20], $0x1000  }
0x77: {  	[sflag:s20] =	ssyncset.done $0x0  }
0x78: {  	[sflag:s20] =	ssyncadd.s32 $0xFFFFF000  }
0x79: {  	_ =	swait.ge [sflag:s20], $0x1000  }
0x7a: {  	[sflag:s20] =	ssyncset.done $0x0  }
0x7b: {  	[sflag:s20] =	ssyncadd.s32 $0xFFFFF000  }
0x7c: {  	[tilespmem:s6], [sflag:$0x1] =	stream.indirect.gather [hbm4b:s5+s9], $0x20, s10, s9, $0xb8;
	[tilespmem:$0x8600] =	vst v63  }
0x7d: {  	_ = 	snop  }
0x7e: {  	[tilespmem:s11], [sflag:$0x1] =	stream.indirect.gather [hbm4b:s5+s9], $0x20, s16, s9, $0xb8;
	[tilespmem:$0x8600] =	vst v63  }
0x7f: {  	_ = 	snop  }
0x80: {  	[tilespmem:s12], [sflag:$0x1] =	stream.indirect.gather [hbm4b:s5+s9], $0x20, s17, s9, $0xb8;
	[tilespmem:$0x8600] =	vst v63  }
0x81: {  	_ = 	snop  }
0x82: {  	[tilespmem:s13], [sflag:$0x1] =	stream.indirect.gather [hbm4b:s5+s9], $0x20, s18, s9, $0xb8;
	[tilespmem:$0x8600] =	vst v63  }
0x83: {  	_ = 	snop  }
0x84: {  	[hbm4b:s8+s2] =	stream.linear.scatter [tilespmem:s14], [sflag:$0x3], $0x4000, $0x38;
	[tilespmem:$0x8600] =	vst v63  }
0x85: {  	_ =	swait.ge [sflag:s3], $0x4000  }
0x86: {  	[sflag:s3] =	ssyncset.done $0x0  }
0x87: {  	[sflag:s3] =	ssyncadd.s32 $0xFFFFC000  }
0x88: {  	_ =	swait.ge [sflag:s7], $0x1000  }
0x89: {  	[sflag:s7] =	ssyncset.done $0x0  }
0x8a: {  	[sflag:s7] =	ssyncadd.s32 $0xFFFFF000  }
0x8b: {  	_ =	swait.ge [sflag:s7], $0x1000  }
0x8c: {  	[sflag:s7] =	ssyncset.done $0x0  }
0x8d: {  	[sflag:s7] =	ssyncadd.s32 $0xFFFFF000  }
0x8e: {  	_ =	swait.ge [sflag:s7], $0x1000  }
0x8f: {  	[sflag:s7] =	ssyncset.done $0x0  }
0x90: {  	[sflag:s7] =	ssyncadd.s32 $0xFFFFF000  }
0x91: {  	p1 =	sne.s32 s0, $0x1;
	_ =	swait.ge [sflag:s7], $0x1000  }
.Ltmp1:
0x92: {  	[sflag:s7] =	ssyncset.done $0x0;
	(pc) =	sbr.rel @!p1 .LBB2_3-.Ltmp1, $4  }
0x93: {  	[sflag:s7] =	ssyncadd.s32 $0xFFFFF000  }
0x94: {  	[hbm4b:s4+s2] =	stream.linear.scatter [tilespmem:s6], [sflag:$0x3], $0x4000, $0x38;
	[tilespmem:$0x8600] =	vst v63  }
0x95: {  	s0 =	sadd.s32 $0xFFFFFFFF, s0;
	_ =	swait.ge [sflag:s3], $0x4000  }
0x96: {  	p0 =	por $0x1, $0x1;
	s1 =	rddreg [dreg:$0x4];
	[sflag:s3] =	ssyncset.done $0x0  }
.LBB2_2:
0x97: {  	[sflag:s3] =	ssyncadd.s32 $0xFFFFC000  }
0x98: {  	[tilespmem:s2], [sflag:$0x3] =	stream.linear.gather [hbm4b:s1+s2], $0x200, $0x38;
	[tilespmem:$0x8600] =	vst v63  }
0x99: {  	_ =	swait.ge [sflag:s3], $0x200  }
0x9a: {  	[sflag:s3] =	ssyncset.done $0x0  }
0x9b: {  	[sflag:s3] =	ssyncadd.s32 $0xFFFFFE00  }
0x9c: {  	[tilespmem:s10], [sflag:$0x3] =	stream.linear.gather [hbm4b:s30+s2], $0x200, $0x38;
	[tilespmem:$0x8600] =	vst v63  }
0x9d: {  	_ =	swait.ge [sflag:s3], $0x200  }
0x9e: {  	[sflag:s3] =	ssyncset.done $0x0  }
0x9f: {  	[sflag:s3] =	ssyncadd.s32 $0xFFFFFE00  }
0xa0: {  	[tilespmem:s31], [sflag:$0x3] =	stream.linear.gather [hbm4b:s30+s2], $0x200, $0x38;
	[tilespmem:$0x8600] =	vst v63  }
0xa1: {  	_ =	swait.ge [sflag:s3], $0x200  }
0xa2: {  	[sflag:s3] =	ssyncset.done $0x0  }
0xa3: {  	[sflag:s3] =	ssyncadd.s32 $0xFFFFFE00  }
0xa4: {  	[tilespmem:s6], [sflag:$0x1] =	stream.indirect.gather [hbm4b:s29+s9], $0x20, s2, s9, $0xb8;
	[tilespmem:$0x8600] =	vst v63  }
0xa5: {  	_ = 	snop  }
0xa6: {  	[tilespmem:s11], [sflag:$0x1] =	stream.indirect.gather [hbm4b:s29+s9], $0x20, s9, s9, $0xb8;
	[tilespmem:$0x8600] =	vst v63  }
0xa7: {  	_ = 	snop  }
0xa8: {  	[tilespmem:s12], [sflag:$0x1] =	stream.indirect.gather [hbm4b:s29+s9], $0x20, s21, s9, $0xb8;
	[tilespmem:$0x8600] =	vst v63  }
0xa9: {  	_ = 	snop  }
0xaa: {  	[tilespmem:s13], [sflag:$0x1] =	stream.indirect.gather [hbm4b:s29+s9], $0x20, s22, s9, $0xb8;
	[tilespmem:$0x8600] =	vst v63  }
0xab: {  	_ =	swait.ge [sflag:s7], $0x1000  }
0xac: {  	[sflag:s7] =	ssyncset.done $0x0  }
0xad: {  	[sflag:s7] =	ssyncadd.s32 $0xFFFFF000  }
0xae: {  	_ =	swait.ge [sflag:s7], $0x1000  }
0xaf: {  	[sflag:s7] =	ssyncset.done $0x0  }
0xb0: {  	[sflag:s7] =	ssyncadd.s32 $0xFFFFF000  }
0xb1: {  	_ =	swait.ge [sflag:s7], $0x1000  }
0xb2: {  	[sflag:s7] =	ssyncset.done $0x0  }
0xb3: {  	[sflag:s7] =	ssyncadd.s32 $0xFFFFF000  }
0xb4: {  	_ =	swait.ge [sflag:s7], $0x1000  }
0xb5: {  	[sflag:s7] =	ssyncset.done $0x0  }
0xb6: {  	[sflag:s7] =	ssyncadd.s32 $0xFFFFF000  }
0xb7: {  	[tilespmem:s14], [sflag:$0x2] =	stream.indirect.gather [hbm4b:s19+s9], $0x20, s2, s9, $0xb8;
	[tilespmem:$0x8600] =	vst v63  }
0xb8: {  	_ = 	snop  }
0xb9: {  	[tilespmem:s24], [sflag:$0x2] =	stream.indirect.gather [hbm4b:s19+s9], $0x20, s9, s9, $0xb8;
	[tilespmem:$0x8600] =	vst v63  }
0xba: {  	_ = 	snop  }
0xbb: {  	[tilespmem:s25], [sflag:$0x2] =	stream.indirect.gather [hbm4b:s19+s9], $0x20, s21, s9, $0xb8;
	[tilespmem:$0x8600] =	vst v63  }
0xbc: {  	_ = 	snop  }
0xbd: {  	[tilespmem:s26], [sflag:$0x2] =	stream.indirect.gather [hbm4b:s19+s9], $0x20, s22, s9, $0xb8;
	[tilespmem:$0x8600] =	vst v63  }
0xbe: {  	_ = 	snop  }
0xbf: {  	[hbm4b:s28+s2] =	stream.linear.scatter [tilespmem:s6], [sflag:$0x3], $0x4000, $0x38;
	[tilespmem:$0x8600] =	vst v63  }
0xc0: {  	_ =	swait.ge [sflag:s3], $0x4000  }
0xc1: {  	[sflag:s3] =	ssyncset.done $0x0  }
0xc2: {  	[sflag:s3] =	ssyncadd.s32 $0xFFFFC000  }
0xc3: {  	_ =	swait.ge [sflag:s20], $0x1000  }
0xc4: {  	[sflag:s20] =	ssyncset.done $0x0  }
0xc5: {  	[sflag:s20] =	ssyncadd.s32 $0xFFFFF000  }
0xc6: {  	_ =	swait.ge [sflag:s20], $0x1000  }
0xc7: {  	[sflag:s20] =	ssyncset.done $0x0  }
0xc8: {  	[sflag:s20] =	ssyncadd.s32 $0xFFFFF000  }
0xc9: {  	_ =	swait.ge [sflag:s20], $0x1000  }
0xca: {  	[sflag:s20] =	ssyncset.done $0x0  }
0xcb: {  	[sflag:s20] =	ssyncadd.s32 $0xFFFFF000  }
0xcc: {  	_ =	swait.ge [sflag:s20], $0x1000  }
0xcd: {  	[sflag:s20] =	ssyncset.done $0x0  }
0xce: {  	[sflag:s20] =	ssyncadd.s32 $0xFFFFF000  }
0xcf: {  	[tilespmem:s6], [sflag:$0x1] =	stream.indirect.gather [hbm4b:s19+s9], $0x20, s10, s9, $0xb8;
	[tilespmem:$0x8600] =	vst v63  }
0xd0: {  	_ = 	snop  }
0xd1: {  	[tilespmem:s11], [sflag:$0x1] =	stream.indirect.gather [hbm4b:s19+s9], $0x20, s16, s9, $0xb8;
	[tilespmem:$0x8600] =	vst v63  }
0xd2: {  	_ = 	snop  }
0xd3: {  	[tilespmem:s12], [sflag:$0x1] =	stream.indirect.gather [hbm4b:s19+s9], $0x20, s17, s9, $0xb8;
	[tilespmem:$0x8600] =	vst v63  }
0xd4: {  	_ = 	snop  }
0xd5: {  	[tilespmem:s13], [sflag:$0x1] =	stream.indirect.gather [hbm4b:s19+s9], $0x20, s18, s9, $0xb8;
	[tilespmem:$0x8600] =	vst v63  }
0xd6: {  	_ = 	snop  }
0xd7: {  	[hbm4b:s23+s2] =	stream.linear.scatter [tilespmem:s14], [sflag:$0x3], $0x4000, $0x38;
	[tilespmem:$0x8600] =	vst v63  }
0xd8: {  	_ =	swait.ge [sflag:s3], $0x4000  }
0xd9: {  	[sflag:s3] =	ssyncset.done $0x0  }
0xda: {  	[sflag:s3] =	ssyncadd.s32 $0xFFFFC000  }
0xdb: {  	_ =	swait.ge [sflag:s7], $0x1000  }
0xdc: {  	[sflag:s7] =	ssyncset.done $0x0  }
0xdd: {  	[sflag:s7] =	ssyncadd.s32 $0xFFFFF000  }
0xde: {  	_ =	swait.ge [sflag:s7], $0x1000  }
0xdf: {  	[sflag:s7] =	ssyncset.done $0x0  }
0xe0: {  	[sflag:s7] =	ssyncadd.s32 $0xFFFFF000  }
0xe1: {  	_ =	swait.ge [sflag:s7], $0x1000  }
0xe2: {  	[sflag:s7] =	ssyncset.done $0x0  }
0xe3: {  	[sflag:s7] =	ssyncadd.s32 $0xFFFFF000  }
0xe4: {  	_ =	swait.ge [sflag:s7], $0x1000  }
0xe5: {  	[sflag:s7] =	ssyncset.done $0x0  }
0xe6: {  	[sflag:s7] =	ssyncadd.s32 $0xFFFFF000  }
0xe7: {  	[tilespmem:s14], [sflag:$0x2] =	stream.indirect.gather [hbm4b:s5+s9], $0x20, s2, s9, $0xb8;
	[tilespmem:$0x8600] =	vst v63  }
0xe8: {  	_ = 	snop  }
0xe9: {  	[tilespmem:s24], [sflag:$0x2] =	stream.indirect.gather [hbm4b:s5+s9], $0x20, s9, s9, $0xb8;
	[tilespmem:$0x8600] =	vst v63  }
0xea: {  	_ = 	snop  }
0xeb: {  	[tilespmem:s25], [sflag:$0x2] =	stream.indirect.gather [hbm4b:s5+s9], $0x20, s21, s9, $0xb8;
	[tilespmem:$0x8600] =	vst v63  }
0xec: {  	_ = 	snop  }
0xed: {  	[tilespmem:s26], [sflag:$0x2] =	stream.indirect.gather [hbm4b:s5+s9], $0x20, s22, s9, $0xb8;
	[tilespmem:$0x8600] =	vst v63  }
0xee: {  	_ = 	snop  }
0xef: {  	[hbm4b:s15+s2] =	stream.linear.scatter [tilespmem:s6], [sflag:$0x3], $0x4000, $0x38;
	[tilespmem:$0x8600] =	vst v63  }
0xf0: {  	_ =	swait.ge [sflag:s3], $0x4000  }
0xf1: {  	[sflag:s3] =	ssyncset.done $0x0  }
0xf2: {  	[sflag:s3] =	ssyncadd.s32 $0xFFFFC000  }
0xf3: {  	_ =	swait.ge [sflag:s20], $0x1000  }
0xf4: {  	[sflag:s20] =	ssyncset.done $0x0  }
0xf5: {  	[sflag:s20] =	ssyncadd.s32 $0xFFFFF000  }
0xf6: {  	_ =	swait.ge [sflag:s20], $0x1000  }
0xf7: {  	[sflag:s20] =	ssyncset.done $0x0  }
0xf8: {  	[sflag:s20] =	ssyncadd.s32 $0xFFFFF000  }
0xf9: {  	_ =	swait.ge [sflag:s20], $0x1000  }
0xfa: {  	[sflag:s20] =	ssyncset.done $0x0  }
0xfb: {  	[sflag:s20] =	ssyncadd.s32 $0xFFFFF000  }
0xfc: {  	_ =	swait.ge [sflag:s20], $0x1000  }
0xfd: {  	[sflag:s20] =	ssyncset.done $0x0  }
0xfe: {  	[sflag:s20] =	ssyncadd.s32 $0xFFFFF000  }
0xff: {  	[tilespmem:s6], [sflag:$0x1] =	stream.indirect.gather [hbm4b:s5+s9], $0x20, s10, s9, $0xb8;
	[tilespmem:$0x8600] =	vst v63  }
0x100: {  	_ = 	snop  }
0x101: {  	[tilespmem:s11], [sflag:$0x1] =	stream.indirect.gather [hbm4b:s5+s9], $0x20, s16, s9, $0xb8;
	[tilespmem:$0x8600] =	vst v63  }
0x102: {  	_ = 	snop  }
0x103: {  	[tilespmem:s12], [sflag:$0x1] =	stream.indirect.gather [hbm4b:s5+s9], $0x20, s17, s9, $0xb8;
	[tilespmem:$0x8600] =	vst v63  }
0x104: {  	_ = 	snop  }
0x105: {  	[tilespmem:s13], [sflag:$0x1] =	stream.indirect.gather [hbm4b:s5+s9], $0x20, s18, s9, $0xb8;
	[tilespmem:$0x8600] =	vst v63  }
0x106: {  	_ = 	snop  }
0x107: {  	[hbm4b:s8+s2] =	stream.linear.scatter [tilespmem:s14], [sflag:$0x3], $0x4000, $0x38;
	[tilespmem:$0x8600] =	vst v63  }
0x108: {  	_ =	swait.ge [sflag:s3], $0x4000  }
0x109: {  	[sflag:s3] =	ssyncset.done $0x0  }
0x10a: {  	[sflag:s3] =	ssyncadd.s32 $0xFFFFC000  }
0x10b: {  	_ =	swait.ge [sflag:s7], $0x1000  }
0x10c: {  	[sflag:s7] =	ssyncset.done $0x0  }
0x10d: {  	[sflag:s7] =	ssyncadd.s32 $0xFFFFF000  }
0x10e: {  	_ =	swait.ge [sflag:s7], $0x1000  }
0x10f: {  	[sflag:s7] =	ssyncset.done $0x0  }
0x110: {  	[sflag:s7] =	ssyncadd.s32 $0xFFFFF000  }
0x111: {  	_ =	swait.ge [sflag:s7], $0x1000  }
0x112: {  	[sflag:s7] =	ssyncset.done $0x0  }
0x113: {  	[sflag:s7] =	ssyncadd.s32 $0xFFFFF000  }
0x114: {  	p1 =	sne.s32 s0, $0x1;
	_ =	swait.ge [sflag:s7], $0x1000  }
.Ltmp2:
0x115: {  	[sflag:s7] =	ssyncset.done $0x0;
	(pc) =	sbr.rel @p1 .LBB2_2-.Ltmp2, $4  }
0x116: {  	[sflag:s7] =	ssyncadd.s32 $0xFFFFF000  }
0x117: {  	[hbm4b:s4+s2] =	stream.linear.scatter [tilespmem:s6], [sflag:$0x3], $0x4000, $0x38;
	[tilespmem:$0x8600] =	vst v63  }
0x118: {  	_ =	swait.ge [sflag:s3], $0x4000  }
0x119: {  	s0 =	sadd.s32 $0xFFFFFFFF, s0;
	s1 =	rddreg [dreg:$0x4];
	[sflag:s3] =	ssyncset.done $0x0  }
.LBB2_3:
0x11a: {  	[sflag:s3] =	ssyncadd.s32 @p0 $0xFFFFC000  }
0x11b: {  	[tilespmem:s2], [sflag:$0x3] =	stream.linear.gather [hbm4b:s1+s2], $0x200, $0x38;
	[tilespmem:$0x8600] =	vst v63  }
0x11c: {  	_ =	swait.ge [sflag:s3], $0x200  }
0x11d: {  	[sflag:s3] =	ssyncset.done $0x0  }
0x11e: {  	[sflag:s3] =	ssyncadd.s32 $0xFFFFFE00  }
0x11f: {  	[tilespmem:s10], [sflag:$0x3] =	stream.linear.gather [hbm4b:s30+s2], $0x200, $0x38;
	[tilespmem:$0x8600] =	vst v63  }
0x120: {  	_ =	swait.ge [sflag:s3], $0x200  }
0x121: {  	[sflag:s3] =	ssyncset.done $0x0  }
0x122: {  	[sflag:s3] =	ssyncadd.s32 $0xFFFFFE00  }
0x123: {  	[tilespmem:s31], [sflag:$0x3] =	stream.linear.gather [hbm4b:s30+s2], $0x200, $0x38;
	[tilespmem:$0x8600] =	vst v63  }
0x124: {  	_ =	swait.ge [sflag:s3], $0x200  }
0x125: {  	[sflag:s3] =	ssyncset.done $0x0  }
0x126: {  	[sflag:s3] =	ssyncadd.s32 $0xFFFFFE00  }
0x127: {  	[tilespmem:s6], [sflag:$0x1] =	stream.indirect.gather [hbm4b:s29+s9], $0x20, s2, s9, $0xb8;
	[tilespmem:$0x8600] =	vst v63  }
0x128: {  	_ = 	snop  }
0x129: {  	[tilespmem:s11], [sflag:$0x1] =	stream.indirect.gather [hbm4b:s29+s9], $0x20, s9, s9, $0xb8;
	[tilespmem:$0x8600] =	vst v63  }
0x12a: {  	_ = 	snop  }
0x12b: {  	[tilespmem:s12], [sflag:$0x1] =	stream.indirect.gather [hbm4b:s29+s9], $0x20, s21, s9, $0xb8;
	[tilespmem:$0x8600] =	vst v63  }
0x12c: {  	_ = 	snop  }
0x12d: {  	[tilespmem:s13], [sflag:$0x1] =	stream.indirect.gather [hbm4b:s29+s9], $0x20, s22, s9, $0xb8;
	[tilespmem:$0x8600] =	vst v63  }
0x12e: {  	_ =	swait.ge [sflag:s7], $0x1000  }
0x12f: {  	[sflag:s7] =	ssyncset.done $0x0  }
0x130: {  	[sflag:s7] =	ssyncadd.s32 $0xFFFFF000  }
0x131: {  	_ =	swait.ge [sflag:s7], $0x1000  }
0x132: {  	[sflag:s7] =	ssyncset.done $0x0  }
0x133: {  	[sflag:s7] =	ssyncadd.s32 $0xFFFFF000  }
0x134: {  	_ =	swait.ge [sflag:s7], $0x1000  }
0x135: {  	[sflag:s7] =	ssyncset.done $0x0  }
0x136: {  	[sflag:s7] =	ssyncadd.s32 $0xFFFFF000  }
0x137: {  	_ =	swait.ge [sflag:s7], $0x1000  }
0x138: {  	[sflag:s7] =	ssyncset.done $0x0  }
0x139: {  	[sflag:s7] =	ssyncadd.s32 $0xFFFFF000  }
0x13a: {  	[tilespmem:s14], [sflag:$0x2] =	stream.indirect.gather [hbm4b:s19+s9], $0x20, s2, s9, $0xb8;
	[tilespmem:$0x8600] =	vst v63  }
0x13b: {  	_ = 	snop  }
0x13c: {  	[tilespmem:s24], [sflag:$0x2] =	stream.indirect.gather [hbm4b:s19+s9], $0x20, s9, s9, $0xb8;
	[tilespmem:$0x8600] =	vst v63  }
0x13d: {  	_ = 	snop  }
0x13e: {  	[tilespmem:s25], [sflag:$0x2] =	stream.indirect.gather [hbm4b:s19+s9], $0x20, s21, s9, $0xb8;
	[tilespmem:$0x8600] =	vst v63  }
0x13f: {  	_ = 	snop  }
0x140: {  	[tilespmem:s26], [sflag:$0x2] =	stream.indirect.gather [hbm4b:s19+s9], $0x20, s22, s9, $0xb8;
	[tilespmem:$0x8600] =	vst v63  }
0x141: {  	_ = 	snop  }
0x142: {  	[hbm4b:s28+s2] =	stream.linear.scatter [tilespmem:s6], [sflag:$0x3], $0x4000, $0x38;
	[tilespmem:$0x8600] =	vst v63  }
0x143: {  	_ =	swait.ge [sflag:s3], $0x4000  }
0x144: {  	[sflag:s3] =	ssyncset.done $0x0  }
0x145: {  	[sflag:s3] =	ssyncadd.s32 $0xFFFFC000  }
0x146: {  	_ =	swait.ge [sflag:s20], $0x1000  }
0x147: {  	[sflag:s20] =	ssyncset.done $0x0  }
0x148: {  	[sflag:s20] =	ssyncadd.s32 $0xFFFFF000  }
0x149: {  	_ =	swait.ge [sflag:s20], $0x1000  }
0x14a: {  	[sflag:s20] =	ssyncset.done $0x0  }
0x14b: {  	[sflag:s20] =	ssyncadd.s32 $0xFFFFF000  }
0x14c: {  	_ =	swait.ge [sflag:s20], $0x1000  }
0x14d: {  	[sflag:s20] =	ssyncset.done $0x0  }
0x14e: {  	[sflag:s20] =	ssyncadd.s32 $0xFFFFF000  }
0x14f: {  	_ =	swait.ge [sflag:s20], $0x1000  }
0x150: {  	[sflag:s20] =	ssyncset.done $0x0  }
0x151: {  	[sflag:s20] =	ssyncadd.s32 $0xFFFFF000  }
0x152: {  	[tilespmem:s6], [sflag:$0x1] =	stream.indirect.gather [hbm4b:s19+s9], $0x20, s10, s9, $0xb8;
	[tilespmem:$0x8600] =	vst v63  }
0x153: {  	_ = 	snop  }
0x154: {  	[tilespmem:s11], [sflag:$0x1] =	stream.indirect.gather [hbm4b:s19+s9], $0x20, s16, s9, $0xb8;
	[tilespmem:$0x8600] =	vst v63  }
0x155: {  	_ = 	snop  }
0x156: {  	[tilespmem:s12], [sflag:$0x1] =	stream.indirect.gather [hbm4b:s19+s9], $0x20, s17, s9, $0xb8;
	[tilespmem:$0x8600] =	vst v63  }
0x157: {  	_ = 	snop  }
0x158: {  	[tilespmem:s13], [sflag:$0x1] =	stream.indirect.gather [hbm4b:s19+s9], $0x20, s18, s9, $0xb8;
	[tilespmem:$0x8600] =	vst v63  }
0x159: {  	_ = 	snop  }
0x15a: {  	[hbm4b:s23+s2] =	stream.linear.scatter [tilespmem:s14], [sflag:$0x3], $0x4000, $0x38;
	[tilespmem:$0x8600] =	vst v63  }
0x15b: {  	_ =	swait.ge [sflag:s3], $0x4000  }
0x15c: {  	[sflag:s3] =	ssyncset.done $0x0  }
0x15d: {  	[sflag:s3] =	ssyncadd.s32 $0xFFFFC000  }
0x15e: {  	_ =	swait.ge [sflag:s7], $0x1000  }
0x15f: {  	[sflag:s7] =	ssyncset.done $0x0  }
0x160: {  	[sflag:s7] =	ssyncadd.s32 $0xFFFFF000  }
0x161: {  	_ =	swait.ge [sflag:s7], $0x1000  }
0x162: {  	[sflag:s7] =	ssyncset.done $0x0  }
0x163: {  	[sflag:s7] =	ssyncadd.s32 $0xFFFFF000  }
0x164: {  	_ =	swait.ge [sflag:s7], $0x1000  }
0x165: {  	[sflag:s7] =	ssyncset.done $0x0  }
0x166: {  	[sflag:s7] =	ssyncadd.s32 $0xFFFFF000  }
0x167: {  	_ =	swait.ge [sflag:s7], $0x1000  }
0x168: {  	[sflag:s7] =	ssyncset.done $0x0  }
0x169: {  	[sflag:s7] =	ssyncadd.s32 $0xFFFFF000  }
0x16a: {  	[tilespmem:s14], [sflag:$0x2] =	stream.indirect.gather [hbm4b:s5+s9], $0x20, s2, s9, $0xb8;
	[tilespmem:$0x8600] =	vst v63  }
0x16b: {  	_ = 	snop  }
0x16c: {  	[tilespmem:s24], [sflag:$0x2] =	stream.indirect.gather [hbm4b:s5+s9], $0x20, s9, s9, $0xb8;
	[tilespmem:$0x8600] =	vst v63  }
0x16d: {  	_ = 	snop  }
0x16e: {  	[tilespmem:s25], [sflag:$0x2] =	stream.indirect.gather [hbm4b:s5+s9], $0x20, s21, s9, $0xb8;
	[tilespmem:$0x8600] =	vst v63  }
0x16f: {  	_ = 	snop  }
0x170: {  	[tilespmem:s26], [sflag:$0x2] =	stream.indirect.gather [hbm4b:s5+s9], $0x20, s22, s9, $0xb8;
	[tilespmem:$0x8600] =	vst v63  }
0x171: {  	_ = 	snop  }
0x172: {  	[hbm4b:s15+s2] =	stream.linear.scatter [tilespmem:s6], [sflag:$0x3], $0x4000, $0x38;
	[tilespmem:$0x8600] =	vst v63  }
0x173: {  	_ =	swait.ge [sflag:s3], $0x4000  }
0x174: {  	[sflag:s3] =	ssyncset.done $0x0  }
0x175: {  	[sflag:s3] =	ssyncadd.s32 $0xFFFFC000  }
0x176: {  	_ =	swait.ge [sflag:s20], $0x1000  }
0x177: {  	[sflag:s20] =	ssyncset.done $0x0  }
0x178: {  	[sflag:s20] =	ssyncadd.s32 $0xFFFFF000  }
0x179: {  	_ =	swait.ge [sflag:s20], $0x1000  }
0x17a: {  	[sflag:s20] =	ssyncset.done $0x0  }
0x17b: {  	[sflag:s20] =	ssyncadd.s32 $0xFFFFF000  }
0x17c: {  	_ =	swait.ge [sflag:s20], $0x1000  }
0x17d: {  	[sflag:s20] =	ssyncset.done $0x0  }
0x17e: {  	[sflag:s20] =	ssyncadd.s32 $0xFFFFF000  }
0x17f: {  	_ =	swait.ge [sflag:s20], $0x1000  }
0x180: {  	[sflag:s20] =	ssyncset.done $0x0  }
0x181: {  	[sflag:s20] =	ssyncadd.s32 $0xFFFFF000  }
0x182: {  	[tilespmem:s6], [sflag:$0x1] =	stream.indirect.gather [hbm4b:s5+s9], $0x20, s10, s9, $0xb8;
	[tilespmem:$0x8600] =	vst v63  }
0x183: {  	_ = 	snop  }
0x184: {  	[tilespmem:s11], [sflag:$0x1] =	stream.indirect.gather [hbm4b:s5+s9], $0x20, s16, s9, $0xb8;
	[tilespmem:$0x8600] =	vst v63  }
0x185: {  	_ = 	snop  }
0x186: {  	[tilespmem:s12], [sflag:$0x1] =	stream.indirect.gather [hbm4b:s5+s9], $0x20, s17, s9, $0xb8;
	[tilespmem:$0x8600] =	vst v63  }
0x187: {  	_ = 	snop  }
0x188: {  	[tilespmem:s13], [sflag:$0x1] =	stream.indirect.gather [hbm4b:s5+s9], $0x20, s18, s9, $0xb8;
	[tilespmem:$0x8600] =	vst v63  }
0x189: {  	_ = 	snop  }
0x18a: {  	[hbm4b:s8+s2] =	stream.linear.scatter [tilespmem:s14], [sflag:$0x3], $0x4000, $0x38;
	[tilespmem:$0x8600] =	vst v63  }
0x18b: {  	_ =	swait.ge [sflag:s3], $0x4000  }
0x18c: {  	[sflag:s3] =	ssyncset.done $0x0  }
0x18d: {  	[sflag:s3] =	ssyncadd.s32 $0xFFFFC000  }
0x18e: {  	_ =	swait.ge [sflag:s7], $0x1000  }
0x18f: {  	[sflag:s7] =	ssyncset.done $0x0  }
0x190: {  	[sflag:s7] =	ssyncadd.s32 $0xFFFFF000  }
0x191: {  	_ =	swait.ge [sflag:s7], $0x1000  }
0x192: {  	[sflag:s7] =	ssyncset.done $0x0  }
0x193: {  	[sflag:s7] =	ssyncadd.s32 $0xFFFFF000  }
0x194: {  	_ =	swait.ge [sflag:s7], $0x1000  }
0x195: {  	[sflag:s7] =	ssyncset.done $0x0  }
0x196: {  	[sflag:s7] =	ssyncadd.s32 $0xFFFFF000  }
0x197: {  	_ =	swait.ge [sflag:s7], $0x1000  }
0x198: {  	[sflag:s7] =	ssyncset.done $0x0  }
0x199: {  	[sflag:s7] =	ssyncadd.s32 $0xFFFFF000  }
0x19a: {  	[hbm4b:s4+s2] =	stream.linear.scatter [tilespmem:s6], [sflag:$0x3], $0x4000, $0x38;
	[tilespmem:$0x8600] =	vst v63  }
0x19b: {  	_ =	swait.ge [sflag:s3], $0x4000  }
0x19c: {  	[sflag:s3] =	ssyncset.done $0x0  }
0x19d: {  	[sflag:s3] =	ssyncadd.s32 $0xFFFFC000  }
0x19e: {  	_ =	sfence.sel $0x180000  }
0x19f: {  	[bflag:$0x0] =	sbarrier.arrive $0xFFFF  }
0x1a0: {  	_ =	strace $0x90000047  }
0x1a1: {  	s0 =	stileid.u32;
	[bflag:$0x2] =	sbarrier.arrive $0xFFFF  }
0x1a2: {  	p0 =	sne.s32 s0, $0x0;
	s0 =	rddreg [dreg:$0x3]  }
0x1a3: {  	s0 =	sadd.s32 @!p0 $0x100000, s0  }
0x1a4: {  	[sflag:s0] =	ssyncadd.tile.s32 @!p0 $0x1;
	_ =	shalt  }
.Lfunc_end2:
_tile_overlayer_lowered:
.L_overlay_start_2:
0x1a5: {  	(tag) =	ssettag $0x2  }
0x1a6: {  	s0 =	rddreg [dreg:$0x0];
	s2 =	stileid.u32  }
0x1a7: {  	s1 =	rddreg [dreg:$0x1];
	p0 =	sne.s32 s2, $0x0  }
0x1a8: {  	s3 =	rddreg [dreg:$0x2];
	[bflag:$0x3] =	sbarrier.arrive $0xFFFF;
	s2 =	simm.s32 @!p0 $0x1C03  }
0x1a9: {  	[timem:s3], [sflag:s2] =	dma.local @!p0 [hbm:s0], s1  }
0x1aa: {  	s0 =	simm.s32 @!p0 $0x3  }
0x1ab: {  	_ =	swait.ge @!p0 [sflag:s0], s1  }
0x1ac: {  	s1 =	ssub.s32 @!p0 $0x0, s1;
	[sflag:s0] =	ssyncset.done @!p0 $0x0  }
0x1ad: {  	[sflag:s0] =	ssyncadd.s32 @!p0 s1  }
0x1ae: {  	[bflag:$0x3] =	sbarrier.arrive $0xFFFF  }
0x1af: {  	_ =	shalt  }

// kernel: kernel.8.cloned.1.call-start
scs
__scs_entry_jumppad:
0x0: {  	(pc) =	sbr.rel $0x88, $3  }
0x1: {  	(tag) =	ssettag $0x0;
	lr =	simm.s32 $0x1  }
0x2: {  	[smem:$0x3F85] =	sst lr;
	_ =	strace $0xD0000000  }
0x3: {  	_ = 	snop  }
0x4: {  	_ = 	snop  }
0x5: {  	_ = 	snop  }
0x6: {  	_ = 	snop  }
0x7: {  	_ = 	snop  }
__scs_overlays_trampoline_lowered:
0x8: {  	[smem:$0x3F94] =	sst s0  }
0x9: {  	[smem:$0x3F95] =	sst s1  }
0xa: {  	[smem:$0x3F96] =	sst s2  }
0xb: {  	[smem:$0x3F97] =	sst s3  }
0xc: {  	[smem:$0x3F98] =	sst s4  }
0xd: {  	[smem:$0x3F99] =	sst s5  }
0xe: {  	[smem:$0x3F9A] =	sst s6  }
0xf: {  	[smem:$0x3F9B] =	sst s7  }
0x10: {  	[smem:$0x3F9C] =	sst s8  }
0x11: {  	[smem:$0x3F9D] =	sst s9;
	s0 =	simm.s32 @!p0 $0x0  }
0x12: {  	s1 =	sld [smem:$0x3F83];
	s0 =	simm.s32 @p0 $0x1  }
0x13: {  	[smem:$0x3F9E] =	sst s0;
	s0 =	simm.s32 @!p1 $0x0  }
0x14: {  	s2 =	sld [smem:$0x3F82];
	s0 =	simm.s32 @p1 $0x1  }
0x15: {  	[smem:$0x3F9F] =	sst s0;
	s0 =	simm.s32 @!p2 $0x0  }
0x16: {  	s3 =	sld [smem:$0x3FDB];
	s0 =	simm.s32 @p2 $0x1  }
0x17: {  	s4 =	simm.s32 $0x1BF5;
	[smem:$0x3FA1] =	sst s0  }
0x18: {  	s0 =	sld [smem:$0x3F84];
	_ =	swait.ge [sflag:s4], $0x0  }
0x19: {  	s7 =	sld [smem:$0x3F85]  }
0x1a: {  	s8 =	sadd.s32 $0xFFFFE003, lr  }
0x1b: {  	s9 =	sadd.s32 $0xFFFFFEF7, lr;
	s5 =	simm.s32 $0xFFFFFFFF;
	p2 =	slt.u32 s8, $0xFFFFF086  }
0x1c: {  	p1 =	slt.u32 s9, $0xF7A;
	s5 =	simm.s32 @!p2 $0x0  }
0x1d: {  	s5 =	simm.s32 @p1 $0x1;
	p0 =	seq.s32 s7, s2  }
0x1e: {  	s7 =	smul.u32 @!p0 $0xF7A, s2;
	p2 =	seq.s32 @!p0 s5, $0x0  }
0x1f: {  	s9 =	smul.u32 $0xF7A, s1;
	s8 =	simm.s32 @!p0 $0x1BF5;
	p2 =	por !p2, p0  }
0x20: {  	[sflag:s8] =	ssyncset.s32 @!p0 $0xFFFFF086;
	s6 =	sadd.s32 @!p0 s3, s7;
	s7 =	simm.s32 @!p0 $0x108  }
0x21: {  	s3 =	sadd.s32 s3, s9;
	s6 =	sadd.s32 @!p0 $0x88, s6;
	s7 =	simm.s32 @p2 $0x1082  }
0x22: {  	[simem:s7], [sflag:s8] =	dma.local @!p0 [hbm:s6], $0xF7A  }
0x23: {  	s9 =	sor.u32 $0xD0000000, s2;
	s6 =	simm.s32 $0x108;
	_ =	swait.ge @!p0 [sflag:s8], $0x0  }
0x24: {  	s3 =	sadd.s32 $0x88, s3;
	s6 =	simm.s32 @!p1 $0x1082;
	[sflag:s4] =	ssyncset.s32 $0xFFFFF086  }
0x25: {  	[simem:s6], [sflag:s4] =	dma.local [hbm:s3], $0xF7A  }
0x26: {  	[smem:$0x3F85] =	sst s1;
	(tag) =	ssettag s2;
	_ =	strace s9  }
0x27: {  	s1 =	sld [smem:$0x3F95]  }
0x28: {  	s2 =	sld [smem:$0x3F96]  }
0x29: {  	s4 =	sld [smem:$0x3F98]  }
0x2a: {  	p0 =	seq.s32 s5, $0x0;
	s5 =	sld [smem:$0x3F99]  }
0x2b: {  	s6 =	sld [smem:$0x3F9A]  }
0x2c: {  	s7 =	sld [smem:$0x3F9B]  }
0x2d: {  	s3 =	simm.s32 $0x108;
	s8 =	sld [smem:$0x3F9C]  }
0x2e: {  	s3 =	simm.s32 @!p0 $0x1082;
	s9 =	sld [smem:$0x3F9D]  }
0x2f: {  	lr =	sadd.s32 s0, s3;
	s0 =	sld [smem:$0x3F94]  }
0x30: {  	s3 =	sld [smem:$0x3F97]  }
0x31: {  	[smem:$0x3FA0] =	sst s10  }
0x32: {  	s10 =	sld [smem:$0x3F9E];
	_ =	sdelay $0x3  }
0x33: {  	p0 =	seq.s32 s10, $0x1;
	s10 =	sld [smem:$0x3FA0];
	_ =	sdelay $0x3  }
0x34: {  	[smem:$0x3FA0] =	sst s10  }
0x35: {  	s10 =	sld [smem:$0x3F9F];
	_ =	sdelay $0x3  }
0x36: {  	p1 =	seq.s32 s10, $0x1;
	s10 =	sld [smem:$0x3FA0];
	_ =	sdelay $0x3  }
0x37: {  	[smem:$0x3FA0] =	sst s10  }
0x38: {  	s10 =	sld [smem:$0x3FA1]  }
0x39: {  	_ = 	snop;
	(pc) =	sbr.ind lr, $3  }
0x3a: {  	_ = 	snop  }
0x3b: {  	_ = 	snop  }
0x3c: {  	p2 =	seq.s32 s10, $0x1;
	s10 =	sld [smem:$0x3FA0]  }
0x3d: {  	_ =	shalt  }
0x3e: {  	_ =	shalt  }
0x3f: {  	_ =	shalt  }
0x40: {  	_ =	shalt  }
0x41: {  	_ =	shalt  }
0x42: {  	_ =	shalt  }
0x43: {  	_ =	shalt  }
0x44: {  	_ =	shalt  }
0x45: {  	_ =	shalt  }
0x46: {  	_ =	shalt  }
0x47: {  	_ =	shalt  }
0x48: {  	_ =	shalt  }
0x49: {  	_ =	shalt  }
0x4a: {  	_ =	shalt  }
0x4b: {  	_ =	shalt  }
0x4c: {  	_ =	shalt  }
0x4d: {  	_ =	shalt  }
0x4e: {  	_ =	shalt  }
0x4f: {  	_ =	shalt  }
0x50: {  	_ =	shalt  }
0x51: {  	_ =	shalt  }
0x52: {  	_ =	shalt  }
0x53: {  	_ =	shalt  }
0x54: {  	_ =	shalt  }
0x55: {  	_ =	shalt  }
0x56: {  	_ =	shalt  }
0x57: {  	_ =	shalt  }
0x58: {  	_ =	shalt  }
0x59: {  	_ =	shalt  }
0x5a: {  	_ =	shalt  }
0x5b: {  	_ =	shalt  }
0x5c: {  	_ =	shalt  }
0x5d: {  	_ =	shalt  }
0x5e: {  	_ =	shalt  }
0x5f: {  	_ =	shalt  }
0x60: {  	_ =	shalt  }
0x61: {  	_ =	shalt  }
0x62: {  	_ =	shalt  }
0x63: {  	_ =	shalt  }
0x64: {  	_ =	shalt  }
0x65: {  	_ =	shalt  }
0x66: {  	_ =	shalt  }
0x67: {  	_ =	shalt  }
0x68: {  	_ =	shalt  }
0x69: {  	_ =	shalt  }
0x6a: {  	_ =	shalt  }
0x6b: {  	_ =	shalt  }
0x6c: {  	_ =	shalt  }
0x6d: {  	_ =	shalt  }
0x6e: {  	_ =	shalt  }
0x6f: {  	_ =	shalt  }
0x70: {  	_ =	shalt  }
0x71: {  	_ =	shalt  }
0x72: {  	_ =	shalt  }
0x73: {  	_ =	shalt  }
0x74: {  	_ =	shalt  }
0x75: {  	_ =	shalt  }
0x76: {  	_ =	shalt  }
0x77: {  	_ =	shalt  }
0x78: {  	_ =	shalt  }
0x79: {  	_ =	shalt  }
0x7a: {  	_ =	shalt  }
0x7b: {  	_ =	shalt  }
0x7c: {  	_ =	shalt  }
0x7d: {  	_ =	shalt  }
0x7e: {  	_ =	shalt  }
0x7f: {  	_ =	shalt  }
0x80: {  	_ =	shalt  }
0x81: {  	_ =	shalt  }
0x82: {  	_ =	shalt  }
0x83: {  	_ =	shalt  }
0x84: {  	_ =	shalt  }
0x85: {  	_ =	shalt  }
0x86: {  	_ =	shalt  }
0x87: {  	_ =	shalt  }
.Lfunc_end0:
.L_simem_size_0:
called_computation.1_lowered:
.L_overlay_start_0:
0x88: {  	s2 =	sld [smem:$0x3FD9]  }
0x89: {  	s3 =	sld [smem:$0x3FFE];
	_ =	sdelay $0x1  }
0x8a: {  	s1 =	srdreg.scid  }
0x8b: {  	s0 =	sand.u32 $0x1, s1  }
0x8c: {  	s17 =	sshll.u32 s0, $0xA;
	s2 =	sadd.s32 s3, s2  }
0x8d: {  	s2 =	sadd.s32 s2, s17  }
0x8e: {  	[smem:$0x3FAC] =	sst s2  }
0x8f: {  	_ = 	snop  }
0x90: {  	s18 =	sld [smem:$0x3FC8]  }
0x91: {  	s5 =	sld [smem:$0x3FC6]  }
0x92: {  	s4 =	sld [smem:$0x3FC5];
	(tm) =	ssettm $0x1  }
0x93: {  	s19 =	sld [smem:$0x3FFB];
	_ =	sdelay $0x3  }
0x94: {  	_ =	strace s19  }
0x95: {  	s2 =	sld [smem:$0x3FFC];
	_ =	sdelay $0x3  }
0x96: {  	_ =	strace s2  }
0x97: {  	s2 =	sld [smem:$0x3FFD];
	_ =	sdelay $0x3  }
0x98: {  	_ =	strace s2  }
0x99: {  	_ =	strace $0x8FFFFFFF  }
0x9a: {  	s20 =	sld [smem:$0x3FDB];
	_ =	sdelay $0x1  }
0x9b: {  	s6 =	simm.s32 $_scs_section_size  }
0x9c: {  	s7 =	simm.s32 $_size__tile_overlayer_lowered;
	s8 =	simm.s32 $_tile_overlayer_lowered  }
0x9d: {  	s9 =	simm.s32 $0x1BFF;
	s21 =	sshll.u32 s8, $0x1;
	s6 =	sadd.s32 s6, s20  }
0x9e: {  	s22 =	simm.s32 $0x0;
	s7 =	sshll.u32 s7, $0x1;
	s8 =	sadd.s32 s21, s6  }
0x9f: {  	[timem:s22], [sflag:s9] =	dma.local [hbm:s8], s7  }
0xa0: {  	_ =	swait.ge [sflag:s9], s7  }
0xa1: {  	s7 =	ssub.s32 $0x0, s7;
	[sflag:s9] =	ssyncset.done $0x0  }
0xa2: {  	[sflag:s9] =	ssyncadd.s32 s7;
	_ =	sdelay $0x1  }
0xa3: {  	s23 =	simm.s32 $0x1B8B  }
0xa4: {  	_ =	swait.ge [sflag:s23], $0x1  }
0xa5: {  	[sflag:s23] =	ssyncset.done $0x0  }
0xa6: {  	[sflag:s23] =	ssyncadd.s32 $0xFFFFFFFF  }
0xa7: {  	s7 =	sld [smem:$0x0]  }
0xa8: {  	s8 =	sand.u32 $0xFFFFFFFE, s1  }
0xa9: {  	p0 =	sne.s32 s1, s8  }
0xaa: {  	s8 =	sshll.u32 @p0 s8, $0xE  }
0xab: {  	s8 =	sadd.s32 @p0 $0x11B8D, s8;
	s9 =	sshll.u32 @p0 s7, $0x11  }
0xac: {  	s8 =	sor.u32 @p0 s9, s8  }
0xad: {  	[sflag:s8] =	ssyncadd.remote.s32 @p0 $0x1;
	_ =	sdelay $0x1  }
0xae: {  	s8 =	simm.s32 @p0 $0x1B8D  }
0xaf: {  	_ =	swait.eq @p0 [sflag:s8], $0x1  }
0xb0: {  	[sflag:s8] =	ssyncadd.s32 @p0 $0xFFFFFFFF  }
0xb1: {  	s9 =	sshll.u32 @!p0 s1, $0xE  }
0xb2: {  	s9 =	sor.u32 @!p0 $0x4000, s9;
	s8 =	simm.s32 @!p0 $0x1B8D  }
0xb3: {  	s7 =	sshll.u32 @!p0 s7, $0x11;
	s9 =	sadd.s32 @!p0 $0x11B8D, s9;
	_ =	swait.eq @!p0 [sflag:s8], $0x1  }
0xb4: {  	s7 =	sor.u32 @!p0 s7, s9;
	[sflag:s8] =	ssyncadd.s32 @!p0 $0xFFFFFFFF  }
0xb5: {  	s25 =	simm.s32 $0x1B8E;
	s24 =	sld [smem:$0x3FFE];
	[sflag:s7] =	ssyncadd.remote.s32 @!p0 $0x1  }
0xb6: {  	s26 =	simm.s32 $execute0_lowered;
	[smem:$0x3FD2] =	sst s25  }
0xb7: {  	s8 =	sshll.u32 s26, $0x1;
	_ =	strace $0x80000049;
	[dreg:$0x1] =	wrdreg $0xFFFFFFFF  }
0xb8: {  	s28 =	simm.s32 $_size_execute0_lowered;
	s6 =	sadd.s32 s6, s8;
	[dreg:$0x0] =	wrdreg $0x0  }
0xb9: {  	s8 =	sshll.u32 s28, $0x1;
	[dreg:$0x2] =	wrdreg s6  }
0xba: {  	[dreg:$0x3] =	wrdreg s8  }
0xbb: {  	[dreg:$0x4] =	wrdreg $0xC0  }
0xbc: {  	_ =	task [dreg:s22], $0x5FFFF  }
0xbd: {  	[dreg:$0x1] =	wrdreg $0xFFFFFFFF  }
0xbe: {  	[dreg:$0x0] =	wrdreg $0x60  }
0xbf: {  	[dreg:$0x2] =	wrdreg s24  }
0xc0: {  	[dreg:$0x3] =	wrdreg s5  }
0xc1: {  	[dreg:$0x4] =	wrdreg s18  }
0xc2: {  	[dreg:$0x5] =	wrdreg s4  }
0xc3: {  	[dreg:$0x6] =	wrdreg $0xA  }
0xc4: {  	_ =	task.clear_ibuf [dreg:s22], $0x7FFFF;
	_ =	strace $0x90000049  }
0xc5: {  	s29 =	simm.s32 $0xA;
	_ =	strace $0x8000004B  }
0xc6: {  	_ =	swait.ge [sflag:s29], $0x1  }
0xc7: {  	[sflag:s29] =	ssyncadd.s32 $0xFFFFFFFF  }
0xc8: {  	_ =	strace $0x9000004B  }
0xc9: {  	_ =	sfence  }
0xca: {  	s30 =	sld [smem:$0x0];
	_ =	sdelay $0x2  }
0xcb: {  	s31 =	sshll.u32 s1, $0xD;
	s1 =	sshrl.u32 s1, $0x2  }
0xcc: {  	s4 =	sand.u32 $0x4000, s31;
	s1 =	sadd.s32 s1, s30  }
0xcd: {  	s0 =	sor.u32 s4, s0;
	s1 =	sshll.u32 s1, $0x11  }
0xce: {  	s0 =	sor.u32 s1, s0  }
0xcf: {  	s0 =	sadd.s32 $0x8F2B, s0  }
0xd0: {  	[sflag:s0] =	ssyncadd.remote.s32 $0x1  }
0xd1: {  	_ =	sfence.sel $0xFFFF  }
0xd2: {  	[dreg:$0x0] =	wrdreg $0xFFFFFFFF;
	(pc) =	sbr.abs _section_cstart, $3  }
0xd3: {  	[dreg:$0x1] =	wrdreg $0xFFFFFFFF  }
0xd4: {  	_ =	task.clear_ibuf [dreg:s22], $0x2FFFF;
	_ =	strace $0x9FFFFFFF  }
0xd5: {  	(tm) =	ssettm $0x7FFFFFFF  }
tec
execute0_lowered:
.L_overlay_start_1:
0x0: {  	(tag) =	ssettag $0x1  }
0x1: {  	s0 =	rddreg [dreg:$0x0]  }
0x2: {  	s1 =	rddreg [dreg:$0x1]  }
0x3: {  	s3 =	rddreg [dreg:$0x2]  }
0x4: {  	s4 =	rddreg [dreg:$0x3];
	s2 =	simm.s32 $0x0  }
0x5: {  	s5 =	srdreg.scid;
	s7 =	stileid.u32;
	s18 =	simm.s32 $0x200  }
0x6: {  	s11 =	simm.s32 $0x400;
	s10 =	simm.s32 $0x80;
	s12 =	simm.s32 $0x1600  }
0x7: {  	s30 =	simm.s32 $0x100;
	s13 =	simm.s32 $0x2600;
	s31 =	simm.s32 $0x180  }
0x8: {  	s14 =	simm.s32 $0x3600;
	s15 =	simm.s32 $0x4600;
	s23 =	simm.s32 $0x280  }
0x9: {  	s24 =	simm.s32 $0x5600;
	s25 =	simm.s32 $0x300;
	s26 =	simm.s32 $0x6600  }
0xa: {  	p0 =	por $0x0, $0x0;
	s28 =	simm.s32 $0x380;
	s29 =	simm.s32 $0x7600  }
0xb: {  	[smem:$0x7FF] =	sst s2;
	s6 =	sand.u32 $0x1, s5;
	s16 =	sadd.s32 $0x59000, s0  }
0xc: {  	s7 =	sshll.u32 s7, $0xA;
	s9 =	sadd.s32 $0xBAC00, s0;
	s8 =	sshll.u32 s6, $0x9  }
0xd: {  	s5 =	sadd.s32 $0x11C800, s0;
	s6 =	ssub.s32 $0x2, s6;
	s7 =	sor.u32 s8, s7  }
0xe: {  	_ =	strace $0x8000004A;
	s19 =	sshrl.u32 s6, $0x1;
	s8 =	sshll.u32 s7, $0x2  }
0xf: {  	s7 =	sshrl.u32 s7, $0x3;
	s6 =	ssub.s32 s6, s19;
	s19 =	simm.s32 $0x480  }
0x10: {  	s0 =	sadd.s32 s8, s0;
	s1 =	sadd.s32 s1, s7;
	s22 =	smax.u32 s6, $0x1  }
0x11: {  	s20 =	sadd.s32 s3, s7;
	s21 =	sadd.s32 s4, s7;
	p1 =	sne.s32 s22, $0x1  }
.Ltmp0:
0x12: {  	s3 =	simm.s32 $0x3;
	[dreg:$0x5] =	wrdreg s1;
	(pc) =	sbr.rel @!p1 .LBB2_3-.Ltmp0, $4  }
0x13: {  	s6 =	simm.s32 $0x600;
	s7 =	simm.s32 $0x1;
	[dreg:$0x6] =	wrdreg s20  }
0x14: {  	s17 =	sadd.s32 $0x17E400, s0;
	[dreg:$0x7] =	wrdreg s21;
	s8 =	sadd.s32 $0x2B4E00, s0  }
0x15: {  	s4 =	sadd.s32 $0x2C4E00, s0;
	s0 =	sadd.s32 $0xFFFFFFFF, s22;
	s22 =	simm.s32 $0x2  }
0x16: {  	s20 =	simm.s32 $0x500;
	s21 =	simm.s32 $0x580;
	s1 =	rddreg [dreg:$0x5]  }
0x17: {  	[tilespmem:s2], [sflag:$0x3] =	stream.linear.gather [hbm4b:s1+s2], $0x200, $0x38;
	[tilespmem:$0x8600] =	vst v63  }
0x18: {  	_ =	swait.ge [sflag:s3], $0x200  }
0x19: {  	[sflag:s3] =	ssyncset.done $0x0  }
0x1a: {  	s1 =	rddreg [dreg:$0x6];
	[sflag:s3] =	ssyncadd.s32 $0xFFFFFE00  }
0x1b: {  	[tilespmem:s18], [sflag:$0x3] =	stream.linear.gather [hbm4b:s1+s2], $0x200, $0x38;
	[tilespmem:$0x8600] =	vst v63  }
0x1c: {  	_ =	swait.ge [sflag:s3], $0x200  }
0x1d: {  	[sflag:s3] =	ssyncset.done $0x0  }
0x1e: {  	s1 =	rddreg [dreg:$0x7];
	[sflag:s3] =	ssyncadd.s32 $0xFFFFFE00  }
0x1f: {  	[tilespmem:s11], [sflag:$0x3] =	stream.linear.gather [hbm4b:s1+s2], $0x200, $0x38;
	[tilespmem:$0x8600] =	vst v63  }
0x20: {  	_ =	swait.ge [sflag:s3], $0x200  }
0x21: {  	[sflag:s3] =	ssyncset.done $0x0  }
0x22: {  	[sflag:s3] =	ssyncadd.s32 $0xFFFFFE00  }
0x23: {  	[tilespmem:s6], [sflag:$0x1] =	stream.indirect.gather [hbm4b:s16+s10], $0x20, s2, s10, $0xb8;
	[tilespmem:$0x8600] =	vst v63  }
0x24: {  	_ = 	snop  }
0x25: {  	[tilespmem:s12], [sflag:$0x1] =	stream.indirect.gather [hbm4b:s16+s10], $0x20, s10, s10, $0xb8;
	[tilespmem:$0x8600] =	vst v63  }
0x26: {  	_ = 	snop  }
0x27: {  	[tilespmem:s13], [sflag:$0x1] =	stream.indirect.gather [hbm4b:s16+s10], $0x20, s30, s10, $0xb8;
	[tilespmem:$0x8600] =	vst v63  }
0x28: {  	_ = 	snop  }
0x29: {  	[tilespmem:s14], [sflag:$0x1] =	stream.indirect.gather [hbm4b:s16+s10], $0x20, s31, s10, $0xb8;
	[tilespmem:$0x8600] =	vst v63  }
0x2a: {  	_ =	swait.ge [sflag:s7], $0x1000  }
0x2b: {  	[sflag:s7] =	ssyncset.done $0x0  }
0x2c: {  	[sflag:s7] =	ssyncadd.s32 $0xFFFFF000  }
0x2d: {  	_ =	swait.ge [sflag:s7], $0x1000  }
0x2e: {  	[sflag:s7] =	ssyncset.done $0x0  }
0x2f: {  	[sflag:s7] =	ssyncadd.s32 $0xFFFFF000  }
0x30: {  	_ =	swait.ge [sflag:s7], $0x1000  }
0x31: {  	[sflag:s7] =	ssyncset.done $0x0  }
0x32: {  	[sflag:s7] =	ssyncadd.s32 $0xFFFFF000  }
0x33: {  	_ =	swait.ge [sflag:s7], $0x1000  }
0x34: {  	[sflag:s7] =	ssyncset.done $0x0  }
0x35: {  	[sflag:s7] =	ssyncadd.s32 $0xFFFFF000  }
0x36: {  	[tilespmem:s15], [sflag:$0x2] =	stream.indirect.gather [hbm4b:s9+s10], $0x20, s18, s10, $0xb8;
	[tilespmem:$0x8600] =	vst v63  }
0x37: {  	_ = 	snop  }
0x38: {  	[tilespmem:s24], [sflag:$0x2] =	stream.indirect.gather [hbm4b:s9+s10], $0x20, s23, s10, $0xb8;
	[tilespmem:$0x8600] =	vst v63  }
0x39: {  	_ = 	snop  }
0x3a: {  	[tilespmem:s26], [sflag:$0x2] =	stream.indirect.gather [hbm4b:s9+s10], $0x20, s25, s10, $0xb8;
	[tilespmem:$0x8600] =	vst v63  }
0x3b: {  	_ = 	snop  }
0x3c: {  	[tilespmem:s29], [sflag:$0x2] =	stream.indirect.gather [hbm4b:s9+s10], $0x20, s28, s10, $0xb8;
	[tilespmem:$0x8600] =	vst v63  }
0x3d: {  	_ = 	snop  }
0x3e: {  	[hbm4b:s17+s2] =	stream.linear.scatter [tilespmem:s6], [sflag:$0x3], $0x4000, $0x38;
	[tilespmem:$0x8600] =	vst v63  }
0x3f: {  	_ =	swait.ge [sflag:s3], $0x4000  }
0x40: {  	[sflag:s3] =	ssyncset.done $0x0  }
0x41: {  	[sflag:s3] =	ssyncadd.s32 $0xFFFFC000  }
0x42: {  	_ =	swait.ge [sflag:s22], $0x1000  }
0x43: {  	[sflag:s22] =	ssyncset.done $0x0  }
0x44: {  	[sflag:s22] =	ssyncadd.s32 $0xFFFFF000  }
0x45: {  	_ =	swait.ge [sflag:s22], $0x1000  }
0x46: {  	[sflag:s22] =	ssyncset.done $0x0  }
0x47: {  	[sflag:s22] =	ssyncadd.s32 $0xFFFFF000  }
0x48: {  	_ =	swait.ge [sflag:s22], $0x1000  }
0x49: {  	[sflag:s22] =	ssyncset.done $0x0  }
0x4a: {  	[sflag:s22] =	ssyncadd.s32 $0xFFFFF000  }
0x4b: {  	_ =	swait.ge [sflag:s22], $0x1000  }
0x4c: {  	[sflag:s22] =	ssyncset.done $0x0  }
0x4d: {  	[sflag:s22] =	ssyncadd.s32 $0xFFFFF000  }
0x4e: {  	[tilespmem:s6], [sflag:$0x1] =	stream.indirect.gather [hbm4b:s5+s10], $0x20, s11, s10, $0xb8;
	[tilespmem:$0x8600] =	vst v63  }
0x4f: {  	_ = 	snop  }
0x50: {  	[tilespmem:s12], [sflag:$0x1] =	stream.indirect.gather [hbm4b:s5+s10], $0x20, s19, s10, $0xb8;
	[tilespmem:$0x8600] =	vst v63  }
0x51: {  	_ = 	snop  }
0x52: {  	[tilespmem:s13], [sflag:$0x1] =	stream.indirect.gather [hbm4b:s5+s10], $0x20, s20, s10, $0xb8;
	[tilespmem:$0x8600] =	vst v63  }
0x53: {  	_ = 	snop  }
0x54: {  	[tilespmem:s14], [sflag:$0x1] =	stream.indirect.gather [hbm4b:s5+s10], $0x20, s21, s10, $0xb8;
	[tilespmem:$0x8600] =	vst v63  }
0x55: {  	_ = 	snop  }
0x56: {  	[hbm4b:s8+s2] =	stream.linear.scatter [tilespmem:s15], [sflag:$0x3], $0x4000, $0x38;
	[tilespmem:$0x8600] =	vst v63  }
0x57: {  	_ =	swait.ge [sflag:s3], $0x4000  }
0x58: {  	[sflag:s3] =	ssyncset.done $0x0  }
0x59: {  	[sflag:s3] =	ssyncadd.s32 $0xFFFFC000  }
0x5a: {  	_ =	swait.ge [sflag:s7], $0x1000  }
0x5b: {  	[sflag:s7] =	ssyncset.done $0x0  }
0x5c: {  	[sflag:s7] =	ssyncadd.s32 $0xFFFFF000  }
0x5d: {  	_ =	swait.ge [sflag:s7], $0x1000  }
0x5e: {  	[sflag:s7] =	ssyncset.done $0x0  }
0x5f: {  	[sflag:s7] =	ssyncadd.s32 $0xFFFFF000  }
0x60: {  	_ =	swait.ge [sflag:s7], $0x1000  }
0x61: {  	[sflag:s7] =	ssyncset.done $0x0  }
0x62: {  	[sflag:s7] =	ssyncadd.s32 $0xFFFFF000  }
0x63: {  	p1 =	sne.s32 s0, $0x1;
	_ =	swait.ge [sflag:s7], $0x1000  }
.Ltmp1:
0x64: {  	[sflag:s7] =	ssyncset.done $0x0;
	(pc) =	sbr.rel @!p1 .LBB2_3-.Ltmp1, $4  }
0x65: {  	[sflag:s7] =	ssyncadd.s32 $0xFFFFF000  }
0x66: {  	[hbm4b:s4+s2] =	stream.linear.scatter [tilespmem:s6], [sflag:$0x3], $0x4000, $0x38;
	[tilespmem:$0x8600] =	vst v63  }
0x67: {  	s0 =	sadd.s32 $0xFFFFFFFF, s0;
	_ =	swait.ge [sflag:s3], $0x4000  }
0x68: {  	p0 =	por $0x1, $0x1;
	s1 =	rddreg [dreg:$0x5];
	[sflag:s3] =	ssyncset.done $0x0  }
.LBB2_2:
0x69: {  	[sflag:s3] =	ssyncadd.s32 $0xFFFFC000  }
0x6a: {  	[tilespmem:s2], [sflag:$0x3] =	stream.linear.gather [hbm4b:s1+s2], $0x200, $0x38;
	[tilespmem:$0x8600] =	vst v63  }
0x6b: {  	_ =	swait.ge [sflag:s3], $0x200  }
0x6c: {  	[sflag:s3] =	ssyncset.done $0x0  }
0x6d: {  	s1 =	rddreg [dreg:$0x6];
	[sflag:s3] =	ssyncadd.s32 $0xFFFFFE00  }
0x6e: {  	[tilespmem:s18], [sflag:$0x3] =	stream.linear.gather [hbm4b:s1+s2], $0x200, $0x38;
	[tilespmem:$0x8600] =	vst v63  }
0x6f: {  	_ =	swait.ge [sflag:s3], $0x200  }
0x70: {  	[sflag:s3] =	ssyncset.done $0x0  }
0x71: {  	s1 =	rddreg [dreg:$0x7];
	[sflag:s3] =	ssyncadd.s32 $0xFFFFFE00  }
0x72: {  	[tilespmem:s11], [sflag:$0x3] =	stream.linear.gather [hbm4b:s1+s2], $0x200, $0x38;
	[tilespmem:$0x8600] =	vst v63  }
0x73: {  	_ =	swait.ge [sflag:s3], $0x200  }
0x74: {  	[sflag:s3] =	ssyncset.done $0x0  }
0x75: {  	[sflag:s3] =	ssyncadd.s32 $0xFFFFFE00  }
0x76: {  	[tilespmem:s6], [sflag:$0x1] =	stream.indirect.gather [hbm4b:s16+s10], $0x20, s2, s10, $0xb8;
	[tilespmem:$0x8600] =	vst v63  }
0x77: {  	_ = 	snop  }
0x78: {  	[tilespmem:s12], [sflag:$0x1] =	stream.indirect.gather [hbm4b:s16+s10], $0x20, s10, s10, $0xb8;
	[tilespmem:$0x8600] =	vst v63  }
0x79: {  	_ = 	snop  }
0x7a: {  	[tilespmem:s13], [sflag:$0x1] =	stream.indirect.gather [hbm4b:s16+s10], $0x20, s30, s10, $0xb8;
	[tilespmem:$0x8600] =	vst v63  }
0x7b: {  	_ = 	snop  }
0x7c: {  	[tilespmem:s14], [sflag:$0x1] =	stream.indirect.gather [hbm4b:s16+s10], $0x20, s31, s10, $0xb8;
	[tilespmem:$0x8600] =	vst v63  }
0x7d: {  	_ =	swait.ge [sflag:s7], $0x1000  }
0x7e: {  	[sflag:s7] =	ssyncset.done $0x0  }
0x7f: {  	[sflag:s7] =	ssyncadd.s32 $0xFFFFF000  }
0x80: {  	_ =	swait.ge [sflag:s7], $0x1000  }
0x81: {  	[sflag:s7] =	ssyncset.done $0x0  }
0x82: {  	[sflag:s7] =	ssyncadd.s32 $0xFFFFF000  }
0x83: {  	_ =	swait.ge [sflag:s7], $0x1000  }
0x84: {  	[sflag:s7] =	ssyncset.done $0x0  }
0x85: {  	[sflag:s7] =	ssyncadd.s32 $0xFFFFF000  }
0x86: {  	_ =	swait.ge [sflag:s7], $0x1000  }
0x87: {  	[sflag:s7] =	ssyncset.done $0x0  }
0x88: {  	[sflag:s7] =	ssyncadd.s32 $0xFFFFF000  }
0x89: {  	[tilespmem:s15], [sflag:$0x2] =	stream.indirect.gather [hbm4b:s9+s10], $0x20, s18, s10, $0xb8;
	[tilespmem:$0x8600] =	vst v63  }
0x8a: {  	_ = 	snop  }
0x8b: {  	[tilespmem:s24], [sflag:$0x2] =	stream.indirect.gather [hbm4b:s9+s10], $0x20, s23, s10, $0xb8;
	[tilespmem:$0x8600] =	vst v63  }
0x8c: {  	_ = 	snop  }
0x8d: {  	[tilespmem:s26], [sflag:$0x2] =	stream.indirect.gather [hbm4b:s9+s10], $0x20, s25, s10, $0xb8;
	[tilespmem:$0x8600] =	vst v63  }
0x8e: {  	_ = 	snop  }
0x8f: {  	[tilespmem:s29], [sflag:$0x2] =	stream.indirect.gather [hbm4b:s9+s10], $0x20, s28, s10, $0xb8;
	[tilespmem:$0x8600] =	vst v63  }
0x90: {  	_ = 	snop  }
0x91: {  	[hbm4b:s17+s2] =	stream.linear.scatter [tilespmem:s6], [sflag:$0x3], $0x4000, $0x38;
	[tilespmem:$0x8600] =	vst v63  }
0x92: {  	_ =	swait.ge [sflag:s3], $0x4000  }
0x93: {  	[sflag:s3] =	ssyncset.done $0x0  }
0x94: {  	[sflag:s3] =	ssyncadd.s32 $0xFFFFC000  }
0x95: {  	_ =	swait.ge [sflag:s22], $0x1000  }
0x96: {  	[sflag:s22] =	ssyncset.done $0x0  }
0x97: {  	[sflag:s22] =	ssyncadd.s32 $0xFFFFF000  }
0x98: {  	_ =	swait.ge [sflag:s22], $0x1000  }
0x99: {  	[sflag:s22] =	ssyncset.done $0x0  }
0x9a: {  	[sflag:s22] =	ssyncadd.s32 $0xFFFFF000  }
0x9b: {  	_ =	swait.ge [sflag:s22], $0x1000  }
0x9c: {  	[sflag:s22] =	ssyncset.done $0x0  }
0x9d: {  	[sflag:s22] =	ssyncadd.s32 $0xFFFFF000  }
0x9e: {  	_ =	swait.ge [sflag:s22], $0x1000  }
0x9f: {  	[sflag:s22] =	ssyncset.done $0x0  }
0xa0: {  	[sflag:s22] =	ssyncadd.s32 $0xFFFFF000  }
0xa1: {  	[tilespmem:s6], [sflag:$0x1] =	stream.indirect.gather [hbm4b:s5+s10], $0x20, s11, s10, $0xb8;
	[tilespmem:$0x8600] =	vst v63  }
0xa2: {  	_ = 	snop  }
0xa3: {  	[tilespmem:s12], [sflag:$0x1] =	stream.indirect.gather [hbm4b:s5+s10], $0x20, s19, s10, $0xb8;
	[tilespmem:$0x8600] =	vst v63  }
0xa4: {  	_ = 	snop  }
0xa5: {  	[tilespmem:s13], [sflag:$0x1] =	stream.indirect.gather [hbm4b:s5+s10], $0x20, s20, s10, $0xb8;
	[tilespmem:$0x8600] =	vst v63  }
0xa6: {  	_ = 	snop  }
0xa7: {  	[tilespmem:s14], [sflag:$0x1] =	stream.indirect.gather [hbm4b:s5+s10], $0x20, s21, s10, $0xb8;
	[tilespmem:$0x8600] =	vst v63  }
0xa8: {  	_ = 	snop  }
0xa9: {  	[hbm4b:s8+s2] =	stream.linear.scatter [tilespmem:s15], [sflag:$0x3], $0x4000, $0x38;
	[tilespmem:$0x8600] =	vst v63  }
0xaa: {  	_ =	swait.ge [sflag:s3], $0x4000  }
0xab: {  	[sflag:s3] =	ssyncset.done $0x0  }
0xac: {  	[sflag:s3] =	ssyncadd.s32 $0xFFFFC000  }
0xad: {  	_ =	swait.ge [sflag:s7], $0x1000  }
0xae: {  	[sflag:s7] =	ssyncset.done $0x0  }
0xaf: {  	[sflag:s7] =	ssyncadd.s32 $0xFFFFF000  }
0xb0: {  	_ =	swait.ge [sflag:s7], $0x1000  }
0xb1: {  	[sflag:s7] =	ssyncset.done $0x0  }
0xb2: {  	[sflag:s7] =	ssyncadd.s32 $0xFFFFF000  }
0xb3: {  	_ =	swait.ge [sflag:s7], $0x1000  }
0xb4: {  	[sflag:s7] =	ssyncset.done $0x0  }
0xb5: {  	[sflag:s7] =	ssyncadd.s32 $0xFFFFF000  }
0xb6: {  	p1 =	sne.s32 s0, $0x1;
	_ =	swait.ge [sflag:s7], $0x1000  }
.Ltmp2:
0xb7: {  	[sflag:s7] =	ssyncset.done $0x0;
	(pc) =	sbr.rel @p1 .LBB2_2-.Ltmp2, $4  }
0xb8: {  	[sflag:s7] =	ssyncadd.s32 $0xFFFFF000  }
0xb9: {  	[hbm4b:s4+s2] =	stream.linear.scatter [tilespmem:s6], [sflag:$0x3], $0x4000, $0x38;
	[tilespmem:$0x8600] =	vst v63  }
0xba: {  	_ =	swait.ge [sflag:s3], $0x4000  }
0xbb: {  	s0 =	sadd.s32 $0xFFFFFFFF, s0;
	s1 =	rddreg [dreg:$0x5];
	[sflag:s3] =	ssyncset.done $0x0  }
.LBB2_3:
0xbc: {  	[sflag:s3] =	ssyncadd.s32 @p0 $0xFFFFC000  }
0xbd: {  	[tilespmem:s2], [sflag:$0x3] =	stream.linear.gather [hbm4b:s1+s2], $0x200, $0x38;
	[tilespmem:$0x8600] =	vst v63  }
0xbe: {  	_ =	swait.ge [sflag:s3], $0x200  }
0xbf: {  	[sflag:s3] =	ssyncset.done $0x0  }
0xc0: {  	s0 =	rddreg [dreg:$0x6];
	[sflag:s3] =	ssyncadd.s32 $0xFFFFFE00  }
0xc1: {  	[tilespmem:s18], [sflag:$0x3] =	stream.linear.gather [hbm4b:s0+s2], $0x200, $0x38;
	[tilespmem:$0x8600] =	vst v63  }
0xc2: {  	_ =	swait.ge [sflag:s3], $0x200  }
0xc3: {  	[sflag:s3] =	ssyncset.done $0x0  }
0xc4: {  	s1 =	rddreg [dreg:$0x7];
	[sflag:s3] =	ssyncadd.s32 $0xFFFFFE00  }
0xc5: {  	[tilespmem:s11], [sflag:$0x3] =	stream.linear.gather [hbm4b:s1+s2], $0x200, $0x38;
	[tilespmem:$0x8600] =	vst v63  }
0xc6: {  	_ =	swait.ge [sflag:s3], $0x200  }
0xc7: {  	[sflag:s3] =	ssyncset.done $0x0  }
0xc8: {  	[sflag:s3] =	ssyncadd.s32 $0xFFFFFE00  }
0xc9: {  	[tilespmem:s6], [sflag:$0x1] =	stream.indirect.gather [hbm4b:s16+s10], $0x20, s2, s10, $0xb8;
	[tilespmem:$0x8600] =	vst v63  }
0xca: {  	_ = 	snop  }
0xcb: {  	[tilespmem:s12], [sflag:$0x1] =	stream.indirect.gather [hbm4b:s16+s10], $0x20, s10, s10, $0xb8;
	[tilespmem:$0x8600] =	vst v63  }
0xcc: {  	_ = 	snop  }
0xcd: {  	[tilespmem:s13], [sflag:$0x1] =	stream.indirect.gather [hbm4b:s16+s10], $0x20, s30, s10, $0xb8;
	[tilespmem:$0x8600] =	vst v63  }
0xce: {  	_ = 	snop  }
0xcf: {  	[tilespmem:s14], [sflag:$0x1] =	stream.indirect.gather [hbm4b:s16+s10], $0x20, s31, s10, $0xb8;
	[tilespmem:$0x8600] =	vst v63  }
0xd0: {  	_ =	swait.ge [sflag:s7], $0x1000  }
0xd1: {  	[sflag:s7] =	ssyncset.done $0x0  }
0xd2: {  	[sflag:s7] =	ssyncadd.s32 $0xFFFFF000  }
0xd3: {  	_ =	swait.ge [sflag:s7], $0x1000  }
0xd4: {  	[sflag:s7] =	ssyncset.done $0x0  }
0xd5: {  	[sflag:s7] =	ssyncadd.s32 $0xFFFFF000  }
0xd6: {  	_ =	swait.ge [sflag:s7], $0x1000  }
0xd7: {  	[sflag:s7] =	ssyncset.done $0x0  }
0xd8: {  	[sflag:s7] =	ssyncadd.s32 $0xFFFFF000  }
0xd9: {  	_ =	swait.ge [sflag:s7], $0x1000  }
0xda: {  	[sflag:s7] =	ssyncset.done $0x0  }
0xdb: {  	[sflag:s7] =	ssyncadd.s32 $0xFFFFF000  }
0xdc: {  	[tilespmem:s15], [sflag:$0x2] =	stream.indirect.gather [hbm4b:s9+s10], $0x20, s18, s10, $0xb8;
	[tilespmem:$0x8600] =	vst v63  }
0xdd: {  	_ = 	snop  }
0xde: {  	[tilespmem:s24], [sflag:$0x2] =	stream.indirect.gather [hbm4b:s9+s10], $0x20, s23, s10, $0xb8;
	[tilespmem:$0x8600] =	vst v63  }
0xdf: {  	_ = 	snop  }
0xe0: {  	[tilespmem:s26], [sflag:$0x2] =	stream.indirect.gather [hbm4b:s9+s10], $0x20, s25, s10, $0xb8;
	[tilespmem:$0x8600] =	vst v63  }
0xe1: {  	_ = 	snop  }
0xe2: {  	[tilespmem:s29], [sflag:$0x2] =	stream.indirect.gather [hbm4b:s9+s10], $0x20, s28, s10, $0xb8;
	[tilespmem:$0x8600] =	vst v63  }
0xe3: {  	_ = 	snop  }
0xe4: {  	[hbm4b:s17+s2] =	stream.linear.scatter [tilespmem:s6], [sflag:$0x3], $0x4000, $0x38;
	[tilespmem:$0x8600] =	vst v63  }
0xe5: {  	_ =	swait.ge [sflag:s3], $0x4000  }
0xe6: {  	[sflag:s3] =	ssyncset.done $0x0  }
0xe7: {  	[sflag:s3] =	ssyncadd.s32 $0xFFFFC000  }
0xe8: {  	_ =	swait.ge [sflag:s22], $0x1000  }
0xe9: {  	[sflag:s22] =	ssyncset.done $0x0  }
0xea: {  	[sflag:s22] =	ssyncadd.s32 $0xFFFFF000  }
0xeb: {  	_ =	swait.ge [sflag:s22], $0x1000  }
0xec: {  	[sflag:s22] =	ssyncset.done $0x0  }
0xed: {  	[sflag:s22] =	ssyncadd.s32 $0xFFFFF000  }
0xee: {  	_ =	swait.ge [sflag:s22], $0x1000  }
0xef: {  	[sflag:s22] =	ssyncset.done $0x0  }
0xf0: {  	[sflag:s22] =	ssyncadd.s32 $0xFFFFF000  }
0xf1: {  	_ =	swait.ge [sflag:s22], $0x1000  }
0xf2: {  	[sflag:s22] =	ssyncset.done $0x0  }
0xf3: {  	[sflag:s22] =	ssyncadd.s32 $0xFFFFF000  }
0xf4: {  	[tilespmem:s6], [sflag:$0x1] =	stream.indirect.gather [hbm4b:s5+s10], $0x20, s11, s10, $0xb8;
	[tilespmem:$0x8600] =	vst v63  }
0xf5: {  	_ = 	snop  }
0xf6: {  	[tilespmem:s12], [sflag:$0x1] =	stream.indirect.gather [hbm4b:s5+s10], $0x20, s19, s10, $0xb8;
	[tilespmem:$0x8600] =	vst v63  }
0xf7: {  	_ = 	snop  }
0xf8: {  	[tilespmem:s13], [sflag:$0x1] =	stream.indirect.gather [hbm4b:s5+s10], $0x20, s20, s10, $0xb8;
	[tilespmem:$0x8600] =	vst v63  }
0xf9: {  	_ = 	snop  }
0xfa: {  	[tilespmem:s14], [sflag:$0x1] =	stream.indirect.gather [hbm4b:s5+s10], $0x20, s21, s10, $0xb8;
	[tilespmem:$0x8600] =	vst v63  }
0xfb: {  	_ = 	snop  }
0xfc: {  	[hbm4b:s8+s2] =	stream.linear.scatter [tilespmem:s15], [sflag:$0x3], $0x4000, $0x38;
	[tilespmem:$0x8600] =	vst v63  }
0xfd: {  	_ =	swait.ge [sflag:s3], $0x4000  }
0xfe: {  	[sflag:s3] =	ssyncset.done $0x0  }
0xff: {  	[sflag:s3] =	ssyncadd.s32 $0xFFFFC000  }
0x100: {  	_ =	swait.ge [sflag:s7], $0x1000  }
0x101: {  	[sflag:s7] =	ssyncset.done $0x0  }
0x102: {  	[sflag:s7] =	ssyncadd.s32 $0xFFFFF000  }
0x103: {  	_ =	swait.ge [sflag:s7], $0x1000  }
0x104: {  	[sflag:s7] =	ssyncset.done $0x0  }
0x105: {  	[sflag:s7] =	ssyncadd.s32 $0xFFFFF000  }
0x106: {  	_ =	swait.ge [sflag:s7], $0x1000  }
0x107: {  	[sflag:s7] =	ssyncset.done $0x0  }
0x108: {  	[sflag:s7] =	ssyncadd.s32 $0xFFFFF000  }
0x109: {  	_ =	swait.ge [sflag:s7], $0x1000  }
0x10a: {  	[sflag:s7] =	ssyncset.done $0x0  }
0x10b: {  	[sflag:s7] =	ssyncadd.s32 $0xFFFFF000  }
0x10c: {  	[hbm4b:s4+s2] =	stream.linear.scatter [tilespmem:s6], [sflag:$0x3], $0x4000, $0x38;
	[tilespmem:$0x8600] =	vst v63  }
0x10d: {  	_ =	swait.ge [sflag:s3], $0x4000  }
0x10e: {  	[sflag:s3] =	ssyncset.done $0x0  }
0x10f: {  	[sflag:s3] =	ssyncadd.s32 $0xFFFFC000  }
0x110: {  	_ =	sfence.sel $0x180000  }
0x111: {  	[bflag:$0x0] =	sbarrier.arrive $0xFFFF  }
0x112: {  	_ =	strace $0x9000004A  }
0x113: {  	s31 =	stileid.u32;
	[bflag:$0x2] =	sbarrier.arrive $0xFFFF  }
0x114: {  	p0 =	sne.s32 s31, $0x0;
	s0 =	rddreg [dreg:$0x4]  }
0x115: {  	s0 =	sadd.s32 @!p0 $0x100000, s0  }
0x116: {  	[sflag:s0] =	ssyncadd.tile.s32 @!p0 $0x1;
	_ =	shalt  }
.Lfunc_end2:
_tile_overlayer_lowered:
.L_overlay_start_2:
0x117: {  	(tag) =	ssettag $0x2  }
0x118: {  	s0 =	rddreg [dreg:$0x0];
	s2 =	stileid.u32  }
0x119: {  	s1 =	rddreg [dreg:$0x1];
	p0 =	sne.s32 s2, $0x0  }
0x11a: {  	s3 =	rddreg [dreg:$0x2];
	[bflag:$0x3] =	sbarrier.arrive $0xFFFF;
	s2 =	simm.s32 @!p0 $0x1C03  }
0x11b: {  	[timem:s3], [sflag:s2] =	dma.local @!p0 [hbm:s0], s1  }
0x11c: {  	s0 =	simm.s32 @!p0 $0x3  }
0x11d: {  	_ =	swait.ge @!p0 [sflag:s0], s1  }
0x11e: {  	s1 =	ssub.s32 @!p0 $0x0, s1;
	[sflag:s0] =	ssyncset.done @!p0 $0x0  }
0x11f: {  	[sflag:s0] =	ssyncadd.s32 @!p0 s1  }
0x120: {  	[bflag:$0x3] =	sbarrier.arrive $0xFFFF  }
0x121: {  	_ =	shalt  }

</sc_bundles>
